<compile_context>
chip_gen: v7x
topology: tpu7x:2x2x1
jax: 0.10.2.dev20260603
libtpu: 0.0.44.dev20260713+nightly
codegen_flags: <defaults>
</compile_context>

<pallas_src>
import functools
import math

import jax
import jax.numpy as jnp
from jax import lax
from jax.experimental import pallas as pl
from jax.experimental.pallas import tpu as pltpu
from jax.experimental.pallas import tpu_sc as plsc

N_NODES = 10000
N_PAD = 10240
E = 320000
INV_SQRT8 = 1.0 / math.sqrt(8.0)

_EB = 6400


def _mix_body(shT_ref, w_ref, o_ref):
    shT = shT_ref[...]
    w = w_ref[...]
    kk = lax.broadcasted_iota(jnp.int32, (8, 128), 0)
    cc = lax.broadcasted_iota(jnp.int32, (8, 128), 1)
    R = ((cc // 8) % 8 == kk).astype(jnp.float32)
    shb = lax.dot_general(
        shT, R, (((0,), (0,)), ((), ())),
        preferred_element_type=jnp.float32)
    p = shb * w
    p8 = p.reshape(_EB // 8, 1024)
    a1 = lax.broadcasted_iota(jnp.int32, (1024, 128), 0) // 128
    a2 = lax.broadcasted_iota(jnp.int32, (1024, 128), 1) // 16
    c3 = lax.broadcasted_iota(jnp.int32, (1024, 128), 0) % 128
    d3 = lax.broadcasted_iota(jnp.int32, (1024, 128), 1) % 16
    S8 = ((a1 == a2) & (c3 // 64 == d3 // 8)
          & (c3 % 8 == d3 % 8)).astype(jnp.float32)
    o_ref[...] = jnp.dot(
        p8.astype(jnp.bfloat16), S8.astype(jnp.bfloat16),
        preferred_element_type=jnp.float32) * INV_SQRT8


def _mix_call(edge_sh, weight):
    eshT = edge_sh.T
    return pl.pallas_call(
        _mix_body,
        grid=(E // _EB,),
        in_specs=[
            pl.BlockSpec((8, _EB), lambda i: (0, i)),
            pl.BlockSpec((_EB, 128), lambda i: (i, 0)),
        ],
        out_specs=pl.BlockSpec((_EB // 8, 128), lambda i: (i, 0)),
        out_shape=jax.ShapeDtypeStruct((E // 8, 128), jnp.float32),
    )(eshT, weight)


def _add_body(p_ref, o_ref):
    o_ref[...] = p_ref[0] + p_ref[1]


def _add_call(partials):
    p8 = partials.reshape(2, N_PAD * 16 // 128, 128)
    return pl.pallas_call(
        _add_body,
        out_shape=jax.ShapeDtypeStruct((N_PAD * 16 // 128, 128), jnp.float32),
    )(p8)


_NC = 2
_NS = 16
_NW = _NC * _NS
_EPW = E // _NW
_SC_CHUNK = 128
_SC_FULL = _EPW // _SC_CHUNK
_SC_TAIL = _EPW - _SC_FULL * _SC_CHUNK
_ROWS_PT = N_PAD // _NS

_sc_mesh = plsc.VectorSubcoreMesh(core_axis_name="c", subcore_axis_name="s")
_sc_params = pltpu.CompilerParams(
    needs_layout_passes=False, use_tc_tiling_on_sc=False
)


@functools.partial(
    pl.kernel,
    mesh=_sc_mesh,
    compiler_params=_sc_params,
    out_type=jax.ShapeDtypeStruct((_NC, N_PAD, 16), jnp.float32),
    scratch_types=[
        pltpu.VMEM_SHARED((N_PAD, 16), jnp.float32),
        pltpu.VMEM((_ROWS_PT, 16), jnp.float32),
        pltpu.VMEM((_SC_CHUNK,), jnp.int32),
        pltpu.VMEM((_SC_CHUNK,), jnp.int32),
        pltpu.VMEM((_SC_CHUNK, 16), jnp.float32),
        pltpu.VMEM((_SC_CHUNK, 16), jnp.float32),
        pltpu.SemaphoreType.DMA,
        pltpu.SemaphoreType.DMA,
        pltpu.SemaphoreType.DMA,
        pltpu.SemaphoreType.DMA,
    ],
)
def _scatter_kernel(mix_hbm, ei_hbm, part_hbm, table, zed,
                    idx0, idx1, rows0, rows1, is0, is1, rs0, rs1):
    cid = lax.axis_index("c")
    sid = lax.axis_index("s")
    wid = sid * _NC + cid
    idxb, rowsb = (idx0, idx1), (rows0, rows1)
    isem, rsem = (is0, is1), (rs0, rs1)

    z16 = jnp.zeros((16,), jnp.float32)

    def _z(i, _):
        zed[i, :] = z16
        return 0

    lax.fori_loop(0, _ROWS_PT, _z, 0)
    pltpu.sync_copy(zed, table.at[pl.ds(sid * _ROWS_PT, _ROWS_PT)])
    plsc.subcore_barrier()

    base = wid * _EPW

    def _load(c, b):
        off = pl.multiple_of(base + c * _SC_CHUNK, 8)
        pltpu.async_copy(ei_hbm.at[0, pl.ds(off, _SC_CHUNK)], idxb[b], isem[b])
        pltpu.async_copy(mix_hbm.at[pl.ds(off, _SC_CHUNK)], rowsb[b], rsem[b])

    _load(0, 0)
    _load(1, 1)

    def _body(cc, _):
        for b in range(2):
            c = cc * 2 + b
            pltpu.make_async_copy(
                ei_hbm.at[0, pl.ds(base, _SC_CHUNK)], idxb[b], isem[b]).wait()
            pltpu.make_async_copy(
                mix_hbm.at[pl.ds(base, _SC_CHUNK)], rowsb[b], rsem[b]).wait()
            pltpu.sync_copy(rowsb[b], table.at[idxb[b]], add=True)

            @pl.when(c + 2 < _SC_FULL)
            def _():
                _load(c + 2, b)

        return 0

    lax.fori_loop(0, _SC_FULL // 2, _body, 0)

    if _SC_TAIL:
        toff = base + _SC_FULL * _SC_CHUNK
        pltpu.sync_copy(ei_hbm.at[0, pl.ds(toff, _SC_TAIL)],
                        idx0.at[pl.ds(0, _SC_TAIL)])
        pltpu.sync_copy(mix_hbm.at[pl.ds(toff, _SC_TAIL)],
                        rows0.at[pl.ds(0, _SC_TAIL)])
        pltpu.sync_copy(rows0.at[pl.ds(0, _SC_TAIL)],
                        table.at[idx0.at[pl.ds(0, _SC_TAIL)]], add=True)
    plsc.subcore_barrier()

    pltpu.sync_copy(
        table.at[pl.ds(sid * _ROWS_PT, _ROWS_PT)],
        part_hbm.at[cid, pl.ds(sid * _ROWS_PT, _ROWS_PT)],
    )


_GC = 64
_EH = E // 2
_EPW_G = _EH // _NW
_G_FULL = _EPW_G // _GC
_G_TAIL = _EPW_G - _G_FULL * _GC
_STG_PT = 2 * N_PAD // _NS


def _make_gather(hpart):
  @functools.partial(
    pl.kernel,
    mesh=_sc_mesh,
    compiler_params=_sc_params,
    out_type=jax.ShapeDtypeStruct((2 * _EH, 8), jnp.float32),
    scratch_types=[
        pltpu.VMEM_SHARED((2 * N_PAD, 8), jnp.float32),
        pltpu.VMEM((_STG_PT, 8), jnp.float32),
        pltpu.VMEM((_GC,), jnp.int32),
        pltpu.VMEM((_GC,), jnp.int32),
        pltpu.VMEM((_GC,), jnp.int32),
        pltpu.VMEM((_GC,), jnp.int32),
        pltpu.VMEM((2 * _GC,), jnp.int32),
        pltpu.VMEM((2 * _GC,), jnp.int32),
        pltpu.VMEM((2 * _GC, 8), jnp.float32),
        pltpu.VMEM((2 * _GC, 8), jnp.float32),
        pltpu.SemaphoreType.DMA,
        pltpu.SemaphoreType.DMA,
        pltpu.SemaphoreType.DMA,
        pltpu.SemaphoreType.DMA,
        pltpu.SemaphoreType.DMA,
        pltpu.SemaphoreType.DMA,
    ],
  )
  def _gather_kernel(m8_hbm, ei_hbm, out_hbm, table, stg,
                     ii0, ii1, ij0, ij1, cx0, cx1, rw0, rw1,
                     il0, il1, gs0, gs1, os0, os1):
      cid = lax.axis_index("c")
      sid = lax.axis_index("s")
      wid = sid * _NC + cid
      iib, ijb = (ii0, ii1), (ij0, ij1)
      cxb, rwb = (cx0, cx1), (rw0, rw1)
      ilsem, gsem, osem = (il0, il1), (gs0, gs1), (os0, os1)

      lane = lax.iota(jnp.int32, 16)

      r0 = sid * _STG_PT
      pltpu.sync_copy(m8_hbm.at[pl.ds(r0, _STG_PT)], stg)
      pltpu.sync_copy(stg, table.at[pl.ds(r0, _STG_PT)])
      plsc.subcore_barrier()

      half = lax.shift_right_logical(lane, 1)
      even = (lane & 1) == 0
      base = hpart * _EH + wid * _EPW_G

      def _load_idx(c, b):
          eoff = pl.multiple_of(base + c * _GC, 8)
          pltpu.async_copy(ei_hbm.at[0, pl.ds(eoff, _GC)], iib[b], ilsem[b])
          pltpu.async_copy(ei_hbm.at[1, pl.ds(eoff, _GC)], ijb[b], ilsem[b])

      def _build_cidx(b, n_edges):
          for g in range(n_edges // 8):
              idxg = half + (8 * g)
              va = plsc.load_gather(iib[b], [idxg])
              vb = plsc.load_gather(ijb[b], [idxg])
              cxb[b][pl.ds(16 * g, 16)] = jnp.where(even, 2 * va, 2 * vb + 1)

      _load_idx(0, 0)
      _load_idx(1, 1)

      def _body(cc, _):
          for b in range(2):
              c = cc * 2 + b
              pltpu.make_async_copy(
                  ei_hbm.at[0, pl.ds(base, _GC)], iib[b], ilsem[b]).wait()
              pltpu.make_async_copy(
                  ei_hbm.at[1, pl.ds(base, _GC)], ijb[b], ilsem[b]).wait()
              _build_cidx(b, _GC)

              @pl.when(c >= 2)
              def _():
                  pltpu.make_async_copy(
                      rwb[b], out_hbm.at[pl.ds(0, 2 * _GC)], osem[b]).wait()

              pltpu.async_copy(table.at[cxb[b]], rwb[b], gsem[b])

              @pl.when(c + 2 < _G_FULL)
              def _():
                  _load_idx(c + 2, b)

              eoff = pl.multiple_of(base + c * _GC, 8)
              pltpu.make_async_copy(table.at[cxb[b]], rwb[b], gsem[b]).wait()
              pltpu.async_copy(rwb[b], out_hbm.at[pl.ds(2 * (eoff - hpart * _EH), 2 * _GC)],
                               osem[b])
          return 0

      lax.fori_loop(0, _G_FULL // 2, _body, 0)
      for b in range(2):
          pltpu.make_async_copy(
              rwb[b], out_hbm.at[pl.ds(0, 2 * _GC)], osem[b]).wait()

      if _G_TAIL:
          eoff = base + _G_FULL * _GC
          pltpu.sync_copy(ei_hbm.at[0, pl.ds(eoff, _G_TAIL)],
                          ii0.at[pl.ds(0, _G_TAIL)])
          pltpu.sync_copy(ei_hbm.at[1, pl.ds(eoff, _G_TAIL)],
                          ij0.at[pl.ds(0, _G_TAIL)])
          _build_cidx(0, _G_TAIL)
          pltpu.async_copy(
              table.at[cx0.at[pl.ds(0, 2 * _G_TAIL)]],
              rw0.at[pl.ds(0, 2 * _G_TAIL)], gs0).wait()
          pltpu.sync_copy(rw0.at[pl.ds(0, 2 * _G_TAIL)],
                          out_hbm.at[pl.ds(2 * (eoff - hpart * _EH), 2 * _G_TAIL)])

  return _gather_kernel


_gather_half0 = _make_gather(0)
_gather_half1 = _make_gather(1)


_UB = 6400


def _unpack_body(v_ref, o_ref):
    v = v_ref[...]
    r0 = lax.broadcasted_iota(jnp.int32, (128, 1024), 0)
    c0 = lax.broadcasted_iota(jnp.int32, (128, 1024), 1)
    Q = ((r0 // 16 == c0 // 128) & (c0 % 128 == r0 % 16)).astype(jnp.float32)
    u = jnp.dot(v.astype(jnp.bfloat16), Q.astype(jnp.bfloat16),
                preferred_element_type=jnp.float32)
    m = u.reshape(_UB, 128)[:, :16]
    o_ref[...] = m.T


def _unpack_a(out8a):
    v = out8a.reshape(_EH // 8, 128)
    return pl.pallas_call(
        _unpack_body,
        grid=(_EH // _UB,),
        in_specs=[pl.BlockSpec((_UB // 8, 128), lambda i: (i, 0))],
        out_specs=pl.BlockSpec((16, _UB), lambda i: (0, i)),
        out_shape=jax.ShapeDtypeStruct((16, E), jnp.float32),
    )(v)


def _unpack_b(out8b, prev):
    v = out8b.reshape(_EH // 8, 128)

    def body(v_ref, prev_ref, o_ref):
        _unpack_body(v_ref, o_ref)

    nb = _EH // _UB
    outT = pl.pallas_call(
        body,
        grid=(nb,),
        in_specs=[
            pl.BlockSpec((_UB // 8, 128), lambda i: (i, 0)),
            pl.BlockSpec(memory_space=pl.ANY),
        ],
        out_specs=pl.BlockSpec((16, _UB), lambda i: (0, i + nb)),
        out_shape=jax.ShapeDtypeStruct((16, E), jnp.float32),
        input_output_aliases={1: 0},
    )(v, prev)
    return outT.T


def kernel(edge_sh, weight, edge_index):
    mix8 = _mix_call(edge_sh, weight)
    mix = mix8.reshape(E, 16)
    partials = _scatter_kernel(mix, edge_index)
    merged = _add_call(partials)
    m8 = merged.reshape(2 * N_PAD, 8)
    out8a = _gather_half0(m8, edge_index)
    pa = _unpack_a(out8a)
    out8b = _gather_half1(m8, edge_index)
    return _unpack_b(out8b, pa)

# --- scband reference (transcript-rebuilt; emitter-appended) ---
"""Pipeline reference for scband-aggr-edge-sh-71356586656064 (READ-ONLY COPY).

The authoritative reference and input builder live on the scoring server;
editing this copy changes nothing except your own understanding.
"""

import jax, jax.numpy as jnp
import numpy as np

N_NODES = 10000
E = 320000
D_IN = 8
D_OUT = 8
WNUM = D_IN * D_OUT  # weight_numel of the e3nn Linear (8x0e -> 8x0e, single instruction)


def setup_inputs(seed: int = 0) -> dict:
    key = jax.random.key(seed)
    k1, k2, k3 = jax.random.split(key, 3)
    edge_sh = jax.random.normal(k1, (E, D_IN), dtype=jnp.float32)
    # per-edge external weights: first half for mix_i, second half for mix_j
    weight = jax.random.normal(k2, (E, 2 * WNUM), dtype=jnp.float32)
    edge_index = jax.random.randint(k3, (2, E), 0, N_NODES)
    return {"edge_sh": edge_sh, "weight": weight, "edge_index": edge_index}


def _mix_neighbor(edge_sh, w):
    # e3nn o3.Linear with irreps '8x0e' -> '8x0e', shared_weights=False,
    # internal_weights=False, no biases. Single instruction (0,0) with
    # path normalization 1/sqrt(fan_in) = 1/sqrt(mul_in).
    Wm = w.reshape(-1, D_IN, D_OUT)
    return jnp.einsum('ei,eio->eo', edge_sh, Wm) / jnp.sqrt(float(D_IN))


def reference(edge_sh, weight, edge_index):
    index_i = edge_index[0]
    index_j = edge_index[1]
    len_weight = weight.shape[-1]
    assert len_weight % 2 == 0
    edge_sh_neighbor_i = _mix_neighbor(edge_sh, weight[:, : len_weight // 2])
    edge_sh_neighbor_j = _mix_neighbor(edge_sh, weight[:, len_weight // 2 :])
    # NOTE: original code scatters BOTH tensors by index_i (faithful to source)
    node_sh_neighbor_i = jax.ops.segment_sum(edge_sh_neighbor_i, index_i, num_segments=N_NODES)
    node_sh_neighbor_j = jax.ops.segment_sum(edge_sh_neighbor_j, index_i, num_segments=N_NODES)
    return jnp.concatenate([node_sh_neighbor_i[index_i], node_sh_neighbor_j[index_j]], axis=-1)

if __name__ == "__main__":
    import jax
    _d = setup_inputs()
    print(jax.jit(kernel)(*tuple(_d.values())))

</pallas_src>

<mosaic_0001>
#map = affine_map<(d0, d1) -> (0, 0)>
#map1 = affine_map<(d0, d1) -> (0, 0, 0)>
module attributes {stable_mosaic.version = 14 : i64} {
  func.func @_scatter_kernel(%arg0: i32, %arg1: i32, %arg2: memref<320000x16xf32, #tpu.memory_space<hbm>>, %arg3: memref<2x320000xi32, #tpu.memory_space<hbm>>, %arg4: memref<2x10240x16xf32, #tpu.memory_space<hbm>>, %arg5: memref<10240x16xf32, #tpu.memory_space<vmem_shared>>, %arg6: memref<640x16xf32, #tpu.memory_space<vmem>>, %arg7: memref<128xi32, #tpu.memory_space<vmem>>, %arg8: memref<128xi32, #tpu.memory_space<vmem>>, %arg9: memref<128x16xf32, #tpu.memory_space<vmem>>, %arg10: memref<128x16xf32, #tpu.memory_space<vmem>>, %arg11: memref<!tpu.dma_semaphore, #tpu.memory_space<semaphore_mem>>, %arg12: memref<!tpu.dma_semaphore, #tpu.memory_space<semaphore_mem>>, %arg13: memref<!tpu.dma_semaphore, #tpu.memory_space<semaphore_mem>>, %arg14: memref<!tpu.dma_semaphore, #tpu.memory_space<semaphore_mem>>) attributes {dimension_semantics = [#tpu.dimension_semantics<core_parallel>, #tpu.dimension_semantics<subcore_parallel>], iteration_bounds = array<i64: 2, 16>, scalar_prefetch = 0 : i64, scratch_operands = 10 : i64, tpu.core_type = #tpu.core_type<sc_vector_subcore>, window_params = [{transform_indices = #map}, {transform_indices = #map}, {transform_indices = #map1}]} {
    %mul3A = arith.constant 2 : i32
    %mul3A_0 = arith.muli %arg1, %mul3A : i32
    %add3A = arith.addi %mul3A_0, %arg0 : i32
    %broadcast_in_dim3A = arith.constant 0.000000e+00 : f32
    %broadcast_in_dim3A_1 = vector.broadcast %broadcast_in_dim3A : f32 to vector<16xf32>
    %scan3A = arith.constant 0 : i32
    %scan3A_2 = arith.constant 0 : i32
    %scan3A_3 = arith.constant 640 : i32
    %scan3A_4 = arith.addi %scan3A_2, %scan3A_3 : i32
    %scan3A_5 = arith.constant 1 : i32
    %scan3A_6 = scf.for %scan3A_48 = %scan3A_2 to %scan3A_4 step %scan3A_5 iter_args(%scan3A_49 = %scan3A) -> (i32)  : i32 {
      %swap3A = arith.index_cast %scan3A_48 : i32 to index
      %swap3A_50 = arith.constant 0 : index
      %swap3A_51 = tpu.vector_load %arg6[%swap3A, %swap3A_50] {strides = array<i32>} : memref<640x16xf32, #tpu.memory_space<vmem>>, vector<16xf32>,
      tpu.vector_store %arg6[%swap3A, %swap3A_50], %broadcast_in_dim3A_1 {strides = array<i32>} : memref<640x16xf32, #tpu.memory_space<vmem>>, vector<16xf32>,
      %scan3A_52 = arith.constant 0 : i32
      scf.yield %scan3A_52 : i32
    }
    %scan3A_7 = arith.constant 640 : i32
    %mul3A_8 = arith.constant 640 : i32
    %mul3A_9 = arith.muli %arg1, %mul3A_8 : i32
    "tpu.region"() ({
      %run_scoped3A_48 = tpu.sem_alloc : memref<!tpu.dma_semaphore, #tpu.memory_space<semaphore_mem>>
      %dma_start3A_49 = arith.constant 0 : i32
      %dma_start3A_50 = tpu.memref_slice %arg5[%mul3A_9, %dma_start3A_49] : memref<10240x16xf32, #tpu.memory_space<vmem_shared>> -> memref<640x16xf32, #tpu.memory_space<vmem_shared>>
      %dma_start3A_51 = arith.constant 0 : i32
      %dma_start3A_52 = tpu.memref_slice %arg5[%mul3A_9, %dma_start3A_51] : memref<10240x16xf32, #tpu.memory_space<vmem_shared>> -> memref<640x16xf32, #tpu.memory_space<vmem_shared>>
      tpu.enqueue_dma source(%arg6 : memref<640x16xf32, #tpu.memory_space<vmem>>) target(%dma_start3A_52 : memref<640x16xf32, #tpu.memory_space<vmem_shared>>) target_semaphore(%run_scoped3A_48 : memref<!tpu.dma_semaphore, #tpu.memory_space<semaphore_mem>>)
      %dma_wait3A = arith.constant 0 : i32
      %dma_wait3A_53 = tpu.memref_slice %arg5[%mul3A_9, %dma_wait3A] : memref<10240x16xf32, #tpu.memory_space<vmem_shared>> -> memref<640x16xf32, #tpu.memory_space<vmem_shared>>
      %dma_wait3A_54 = arith.constant 0 : i32
      %dma_wait3A_55 = tpu.memref_slice %arg5[%mul3A_9, %dma_wait3A_54] : memref<10240x16xf32, #tpu.memory_space<vmem_shared>> -> memref<640x16xf32, #tpu.memory_space<vmem_shared>>
      tpu.wait_dma2 semaphore(%run_scoped3A_48 : memref<!tpu.dma_semaphore, #tpu.memory_space<semaphore_mem>>) src(%arg6 : memref<640x16xf32, #tpu.memory_space<vmem>>) dst(%dma_wait3A_55 : memref<640x16xf32, #tpu.memory_space<vmem_shared>>)
      tpu.yield
    }) : () -> ()
    %barrier3A = arith.constant 0 : index
    tpu.barrier barrier_id(%barrier3A)
    %mul3A_10 = arith.constant 10000 : i32
    %mul3A_11 = arith.muli %add3A, %mul3A_10 : i32
    %add3A_12 = arith.constant 0 : i32
    %add3A_13 = arith.addi %mul3A_11, %add3A_12 : i32
    %multiple_of3A = tpu.assume_multiple %add3A_13, 8 : i32
    %dma_start3A = arith.constant 0 : i32
    %dma_start3A_14 = tpu.memref_slice %arg3[%dma_start3A, %multiple_of3A] : memref<2x320000xi32, #tpu.memory_space<hbm>> -> memref<1x128xi32, #tpu.memory_space<hbm>>
    %dma_start3A_15 = tpu.memref_squeeze %dma_start3A_14 : memref<1x128xi32, #tpu.memory_space<hbm>> -> memref<128xi32, #tpu.memory_space<hbm>>
    %dma_start3A_16 = tpu.memref_slice %arg3[%dma_start3A, %multiple_of3A] : memref<2x320000xi32, #tpu.memory_space<hbm>> -> memref<1x128xi32, #tpu.memory_space<hbm>>
    %dma_start3A_17 = tpu.memref_squeeze %dma_start3A_16 : memref<1x128xi32, #tpu.memory_space<hbm>> -> memref<128xi32, #tpu.memory_space<hbm>>
    tpu.enqueue_dma source(%dma_start3A_17 : memref<128xi32, #tpu.memory_space<hbm>>) target(%arg7 : memref<128xi32, #tpu.memory_space<vmem>>) target_semaphore(%arg11 : memref<!tpu.dma_semaphore, #tpu.memory_space<semaphore_mem>>)
    %dma_start3A_18 = arith.constant 0 : i32
    %dma_start3A_19 = tpu.memref_slice %arg2[%multiple_of3A, %dma_start3A_18] : memref<320000x16xf32, #tpu.memory_space<hbm>> -> memref<128x16xf32, #tpu.memory_space<hbm>>
    %dma_start3A_20 = arith.constant 0 : i32
    %dma_start3A_21 = tpu.memref_slice %arg2[%multiple_of3A, %dma_start3A_20] : memref<320000x16xf32, #tpu.memory_space<hbm>> -> memref<128x16xf32, #tpu.memory_space<hbm>>
    tpu.enqueue_dma source(%dma_start3A_21 : memref<128x16xf32, #tpu.memory_space<hbm>>) target(%arg9 : memref<128x16xf32, #tpu.memory_space<vmem>>) target_semaphore(%arg13 : memref<!tpu.dma_semaphore, #tpu.memory_space<semaphore_mem>>)
    %add3A_22 = arith.constant 128 : i32
    %add3A_23 = arith.addi %mul3A_11, %add3A_22 : i32
    %multiple_of3A_24 = tpu.assume_multiple %add3A_23, 8 : i32
    %dma_start3A_25 = arith.constant 0 : i32
    %dma_start3A_26 = tpu.memref_slice %arg3[%dma_start3A_25, %multiple_of3A_24] : memref<2x320000xi32, #tpu.memory_space<hbm>> -> memref<1x128xi32, #tpu.memory_space<hbm>>
    %dma_start3A_27 = tpu.memref_squeeze %dma_start3A_26 : memref<1x128xi32, #tpu.memory_space<hbm>> -> memref<128xi32, #tpu.memory_space<hbm>>
    %dma_start3A_28 = tpu.memref_slice %arg3[%dma_start3A_25, %multiple_of3A_24] : memref<2x320000xi32, #tpu.memory_space<hbm>> -> memref<1x128xi32, #tpu.memory_space<hbm>>
    %dma_start3A_29 = tpu.memref_squeeze %dma_start3A_28 : memref<1x128xi32, #tpu.memory_space<hbm>> -> memref<128xi32, #tpu.memory_space<hbm>>
    tpu.enqueue_dma source(%dma_start3A_29 : memref<128xi32, #tpu.memory_space<hbm>>) target(%arg8 : memref<128xi32, #tpu.memory_space<vmem>>) target_semaphore(%arg12 : memref<!tpu.dma_semaphore, #tpu.memory_space<semaphore_mem>>)
    %dma_start3A_30 = arith.constant 0 : i32
    %dma_start3A_31 = tpu.memref_slice %arg2[%multiple_of3A_24, %dma_start3A_30] : memref<320000x16xf32, #tpu.memory_space<hbm>> -> memref<128x16xf32, #tpu.memory_space<hbm>>
    %dma_start3A_32 = arith.constant 0 : i32
    %dma_start3A_33 = tpu.memref_slice %arg2[%multiple_of3A_24, %dma_start3A_32] : memref<320000x16xf32, #tpu.memory_space<hbm>> -> memref<128x16xf32, #tpu.memory_space<hbm>>
    tpu.enqueue_dma source(%dma_start3A_33 : memref<128x16xf32, #tpu.memory_space<hbm>>) target(%arg10 : memref<128x16xf32, #tpu.memory_space<vmem>>) target_semaphore(%arg14 : memref<!tpu.dma_semaphore, #tpu.memory_space<semaphore_mem>>)
    %scan3A_34 = arith.constant 0 : i32
    %scan3A_35 = arith.constant 0 : i32
    %scan3A_36 = arith.constant 39 : i32
    %scan3A_37 = arith.addi %scan3A_35, %scan3A_36 : i32
    %scan3A_38 = arith.constant 1 : i32
    %scan3A_39 = scf.for %scan3A_48 = %scan3A_35 to %scan3A_37 step %scan3A_38 iter_args(%scan3A_49 = %scan3A_34) -> (i32)  : i32 {
      %mul3A_50 = arith.constant 2 : i32
      %mul3A_51 = arith.muli %scan3A_48, %mul3A_50 : i32
      %add3A_52 = arith.constant 0 : i32
      %add3A_53 = arith.addi %mul3A_51, %add3A_52 : i32
      %dma_wait3A = arith.constant 0 : i32
      %dma_wait3A_54 = tpu.memref_slice %arg3[%dma_wait3A, %mul3A_11] : memref<2x320000xi32, #tpu.memory_space<hbm>> -> memref<1x128xi32, #tpu.memory_space<hbm>>
      %dma_wait3A_55 = tpu.memref_squeeze %dma_wait3A_54 : memref<1x128xi32, #tpu.memory_space<hbm>> -> memref<128xi32, #tpu.memory_space<hbm>>
      %dma_wait3A_56 = tpu.memref_slice %arg3[%dma_wait3A, %mul3A_11] : memref<2x320000xi32, #tpu.memory_space<hbm>> -> memref<1x128xi32, #tpu.memory_space<hbm>>
      %dma_wait3A_57 = tpu.memref_squeeze %dma_wait3A_56 : memref<1x128xi32, #tpu.memory_space<hbm>> -> memref<128xi32, #tpu.memory_space<hbm>>
      tpu.wait_dma2 semaphore(%arg11 : memref<!tpu.dma_semaphore, #tpu.memory_space<semaphore_mem>>) src(%dma_wait3A_57 : memref<128xi32, #tpu.memory_space<hbm>>) dst(%arg7 : memref<128xi32, #tpu.memory_space<vmem>>)
      %dma_wait3A_58 = arith.constant 0 : i32
      %dma_wait3A_59 = tpu.memref_slice %arg2[%mul3A_11, %dma_wait3A_58] : memref<320000x16xf32, #tpu.memory_space<hbm>> -> memref<128x16xf32, #tpu.memory_space<hbm>>
      %dma_wait3A_60 = arith.constant 0 : i32
      %dma_wait3A_61 = tpu.memref_slice %arg2[%mul3A_11, %dma_wait3A_60] : memref<320000x16xf32, #tpu.memory_space<hbm>> -> memref<128x16xf32, #tpu.memory_space<hbm>>
      tpu.wait_dma2 semaphore(%arg13 : memref<!tpu.dma_semaphore, #tpu.memory_space<semaphore_mem>>) src(%dma_wait3A_61 : memref<128x16xf32, #tpu.memory_space<hbm>>) dst(%arg9 : memref<128x16xf32, #tpu.memory_space<vmem>>)
      "tpu.region"() ({
        %run_scoped3A_87 = tpu.sem_alloc : memref<!tpu.dma_semaphore, #tpu.memory_space<semaphore_mem>>
        %dma_start3A_88 = arith.constant 0 : i32
        %dma_start3A_89 = arith.constant 0 : i32
        %dma_start3A_90 = tpu.memref_slice %arg5[%dma_start3A_88, %dma_start3A_89] : memref<10240x16xf32, #tpu.memory_space<vmem_shared>> -> memref<10240x16xf32, #tpu.memory_space<vmem_shared>>
        tpu.enqueue_indirect_dma source(%arg9 : memref<128x16xf32, #tpu.memory_space<vmem>>) target(%dma_start3A_90 : memref<10240x16xf32, #tpu.memory_space<vmem_shared>>) offsets(%arg7 : memref<128xi32, #tpu.memory_space<vmem>>) semaphore(%run_scoped3A_87 : memref<!tpu.dma_semaphore, #tpu.memory_space<semaphore_mem>>) {add = true}
        %dma_wait3A_91 = arith.constant 0 : i32
        %dma_wait3A_92 = arith.constant 0 : i32
        %dma_wait3A_93 = tpu.memref_slice %arg5[%dma_wait3A_91, %dma_wait3A_92] : memref<10240x16xf32, #tpu.memory_space<vmem_shared>> -> memref<10240x16xf32, #tpu.memory_space<vmem_shared>>
        tpu.wait_indirect_dma semaphore(%run_scoped3A_87 : memref<!tpu.dma_semaphore, #tpu.memory_space<semaphore_mem>>) src(%arg9 : memref<128x16xf32, #tpu.memory_space<vmem>>) dst(%dma_wait3A_93 : memref<10240x16xf32, #tpu.memory_space<vmem_shared>>)
        tpu.yield
      }) : () -> ()
      %add3A_62 = arith.constant 2 : i32
      %add3A_63 = arith.addi %add3A_53, %add3A_62 : i32
      %lt3A = arith.constant 78 : i32
      %lt3A_64 = arith.cmpi slt, %add3A_63, %lt3A : i32
      %convert_element_type3A = arith.extui %lt3A_64 : i1 to i32
      %cond3A = arith.constant 0 : i32
      %cond3A_65 = arith.cmpi ne, %convert_element_type3A, %cond3A : i32
      scf.if %cond3A_65 {
        %add3A_87 = arith.constant 2 : i32
        %add3A_88 = arith.addi %add3A_53, %add3A_87 : i32
        %mul3A_89 = arith.constant 128 : i32
        %mul3A_90 = arith.muli %add3A_88, %mul3A_89 : i32
        %add3A_91 = arith.addi %mul3A_11, %mul3A_90 : i32
        %multiple_of3A_92 = tpu.assume_multiple %add3A_91, 8 : i32
        %dma_start3A_93 = arith.constant 0 : i32
        %dma_start3A_94 = tpu.memref_slice %arg3[%dma_start3A_93, %multiple_of3A_92] : memref<2x320000xi32, #tpu.memory_space<hbm>> -> memref<1x128xi32, #tpu.memory_space<hbm>>
        %dma_start3A_95 = tpu.memref_squeeze %dma_start3A_94 : memref<1x128xi32, #tpu.memory_space<hbm>> -> memref<128xi32, #tpu.memory_space<hbm>>
        %dma_start3A_96 = tpu.memref_slice %arg3[%dma_start3A_93, %multiple_of3A_92] : memref<2x320000xi32, #tpu.memory_space<hbm>> -> memref<1x128xi32, #tpu.memory_space<hbm>>
        %dma_start3A_97 = tpu.memref_squeeze %dma_start3A_96 : memref<1x128xi32, #tpu.memory_space<hbm>> -> memref<128xi32, #tpu.memory_space<hbm>>
        tpu.enqueue_dma source(%dma_start3A_97 : memref<128xi32, #tpu.memory_space<hbm>>) target(%arg7 : memref<128xi32, #tpu.memory_space<vmem>>) target_semaphore(%arg11 : memref<!tpu.dma_semaphore, #tpu.memory_space<semaphore_mem>>)
        %dma_start3A_98 = arith.constant 0 : i32
        %dma_start3A_99 = tpu.memref_slice %arg2[%multiple_of3A_92, %dma_start3A_98] : memref<320000x16xf32, #tpu.memory_space<hbm>> -> memref<128x16xf32, #tpu.memory_space<hbm>>
        %dma_start3A_100 = arith.constant 0 : i32
        %dma_start3A_101 = tpu.memref_slice %arg2[%multiple_of3A_92, %dma_start3A_100] : memref<320000x16xf32, #tpu.memory_space<hbm>> -> memref<128x16xf32, #tpu.memory_space<hbm>>
        tpu.enqueue_dma source(%dma_start3A_101 : memref<128x16xf32, #tpu.memory_space<hbm>>) target(%arg9 : memref<128x16xf32, #tpu.memory_space<vmem>>) target_semaphore(%arg13 : memref<!tpu.dma_semaphore, #tpu.memory_space<semaphore_mem>>)
      } else {
      }
      %mul3A_66 = arith.constant 2 : i32
      %mul3A_67 = arith.muli %scan3A_48, %mul3A_66 : i32
      %add3A_68 = arith.constant 1 : i32
      %add3A_69 = arith.addi %mul3A_67, %add3A_68 : i32
      %dma_wait3A_70 = arith.constant 0 : i32
      %dma_wait3A_71 = tpu.memref_slice %arg3[%dma_wait3A_70, %mul3A_11] : memref<2x320000xi32, #tpu.memory_space<hbm>> -> memref<1x128xi32, #tpu.memory_space<hbm>>
      %dma_wait3A_72 = tpu.memref_squeeze %dma_wait3A_71 : memref<1x128xi32, #tpu.memory_space<hbm>> -> memref<128xi32, #tpu.memory_space<hbm>>
      %dma_wait3A_73 = tpu.memref_slice %arg3[%dma_wait3A_70, %mul3A_11] : memref<2x320000xi32, #tpu.memory_space<hbm>> -> memref<1x128xi32, #tpu.memory_space<hbm>>
      %dma_wait3A_74 = tpu.memref_squeeze %dma_wait3A_73 : memref<1x128xi32, #tpu.memory_space<hbm>> -> memref<128xi32, #tpu.memory_space<hbm>>
      tpu.wait_dma2 semaphore(%arg12 : memref<!tpu.dma_semaphore, #tpu.memory_space<semaphore_mem>>) src(%dma_wait3A_74 : memref<128xi32, #tpu.memory_space<hbm>>) dst(%arg8 : memref<128xi32, #tpu.memory_space<vmem>>)
      %dma_wait3A_75 = arith.constant 0 : i32
      %dma_wait3A_76 = tpu.memref_slice %arg2[%mul3A_11, %dma_wait3A_75] : memref<320000x16xf32, #tpu.memory_space<hbm>> -> memref<128x16xf32, #tpu.memory_space<hbm>>
      %dma_wait3A_77 = arith.constant 0 : i32
      %dma_wait3A_78 = tpu.memref_slice %arg2[%mul3A_11, %dma_wait3A_77] : memref<320000x16xf32, #tpu.memory_space<hbm>> -> memref<128x16xf32, #tpu.memory_space<hbm>>
      tpu.wait_dma2 semaphore(%arg14 : memref<!tpu.dma_semaphore, #tpu.memory_space<semaphore_mem>>) src(%dma_wait3A_78 : memref<128x16xf32, #tpu.memory_space<hbm>>) dst(%arg10 : memref<128x16xf32, #tpu.memory_space<vmem>>)
      "tpu.region"() ({
        %run_scoped3A_87 = tpu.sem_alloc : memref<!tpu.dma_semaphore, #tpu.memory_space<semaphore_mem>>
        %dma_start3A_88 = arith.constant 0 : i32
        %dma_start3A_89 = arith.constant 0 : i32
        %dma_start3A_90 = tpu.memref_slice %arg5[%dma_start3A_88, %dma_start3A_89] : memref<10240x16xf32, #tpu.memory_space<vmem_shared>> -> memref<10240x16xf32, #tpu.memory_space<vmem_shared>>
        tpu.enqueue_indirect_dma source(%arg10 : memref<128x16xf32, #tpu.memory_space<vmem>>) target(%dma_start3A_90 : memref<10240x16xf32, #tpu.memory_space<vmem_shared>>) offsets(%arg8 : memref<128xi32, #tpu.memory_space<vmem>>) semaphore(%run_scoped3A_87 : memref<!tpu.dma_semaphore, #tpu.memory_space<semaphore_mem>>) {add = true}
        %dma_wait3A_91 = arith.constant 0 : i32
        %dma_wait3A_92 = arith.constant 0 : i32
        %dma_wait3A_93 = tpu.memref_slice %arg5[%dma_wait3A_91, %dma_wait3A_92] : memref<10240x16xf32, #tpu.memory_space<vmem_shared>> -> memref<10240x16xf32, #tpu.memory_space<vmem_shared>>
        tpu.wait_indirect_dma semaphore(%run_scoped3A_87 : memref<!tpu.dma_semaphore, #tpu.memory_space<semaphore_mem>>) src(%arg10 : memref<128x16xf32, #tpu.memory_space<vmem>>) dst(%dma_wait3A_93 : memref<10240x16xf32, #tpu.memory_space<vmem_shared>>)
        tpu.yield
      }) : () -> ()
      %add3A_79 = arith.constant 2 : i32
      %add3A_80 = arith.addi %add3A_69, %add3A_79 : i32
      %lt3A_81 = arith.constant 78 : i32
      %lt3A_82 = arith.cmpi slt, %add3A_80, %lt3A_81 : i32
      %convert_element_type3A_83 = arith.extui %lt3A_82 : i1 to i32
      %cond3A_84 = arith.constant 0 : i32
      %cond3A_85 = arith.cmpi ne, %convert_element_type3A_83, %cond3A_84 : i32
      scf.if %cond3A_85 {
        %add3A_87 = arith.constant 2 : i32
        %add3A_88 = arith.addi %add3A_69, %add3A_87 : i32
        %mul3A_89 = arith.constant 128 : i32
        %mul3A_90 = arith.muli %add3A_88, %mul3A_89 : i32
        %add3A_91 = arith.addi %mul3A_11, %mul3A_90 : i32
        %multiple_of3A_92 = tpu.assume_multiple %add3A_91, 8 : i32
        %dma_start3A_93 = arith.constant 0 : i32
        %dma_start3A_94 = tpu.memref_slice %arg3[%dma_start3A_93, %multiple_of3A_92] : memref<2x320000xi32, #tpu.memory_space<hbm>> -> memref<1x128xi32, #tpu.memory_space<hbm>>
        %dma_start3A_95 = tpu.memref_squeeze %dma_start3A_94 : memref<1x128xi32, #tpu.memory_space<hbm>> -> memref<128xi32, #tpu.memory_space<hbm>>
        %dma_start3A_96 = tpu.memref_slice %arg3[%dma_start3A_93, %multiple_of3A_92] : memref<2x320000xi32, #tpu.memory_space<hbm>> -> memref<1x128xi32, #tpu.memory_space<hbm>>
        %dma_start3A_97 = tpu.memref_squeeze %dma_start3A_96 : memref<1x128xi32, #tpu.memory_space<hbm>> -> memref<128xi32, #tpu.memory_space<hbm>>
        tpu.enqueue_dma source(%dma_start3A_97 : memref<128xi32, #tpu.memory_space<hbm>>) target(%arg8 : memref<128xi32, #tpu.memory_space<vmem>>) target_semaphore(%arg12 : memref<!tpu.dma_semaphore, #tpu.memory_space<semaphore_mem>>)
        %dma_start3A_98 = arith.constant 0 : i32
        %dma_start3A_99 = tpu.memref_slice %arg2[%multiple_of3A_92, %dma_start3A_98] : memref<320000x16xf32, #tpu.memory_space<hbm>> -> memref<128x16xf32, #tpu.memory_space<hbm>>
        %dma_start3A_100 = arith.constant 0 : i32
        %dma_start3A_101 = tpu.memref_slice %arg2[%multiple_of3A_92, %dma_start3A_100] : memref<320000x16xf32, #tpu.memory_space<hbm>> -> memref<128x16xf32, #tpu.memory_space<hbm>>
        tpu.enqueue_dma source(%dma_start3A_101 : memref<128x16xf32, #tpu.memory_space<hbm>>) target(%arg10 : memref<128x16xf32, #tpu.memory_space<vmem>>) target_semaphore(%arg14 : memref<!tpu.dma_semaphore, #tpu.memory_space<semaphore_mem>>)
      } else {
      }
      %scan3A_86 = arith.constant 0 : i32
      scf.yield %scan3A_86 : i32
    }
    %scan3A_40 = arith.constant 39 : i32
    %add3A_41 = arith.constant 9984 : i32
    %add3A_42 = arith.addi %mul3A_11, %add3A_41 : i32
    %run_scoped3A = arith.constant 0 : i32
    "tpu.region"() ({
      %run_scoped3A_48 = tpu.sem_alloc : memref<!tpu.dma_semaphore, #tpu.memory_space<semaphore_mem>>
      %dma_start3A_49 = arith.constant 0 : i32
      %dma_start3A_50 = tpu.memref_slice %arg7[%dma_start3A_49] : memref<128xi32, #tpu.memory_space<vmem>> -> memref<16xi32, #tpu.memory_space<vmem>>
      %dma_start3A_51 = tpu.memref_slice %arg3[%run_scoped3A, %add3A_42] : memref<2x320000xi32, #tpu.memory_space<hbm>> -> memref<1x16xi32, #tpu.memory_space<hbm>>
      %dma_start3A_52 = tpu.memref_squeeze %dma_start3A_51 : memref<1x16xi32, #tpu.memory_space<hbm>> -> memref<16xi32, #tpu.memory_space<hbm>>
      %dma_start3A_53 = arith.constant 0 : i32
      %dma_start3A_54 = tpu.memref_slice %arg7[%dma_start3A_53] : memref<128xi32, #tpu.memory_space<vmem>> -> memref<16xi32, #tpu.memory_space<vmem>>
      %dma_start3A_55 = tpu.memref_slice %arg3[%run_scoped3A, %add3A_42] : memref<2x320000xi32, #tpu.memory_space<hbm>> -> memref<1x16xi32, #tpu.memory_space<hbm>>
      %dma_start3A_56 = tpu.memref_squeeze %dma_start3A_55 : memref<1x16xi32, #tpu.memory_space<hbm>> -> memref<16xi32, #tpu.memory_space<hbm>>
      tpu.enqueue_dma source(%dma_start3A_56 : memref<16xi32, #tpu.memory_space<hbm>>) target(%dma_start3A_54 : memref<16xi32, #tpu.memory_space<vmem>>) target_semaphore(%run_scoped3A_48 : memref<!tpu.dma_semaphore, #tpu.memory_space<semaphore_mem>>)
      %dma_wait3A = arith.constant 0 : i32
      %dma_wait3A_57 = tpu.memref_slice %arg7[%dma_wait3A] : memref<128xi32, #tpu.memory_space<vmem>> -> memref<16xi32, #tpu.memory_space<vmem>>
      %dma_wait3A_58 = tpu.memref_slice %arg3[%run_scoped3A, %add3A_42] : memref<2x320000xi32, #tpu.memory_space<hbm>> -> memref<1x16xi32, #tpu.memory_space<hbm>>
      %dma_wait3A_59 = tpu.memref_squeeze %dma_wait3A_58 : memref<1x16xi32, #tpu.memory_space<hbm>> -> memref<16xi32, #tpu.memory_space<hbm>>
      %dma_wait3A_60 = arith.constant 0 : i32
      %dma_wait3A_61 = tpu.memref_slice %arg7[%dma_wait3A_60] : memref<128xi32, #tpu.memory_space<vmem>> -> memref<16xi32, #tpu.memory_space<vmem>>
      %dma_wait3A_62 = tpu.memref_slice %arg3[%run_scoped3A, %add3A_42] : memref<2x320000xi32, #tpu.memory_space<hbm>> -> memref<1x16xi32, #tpu.memory_space<hbm>>
      %dma_wait3A_63 = tpu.memref_squeeze %dma_wait3A_62 : memref<1x16xi32, #tpu.memory_space<hbm>> -> memref<16xi32, #tpu.memory_space<hbm>>
      tpu.wait_dma2 semaphore(%run_scoped3A_48 : memref<!tpu.dma_semaphore, #tpu.memory_space<semaphore_mem>>) src(%dma_wait3A_63 : memref<16xi32, #tpu.memory_space<hbm>>) dst(%dma_wait3A_61 : memref<16xi32, #tpu.memory_space<vmem>>)
      tpu.yield
    }) : () -> ()
    "tpu.region"() ({
      %run_scoped3A_48 = tpu.sem_alloc : memref<!tpu.dma_semaphore, #tpu.memory_space<semaphore_mem>>
      %dma_start3A_49 = arith.constant 0 : i32
      %dma_start3A_50 = arith.constant 0 : i32
      %dma_start3A_51 = tpu.memref_slice %arg9[%dma_start3A_49, %dma_start3A_50] : memref<128x16xf32, #tpu.memory_space<vmem>> -> memref<16x16xf32, #tpu.memory_space<vmem>>
      %dma_start3A_52 = arith.constant 0 : i32
      %dma_start3A_53 = tpu.memref_slice %arg2[%add3A_42, %dma_start3A_52] : memref<320000x16xf32, #tpu.memory_space<hbm>> -> memref<16x16xf32, #tpu.memory_space<hbm>>
      %dma_start3A_54 = arith.constant 0 : i32
      %dma_start3A_55 = arith.constant 0 : i32
      %dma_start3A_56 = tpu.memref_slice %arg9[%dma_start3A_54, %dma_start3A_55] : memref<128x16xf32, #tpu.memory_space<vmem>> -> memref<16x16xf32, #tpu.memory_space<vmem>>
      %dma_start3A_57 = arith.constant 0 : i32
      %dma_start3A_58 = tpu.memref_slice %arg2[%add3A_42, %dma_start3A_57] : memref<320000x16xf32, #tpu.memory_space<hbm>> -> memref<16x16xf32, #tpu.memory_space<hbm>>
      tpu.enqueue_dma source(%dma_start3A_58 : memref<16x16xf32, #tpu.memory_space<hbm>>) target(%dma_start3A_56 : memref<16x16xf32, #tpu.memory_space<vmem>>) target_semaphore(%run_scoped3A_48 : memref<!tpu.dma_semaphore, #tpu.memory_space<semaphore_mem>>)
      %dma_wait3A = arith.constant 0 : i32
      %dma_wait3A_59 = arith.constant 0 : i32
      %dma_wait3A_60 = tpu.memref_slice %arg9[%dma_wait3A, %dma_wait3A_59] : memref<128x16xf32, #tpu.memory_space<vmem>> -> memref<16x16xf32, #tpu.memory_space<vmem>>
      %dma_wait3A_61 = arith.constant 0 : i32
      %dma_wait3A_62 = tpu.memref_slice %arg2[%add3A_42, %dma_wait3A_61] : memref<320000x16xf32, #tpu.memory_space<hbm>> -> memref<16x16xf32, #tpu.memory_space<hbm>>
      %dma_wait3A_63 = arith.constant 0 : i32
      %dma_wait3A_64 = arith.constant 0 : i32
      %dma_wait3A_65 = tpu.memref_slice %arg9[%dma_wait3A_63, %dma_wait3A_64] : memref<128x16xf32, #tpu.memory_space<vmem>> -> memref<16x16xf32, #tpu.memory_space<vmem>>
      %dma_wait3A_66 = arith.constant 0 : i32
      %dma_wait3A_67 = tpu.memref_slice %arg2[%add3A_42, %dma_wait3A_66] : memref<320000x16xf32, #tpu.memory_space<hbm>> -> memref<16x16xf32, #tpu.memory_space<hbm>>
      tpu.wait_dma2 semaphore(%run_scoped3A_48 : memref<!tpu.dma_semaphore, #tpu.memory_space<semaphore_mem>>) src(%dma_wait3A_67 : memref<16x16xf32, #tpu.memory_space<hbm>>) dst(%dma_wait3A_65 : memref<16x16xf32, #tpu.memory_space<vmem>>)
      tpu.yield
    }) : () -> ()
    "tpu.region"() ({
      %run_scoped3A_48 = tpu.sem_alloc : memref<!tpu.dma_semaphore, #tpu.memory_space<semaphore_mem>>
      %dma_start3A_49 = arith.constant 0 : i32
      %dma_start3A_50 = arith.constant 0 : i32
      %dma_start3A_51 = tpu.memref_slice %arg9[%dma_start3A_49, %dma_start3A_50] : memref<128x16xf32, #tpu.memory_space<vmem>> -> memref<16x16xf32, #tpu.memory_space<vmem>>
      %dma_start3A_52 = arith.constant 0 : i32
      %dma_start3A_53 = tpu.memref_slice %arg7[%dma_start3A_52] : memref<128xi32, #tpu.memory_space<vmem>> -> memref<16xi32, #tpu.memory_space<vmem>>
      %dma_start3A_54 = arith.constant 0 : i32
      %dma_start3A_55 = arith.constant 0 : i32
      %dma_start3A_56 = tpu.memref_slice %arg5[%dma_start3A_54, %dma_start3A_55] : memref<10240x16xf32, #tpu.memory_space<vmem_shared>> -> memref<10240x16xf32, #tpu.memory_space<vmem_shared>>
      tpu.enqueue_indirect_dma source(%dma_start3A_51 : memref<16x16xf32, #tpu.memory_space<vmem>>) target(%dma_start3A_56 : memref<10240x16xf32, #tpu.memory_space<vmem_shared>>) offsets(%dma_start3A_53 : memref<16xi32, #tpu.memory_space<vmem>>) semaphore(%run_scoped3A_48 : memref<!tpu.dma_semaphore, #tpu.memory_space<semaphore_mem>>) {add = true}
      %dma_wait3A = arith.constant 0 : i32
      %dma_wait3A_57 = arith.constant 0 : i32
      %dma_wait3A_58 = tpu.memref_slice %arg9[%dma_wait3A, %dma_wait3A_57] : memref<128x16xf32, #tpu.memory_space<vmem>> -> memref<16x16xf32, #tpu.memory_space<vmem>>
      %dma_wait3A_59 = arith.constant 0 : i32
      %dma_wait3A_60 = tpu.memref_slice %arg7[%dma_wait3A_59] : memref<128xi32, #tpu.memory_space<vmem>> -> memref<16xi32, #tpu.memory_space<vmem>>
      %dma_wait3A_61 = arith.constant 0 : i32
      %dma_wait3A_62 = arith.constant 0 : i32
      %dma_wait3A_63 = tpu.memref_slice %arg5[%dma_wait3A_61, %dma_wait3A_62] : memref<10240x16xf32, #tpu.memory_space<vmem_shared>> -> memref<10240x16xf32, #tpu.memory_space<vmem_shared>>
      tpu.wait_indirect_dma semaphore(%run_scoped3A_48 : memref<!tpu.dma_semaphore, #tpu.memory_space<semaphore_mem>>) src(%dma_wait3A_58 : memref<16x16xf32, #tpu.memory_space<vmem>>) dst(%dma_wait3A_63 : memref<10240x16xf32, #tpu.memory_space<vmem_shared>>)
      tpu.yield
    }) : () -> ()
    %barrier3A_43 = arith.constant 0 : index
    tpu.barrier barrier_id(%barrier3A_43)
    %mul3A_44 = arith.constant 640 : i32
    %mul3A_45 = arith.muli %arg1, %mul3A_44 : i32
    %mul3A_46 = arith.constant 640 : i32
    %mul3A_47 = arith.muli %arg1, %mul3A_46 : i32
    "tpu.region"() ({
      %run_scoped3A_48 = tpu.sem_alloc : memref<!tpu.dma_semaphore, #tpu.memory_space<semaphore_mem>>
      %dma_start3A_49 = arith.constant 0 : i32
      %dma_start3A_50 = tpu.memref_slice %arg4[%arg0, %mul3A_47, %dma_start3A_49] : memref<2x10240x16xf32, #tpu.memory_space<hbm>> -> memref<1x640x16xf32, #tpu.memory_space<hbm>>
      %dma_start3A_51 = tpu.memref_squeeze %dma_start3A_50 : memref<1x640x16xf32, #tpu.memory_space<hbm>> -> memref<640x16xf32, #tpu.memory_space<hbm>>
      %dma_start3A_52 = arith.constant 0 : i32
      %dma_start3A_53 = tpu.memref_slice %arg5[%mul3A_45, %dma_start3A_52] : memref<10240x16xf32, #tpu.memory_space<vmem_shared>> -> memref<640x16xf32, #tpu.memory_space<vmem_shared>>
      tpu.enqueue_dma source(%dma_start3A_53 : memref<640x16xf32, #tpu.memory_space<vmem_shared>>) target(%dma_start3A_51 : memref<640x16xf32, #tpu.memory_space<hbm>>) target_semaphore(%run_scoped3A_48 : memref<!tpu.dma_semaphore, #tpu.memory_space<semaphore_mem>>)
      %dma_wait3A = arith.constant 0 : i32
      %dma_wait3A_54 = tpu.memref_slice %arg4[%arg0, %mul3A_47, %dma_wait3A] : memref<2x10240x16xf32, #tpu.memory_space<hbm>> -> memref<1x640x16xf32, #tpu.memory_space<hbm>>
      %dma_wait3A_55 = tpu.memref_squeeze %dma_wait3A_54 : memref<1x640x16xf32, #tpu.memory_space<hbm>> -> memref<640x16xf32, #tpu.memory_space<hbm>>
      %dma_wait3A_56 = arith.constant 0 : i32
      %dma_wait3A_57 = tpu.memref_slice %arg5[%mul3A_45, %dma_wait3A_56] : memref<10240x16xf32, #tpu.memory_space<vmem_shared>> -> memref<640x16xf32, #tpu.memory_space<vmem_shared>>
      tpu.wait_dma2 semaphore(%run_scoped3A_48 : memref<!tpu.dma_semaphore, #tpu.memory_space<semaphore_mem>>) src(%dma_wait3A_57 : memref<640x16xf32, #tpu.memory_space<vmem_shared>>) dst(%dma_wait3A_55 : memref<640x16xf32, #tpu.memory_space<hbm>>)
      tpu.yield
    }) : () -> ()
    return
  }
}

#map = affine_map<(d0, d1) -> (0, 0)>
module attributes {stable_mosaic.version = 14 : i64} {
  func.func @_gather_kernel(%arg0: i32, %arg1: i32, %arg2: memref<20480x8xf32, #tpu.memory_space<hbm>>, %arg3: memref<2x320000xi32, #tpu.memory_space<hbm>>, %arg4: memref<320000x8xf32, #tpu.memory_space<hbm>>, %arg5: memref<20480x8xf32, #tpu.memory_space<vmem_shared>>, %arg6: memref<1280x8xf32, #tpu.memory_space<vmem>>, %arg7: memref<64xi32, #tpu.memory_space<vmem>>, %arg8: memref<64xi32, #tpu.memory_space<vmem>>, %arg9: memref<64xi32, #tpu.memory_space<vmem>>, %arg10: memref<64xi32, #tpu.memory_space<vmem>>, %arg11: memref<128xi32, #tpu.memory_space<vmem>>, %arg12: memref<128xi32, #tpu.memory_space<vmem>>, %arg13: memref<128x8xf32, #tpu.memory_space<vmem>>, %arg14: memref<128x8xf32, #tpu.memory_space<vmem>>, %arg15: memref<!tpu.dma_semaphore, #tpu.memory_space<semaphore_mem>>, %arg16: memref<!tpu.dma_semaphore, #tpu.memory_space<semaphore_mem>>, %arg17: memref<!tpu.dma_semaphore, #tpu.memory_space<semaphore_mem>>, %arg18: memref<!tpu.dma_semaphore, #tpu.memory_space<semaphore_mem>>, %arg19: memref<!tpu.dma_semaphore, #tpu.memory_space<semaphore_mem>>, %arg20: memref<!tpu.dma_semaphore, #tpu.memory_space<semaphore_mem>>) attributes {dimension_semantics = [#tpu.dimension_semantics<core_parallel>, #tpu.dimension_semantics<subcore_parallel>], iteration_bounds = array<i64: 2, 16>, scalar_prefetch = 0 : i64, scratch_operands = 16 : i64, tpu.core_type = #tpu.core_type<sc_vector_subcore>, window_params = [{transform_indices = #map}, {transform_indices = #map}, {transform_indices = #map}]} {
    %mul3A = arith.constant 2 : i32
    %mul3A_0 = arith.muli %arg1, %mul3A : i32
    %add3A = arith.addi %mul3A_0, %arg0 : i32
    %iota3A = tpu.iota {dimensions = array<i32: 0>} : vector<16xi32>
    %mul3A_1 = arith.constant 1280 : i32
    %mul3A_2 = arith.muli %arg1, %mul3A_1 : i32
    "tpu.region"() ({
      %run_scoped3A_90 = tpu.sem_alloc : memref<!tpu.dma_semaphore, #tpu.memory_space<semaphore_mem>>
      %dma_start3A_91 = arith.constant 0 : i32
      %dma_start3A_92 = tpu.memref_slice %arg2[%mul3A_2, %dma_start3A_91] : memref<20480x8xf32, #tpu.memory_space<hbm>> -> memref<1280x8xf32, #tpu.memory_space<hbm>>
      %dma_start3A_93 = arith.constant 0 : i32
      %dma_start3A_94 = tpu.memref_slice %arg2[%mul3A_2, %dma_start3A_93] : memref<20480x8xf32, #tpu.memory_space<hbm>> -> memref<1280x8xf32, #tpu.memory_space<hbm>>
      tpu.enqueue_dma source(%dma_start3A_94 : memref<1280x8xf32, #tpu.memory_space<hbm>>) target(%arg6 : memref<1280x8xf32, #tpu.memory_space<vmem>>) target_semaphore(%run_scoped3A_90 : memref<!tpu.dma_semaphore, #tpu.memory_space<semaphore_mem>>)
      %dma_wait3A_95 = arith.constant 0 : i32
      %dma_wait3A_96 = tpu.memref_slice %arg2[%mul3A_2, %dma_wait3A_95] : memref<20480x8xf32, #tpu.memory_space<hbm>> -> memref<1280x8xf32, #tpu.memory_space<hbm>>
      %dma_wait3A_97 = arith.constant 0 : i32
      %dma_wait3A_98 = tpu.memref_slice %arg2[%mul3A_2, %dma_wait3A_97] : memref<20480x8xf32, #tpu.memory_space<hbm>> -> memref<1280x8xf32, #tpu.memory_space<hbm>>
      tpu.wait_dma2 semaphore(%run_scoped3A_90 : memref<!tpu.dma_semaphore, #tpu.memory_space<semaphore_mem>>) src(%dma_wait3A_98 : memref<1280x8xf32, #tpu.memory_space<hbm>>) dst(%arg6 : memref<1280x8xf32, #tpu.memory_space<vmem>>)
      tpu.yield
    }) : () -> ()
    "tpu.region"() ({
      %run_scoped3A_90 = tpu.sem_alloc : memref<!tpu.dma_semaphore, #tpu.memory_space<semaphore_mem>>
      %dma_start3A_91 = arith.constant 0 : i32
      %dma_start3A_92 = tpu.memref_slice %arg5[%mul3A_2, %dma_start3A_91] : memref<20480x8xf32, #tpu.memory_space<vmem_shared>> -> memref<1280x8xf32, #tpu.memory_space<vmem_shared>>
      %dma_start3A_93 = arith.constant 0 : i32
      %dma_start3A_94 = tpu.memref_slice %arg5[%mul3A_2, %dma_start3A_93] : memref<20480x8xf32, #tpu.memory_space<vmem_shared>> -> memref<1280x8xf32, #tpu.memory_space<vmem_shared>>
      tpu.enqueue_dma source(%arg6 : memref<1280x8xf32, #tpu.memory_space<vmem>>) target(%dma_start3A_94 : memref<1280x8xf32, #tpu.memory_space<vmem_shared>>) target_semaphore(%run_scoped3A_90 : memref<!tpu.dma_semaphore, #tpu.memory_space<semaphore_mem>>)
      %dma_wait3A_95 = arith.constant 0 : i32
      %dma_wait3A_96 = tpu.memref_slice %arg5[%mul3A_2, %dma_wait3A_95] : memref<20480x8xf32, #tpu.memory_space<vmem_shared>> -> memref<1280x8xf32, #tpu.memory_space<vmem_shared>>
      %dma_wait3A_97 = arith.constant 0 : i32
      %dma_wait3A_98 = tpu.memref_slice %arg5[%mul3A_2, %dma_wait3A_97] : memref<20480x8xf32, #tpu.memory_space<vmem_shared>> -> memref<1280x8xf32, #tpu.memory_space<vmem_shared>>
      tpu.wait_dma2 semaphore(%run_scoped3A_90 : memref<!tpu.dma_semaphore, #tpu.memory_space<semaphore_mem>>) src(%arg6 : memref<1280x8xf32, #tpu.memory_space<vmem>>) dst(%dma_wait3A_98 : memref<1280x8xf32, #tpu.memory_space<vmem_shared>>)
      tpu.yield
    }) : () -> ()
    %barrier3A = arith.constant 0 : index
    tpu.barrier barrier_id(%barrier3A)
    %shift_right_logical3A = arith.constant 1 : i32
    %shift_right_logical3A_3 = vector.broadcast %shift_right_logical3A : i32 to vector<16xi32>
    %shift_right_logical3A_4 = arith.shrui %iota3A, %shift_right_logical3A_3 : vector<16xi32>
    %and3A = arith.constant 1 : i32
    %and3A_5 = vector.broadcast %and3A : i32 to vector<16xi32>
    %and3A_6 = arith.andi %iota3A, %and3A_5 : vector<16xi32>
    %eq3A = arith.constant 0 : i32
    %eq3A_7 = vector.broadcast %eq3A : i32 to vector<16xi32>
    %eq3A_8 = arith.cmpi eq, %and3A_6, %eq3A_7 : vector<16xi32>
    %mul3A_9 = arith.constant 5000 : i32
    %mul3A_10 = arith.muli %add3A, %mul3A_9 : i32
    %add3A_11 = arith.constant 160000 : i32
    %add3A_12 = arith.addi %add3A_11, %mul3A_10 : i32
    %add3A_13 = arith.constant 0 : i32
    %add3A_14 = arith.addi %add3A_12, %add3A_13 : i32
    %multiple_of3A = tpu.assume_multiple %add3A_14, 8 : i32
    %dma_start3A = arith.constant 0 : i32
    %dma_start3A_15 = tpu.memref_slice %arg3[%dma_start3A, %multiple_of3A] : memref<2x320000xi32, #tpu.memory_space<hbm>> -> memref<1x64xi32, #tpu.memory_space<hbm>>
    %dma_start3A_16 = tpu.memref_squeeze %dma_start3A_15 : memref<1x64xi32, #tpu.memory_space<hbm>> -> memref<64xi32, #tpu.memory_space<hbm>>
    %dma_start3A_17 = tpu.memref_slice %arg3[%dma_start3A, %multiple_of3A] : memref<2x320000xi32, #tpu.memory_space<hbm>> -> memref<1x64xi32, #tpu.memory_space<hbm>>
    %dma_start3A_18 = tpu.memref_squeeze %dma_start3A_17 : memref<1x64xi32, #tpu.memory_space<hbm>> -> memref<64xi32, #tpu.memory_space<hbm>>
    tpu.enqueue_dma source(%dma_start3A_18 : memref<64xi32, #tpu.memory_space<hbm>>) target(%arg7 : memref<64xi32, #tpu.memory_space<vmem>>) target_semaphore(%arg15 : memref<!tpu.dma_semaphore, #tpu.memory_space<semaphore_mem>>)
    %dma_start3A_19 = arith.constant 1 : i32
    %dma_start3A_20 = tpu.memref_slice %arg3[%dma_start3A_19, %multiple_of3A] : memref<2x320000xi32, #tpu.memory_space<hbm>> -> memref<1x64xi32, #tpu.memory_space<hbm>>
    %dma_start3A_21 = tpu.memref_squeeze %dma_start3A_20 : memref<1x64xi32, #tpu.memory_space<hbm>> -> memref<64xi32, #tpu.memory_space<hbm>>
    %dma_start3A_22 = tpu.memref_slice %arg3[%dma_start3A_19, %multiple_of3A] : memref<2x320000xi32, #tpu.memory_space<hbm>> -> memref<1x64xi32, #tpu.memory_space<hbm>>
    %dma_start3A_23 = tpu.memref_squeeze %dma_start3A_22 : memref<1x64xi32, #tpu.memory_space<hbm>> -> memref<64xi32, #tpu.memory_space<hbm>>
    tpu.enqueue_dma source(%dma_start3A_23 : memref<64xi32, #tpu.memory_space<hbm>>) target(%arg9 : memref<64xi32, #tpu.memory_space<vmem>>) target_semaphore(%arg15 : memref<!tpu.dma_semaphore, #tpu.memory_space<semaphore_mem>>)
    %add3A_24 = arith.constant 64 : i32
    %add3A_25 = arith.addi %add3A_12, %add3A_24 : i32
    %multiple_of3A_26 = tpu.assume_multiple %add3A_25, 8 : i32
    %dma_start3A_27 = arith.constant 0 : i32
    %dma_start3A_28 = tpu.memref_slice %arg3[%dma_start3A_27, %multiple_of3A_26] : memref<2x320000xi32, #tpu.memory_space<hbm>> -> memref<1x64xi32, #tpu.memory_space<hbm>>
    %dma_start3A_29 = tpu.memref_squeeze %dma_start3A_28 : memref<1x64xi32, #tpu.memory_space<hbm>> -> memref<64xi32, #tpu.memory_space<hbm>>
    %dma_start3A_30 = tpu.memref_slice %arg3[%dma_start3A_27, %multiple_of3A_26] : memref<2x320000xi32, #tpu.memory_space<hbm>> -> memref<1x64xi32, #tpu.memory_space<hbm>>
    %dma_start3A_31 = tpu.memref_squeeze %dma_start3A_30 : memref<1x64xi32, #tpu.memory_space<hbm>> -> memref<64xi32, #tpu.memory_space<hbm>>
    tpu.enqueue_dma source(%dma_start3A_31 : memref<64xi32, #tpu.memory_space<hbm>>) target(%arg8 : memref<64xi32, #tpu.memory_space<vmem>>) target_semaphore(%arg16 : memref<!tpu.dma_semaphore, #tpu.memory_space<semaphore_mem>>)
    %dma_start3A_32 = arith.constant 1 : i32
    %dma_start3A_33 = tpu.memref_slice %arg3[%dma_start3A_32, %multiple_of3A_26] : memref<2x320000xi32, #tpu.memory_space<hbm>> -> memref<1x64xi32, #tpu.memory_space<hbm>>
    %dma_start3A_34 = tpu.memref_squeeze %dma_start3A_33 : memref<1x64xi32, #tpu.memory_space<hbm>> -> memref<64xi32, #tpu.memory_space<hbm>>
    %dma_start3A_35 = tpu.memref_slice %arg3[%dma_start3A_32, %multiple_of3A_26] : memref<2x320000xi32, #tpu.memory_space<hbm>> -> memref<1x64xi32, #tpu.memory_space<hbm>>
    %dma_start3A_36 = tpu.memref_squeeze %dma_start3A_35 : memref<1x64xi32, #tpu.memory_space<hbm>> -> memref<64xi32, #tpu.memory_space<hbm>>
    tpu.enqueue_dma source(%dma_start3A_36 : memref<64xi32, #tpu.memory_space<hbm>>) target(%arg10 : memref<64xi32, #tpu.memory_space<vmem>>) target_semaphore(%arg16 : memref<!tpu.dma_semaphore, #tpu.memory_space<semaphore_mem>>)
    %scan3A = arith.constant 0 : i32
    %scan3A_37 = arith.constant 0 : i32
    %scan3A_38 = arith.constant 39 : i32
    %scan3A_39 = arith.addi %scan3A_37, %scan3A_38 : i32
    %scan3A_40 = arith.constant 1 : i32
    %scan3A_41 = scf.for %scan3A_90 = %scan3A_37 to %scan3A_39 step %scan3A_40 iter_args(%scan3A_91 = %scan3A) -> (i32)  : i32 {
      %mul3A_92 = arith.constant 2 : i32
      %mul3A_93 = arith.muli %scan3A_90, %mul3A_92 : i32
      %add3A_94 = arith.constant 0 : i32
      %add3A_95 = arith.addi %mul3A_93, %add3A_94 : i32
      %dma_wait3A_96 = arith.constant 0 : i32
      %dma_wait3A_97 = tpu.memref_slice %arg3[%dma_wait3A_96, %add3A_12] : memref<2x320000xi32, #tpu.memory_space<hbm>> -> memref<1x64xi32, #tpu.memory_space<hbm>>
      %dma_wait3A_98 = tpu.memref_squeeze %dma_wait3A_97 : memref<1x64xi32, #tpu.memory_space<hbm>> -> memref<64xi32, #tpu.memory_space<hbm>>
      %dma_wait3A_99 = tpu.memref_slice %arg3[%dma_wait3A_96, %add3A_12] : memref<2x320000xi32, #tpu.memory_space<hbm>> -> memref<1x64xi32, #tpu.memory_space<hbm>>
      %dma_wait3A_100 = tpu.memref_squeeze %dma_wait3A_99 : memref<1x64xi32, #tpu.memory_space<hbm>> -> memref<64xi32, #tpu.memory_space<hbm>>
      tpu.wait_dma2 semaphore(%arg15 : memref<!tpu.dma_semaphore, #tpu.memory_space<semaphore_mem>>) src(%dma_wait3A_100 : memref<64xi32, #tpu.memory_space<hbm>>) dst(%arg7 : memref<64xi32, #tpu.memory_space<vmem>>)
      %dma_wait3A_101 = arith.constant 1 : i32
      %dma_wait3A_102 = tpu.memref_slice %arg3[%dma_wait3A_101, %add3A_12] : memref<2x320000xi32, #tpu.memory_space<hbm>> -> memref<1x64xi32, #tpu.memory_space<hbm>>
      %dma_wait3A_103 = tpu.memref_squeeze %dma_wait3A_102 : memref<1x64xi32, #tpu.memory_space<hbm>> -> memref<64xi32, #tpu.memory_space<hbm>>
      %dma_wait3A_104 = tpu.memref_slice %arg3[%dma_wait3A_101, %add3A_12] : memref<2x320000xi32, #tpu.memory_space<hbm>> -> memref<1x64xi32, #tpu.memory_space<hbm>>
      %dma_wait3A_105 = tpu.memref_squeeze %dma_wait3A_104 : memref<1x64xi32, #tpu.memory_space<hbm>> -> memref<64xi32, #tpu.memory_space<hbm>>
      tpu.wait_dma2 semaphore(%arg15 : memref<!tpu.dma_semaphore, #tpu.memory_space<semaphore_mem>>) src(%dma_wait3A_105 : memref<64xi32, #tpu.memory_space<hbm>>) dst(%arg9 : memref<64xi32, #tpu.memory_space<vmem>>)
      %add3A_106 = arith.constant 0 : i32
      %add3A_107 = vector.broadcast %add3A_106 : i32 to vector<16xi32>
      %add3A_108 = arith.addi %shift_right_logical3A_4, %add3A_107 : vector<16xi32>
      %gather3A_109 = tpu.vector_load_idx %arg7[%add3A_108] : memref<64xi32, #tpu.memory_space<vmem>>[vector<16xi32>], vector<16xi32>,
      %gather3A_110 = tpu.vector_load_idx %arg9[%add3A_108] : memref<64xi32, #tpu.memory_space<vmem>>[vector<16xi32>], vector<16xi32>,
      %mul3A_111 = arith.constant 2 : i32
      %mul3A_112 = vector.broadcast %mul3A_111 : i32 to vector<16xi32>
      %mul3A_113 = arith.muli %mul3A_112, %gather3A_109 : vector<16xi32>
      %mul3A_114 = arith.constant 2 : i32
      %mul3A_115 = vector.broadcast %mul3A_114 : i32 to vector<16xi32>
      %mul3A_116 = arith.muli %mul3A_115, %gather3A_110 : vector<16xi32>
      %add3A_117 = arith.constant 1 : i32
      %add3A_118 = vector.broadcast %add3A_117 : i32 to vector<16xi32>
      %add3A_119 = arith.addi %mul3A_116, %add3A_118 : vector<16xi32>
      %select_n3A_120 = arith.select %eq3A_8, %mul3A_113, %add3A_119 : vector<16xi1>, vector<16xi32>
      %swap3A_121 = arith.constant 0 : index
      %swap3A_122 = tpu.vector_load %arg11[%swap3A_121] {strides = array<i32>} : memref<128xi32, #tpu.memory_space<vmem>>, vector<16xi32>,
      tpu.vector_store %arg11[%swap3A_121], %select_n3A_120 {strides = array<i32>} : memref<128xi32, #tpu.memory_space<vmem>>, vector<16xi32>,
      %add3A_123 = arith.constant 8 : i32
      %add3A_124 = vector.broadcast %add3A_123 : i32 to vector<16xi32>
      %add3A_125 = arith.addi %shift_right_logical3A_4, %add3A_124 : vector<16xi32>
      %gather3A_126 = tpu.vector_load_idx %arg7[%add3A_125] : memref<64xi32, #tpu.memory_space<vmem>>[vector<16xi32>], vector<16xi32>,
      %gather3A_127 = tpu.vector_load_idx %arg9[%add3A_125] : memref<64xi32, #tpu.memory_space<vmem>>[vector<16xi32>], vector<16xi32>,
      %mul3A_128 = arith.constant 2 : i32
      %mul3A_129 = vector.broadcast %mul3A_128 : i32 to vector<16xi32>
      %mul3A_130 = arith.muli %mul3A_129, %gather3A_126 : vector<16xi32>
      %mul3A_131 = arith.constant 2 : i32
      %mul3A_132 = vector.broadcast %mul3A_131 : i32 to vector<16xi32>
      %mul3A_133 = arith.muli %mul3A_132, %gather3A_127 : vector<16xi32>
      %add3A_134 = arith.constant 1 : i32
      %add3A_135 = vector.broadcast %add3A_134 : i32 to vector<16xi32>
      %add3A_136 = arith.addi %mul3A_133, %add3A_135 : vector<16xi32>
      %select_n3A_137 = arith.select %eq3A_8, %mul3A_130, %add3A_136 : vector<16xi1>, vector<16xi32>
      %swap3A_138 = arith.constant 16 : index
      %swap3A_139 = tpu.vector_load %arg11[%swap3A_138] {strides = array<i32>} : memref<128xi32, #tpu.memory_space<vmem>>, vector<16xi32>,
      tpu.vector_store %arg11[%swap3A_138], %select_n3A_137 {strides = array<i32>} : memref<128xi32, #tpu.memory_space<vmem>>, vector<16xi32>,
      %add3A_140 = arith.constant 16 : i32
      %add3A_141 = vector.broadcast %add3A_140 : i32 to vector<16xi32>
      %add3A_142 = arith.addi %shift_right_logical3A_4, %add3A_141 : vector<16xi32>
      %gather3A_143 = tpu.vector_load_idx %arg7[%add3A_142] : memref<64xi32, #tpu.memory_space<vmem>>[vector<16xi32>], vector<16xi32>,
      %gather3A_144 = tpu.vector_load_idx %arg9[%add3A_142] : memref<64xi32, #tpu.memory_space<vmem>>[vector<16xi32>], vector<16xi32>,
      %mul3A_145 = arith.constant 2 : i32
      %mul3A_146 = vector.broadcast %mul3A_145 : i32 to vector<16xi32>
      %mul3A_147 = arith.muli %mul3A_146, %gather3A_143 : vector<16xi32>
      %mul3A_148 = arith.constant 2 : i32
      %mul3A_149 = vector.broadcast %mul3A_148 : i32 to vector<16xi32>
      %mul3A_150 = arith.muli %mul3A_149, %gather3A_144 : vector<16xi32>
      %add3A_151 = arith.constant 1 : i32
      %add3A_152 = vector.broadcast %add3A_151 : i32 to vector<16xi32>
      %add3A_153 = arith.addi %mul3A_150, %add3A_152 : vector<16xi32>
      %select_n3A_154 = arith.select %eq3A_8, %mul3A_147, %add3A_153 : vector<16xi1>, vector<16xi32>
      %swap3A_155 = arith.constant 32 : index
      %swap3A_156 = tpu.vector_load %arg11[%swap3A_155] {strides = array<i32>} : memref<128xi32, #tpu.memory_space<vmem>>, vector<16xi32>,
      tpu.vector_store %arg11[%swap3A_155], %select_n3A_154 {strides = array<i32>} : memref<128xi32, #tpu.memory_space<vmem>>, vector<16xi32>,
      %add3A_157 = arith.constant 24 : i32
      %add3A_158 = vector.broadcast %add3A_157 : i32 to vector<16xi32>
      %add3A_159 = arith.addi %shift_right_logical3A_4, %add3A_158 : vector<16xi32>
      %gather3A_160 = tpu.vector_load_idx %arg7[%add3A_159] : memref<64xi32, #tpu.memory_space<vmem>>[vector<16xi32>], vector<16xi32>,
      %gather3A_161 = tpu.vector_load_idx %arg9[%add3A_159] : memref<64xi32, #tpu.memory_space<vmem>>[vector<16xi32>], vector<16xi32>,
      %mul3A_162 = arith.constant 2 : i32
      %mul3A_163 = vector.broadcast %mul3A_162 : i32 to vector<16xi32>
      %mul3A_164 = arith.muli %mul3A_163, %gather3A_160 : vector<16xi32>
      %mul3A_165 = arith.constant 2 : i32
      %mul3A_166 = vector.broadcast %mul3A_165 : i32 to vector<16xi32>
      %mul3A_167 = arith.muli %mul3A_166, %gather3A_161 : vector<16xi32>
      %add3A_168 = arith.constant 1 : i32
      %add3A_169 = vector.broadcast %add3A_168 : i32 to vector<16xi32>
      %add3A_170 = arith.addi %mul3A_167, %add3A_169 : vector<16xi32>
      %select_n3A_171 = arith.select %eq3A_8, %mul3A_164, %add3A_170 : vector<16xi1>, vector<16xi32>
      %swap3A_172 = arith.constant 48 : index
      %swap3A_173 = tpu.vector_load %arg11[%swap3A_172] {strides = array<i32>} : memref<128xi32, #tpu.memory_space<vmem>>, vector<16xi32>,
      tpu.vector_store %arg11[%swap3A_172], %select_n3A_171 {strides = array<i32>} : memref<128xi32, #tpu.memory_space<vmem>>, vector<16xi32>,
      %add3A_174 = arith.constant 32 : i32
      %add3A_175 = vector.broadcast %add3A_174 : i32 to vector<16xi32>
      %add3A_176 = arith.addi %shift_right_logical3A_4, %add3A_175 : vector<16xi32>
      %gather3A_177 = tpu.vector_load_idx %arg7[%add3A_176] : memref<64xi32, #tpu.memory_space<vmem>>[vector<16xi32>], vector<16xi32>,
      %gather3A_178 = tpu.vector_load_idx %arg9[%add3A_176] : memref<64xi32, #tpu.memory_space<vmem>>[vector<16xi32>], vector<16xi32>,
      %mul3A_179 = arith.constant 2 : i32
      %mul3A_180 = vector.broadcast %mul3A_179 : i32 to vector<16xi32>
      %mul3A_181 = arith.muli %mul3A_180, %gather3A_177 : vector<16xi32>
      %mul3A_182 = arith.constant 2 : i32
      %mul3A_183 = vector.broadcast %mul3A_182 : i32 to vector<16xi32>
      %mul3A_184 = arith.muli %mul3A_183, %gather3A_178 : vector<16xi32>
      %add3A_185 = arith.constant 1 : i32
      %add3A_186 = vector.broadcast %add3A_185 : i32 to vector<16xi32>
      %add3A_187 = arith.addi %mul3A_184, %add3A_186 : vector<16xi32>
      %select_n3A_188 = arith.select %eq3A_8, %mul3A_181, %add3A_187 : vector<16xi1>, vector<16xi32>
      %swap3A_189 = arith.constant 64 : index
      %swap3A_190 = tpu.vector_load %arg11[%swap3A_189] {strides = array<i32>} : memref<128xi32, #tpu.memory_space<vmem>>, vector<16xi32>,
      tpu.vector_store %arg11[%swap3A_189], %select_n3A_188 {strides = array<i32>} : memref<128xi32, #tpu.memory_space<vmem>>, vector<16xi32>,
      %add3A_191 = arith.constant 40 : i32
      %add3A_192 = vector.broadcast %add3A_191 : i32 to vector<16xi32>
      %add3A_193 = arith.addi %shift_right_logical3A_4, %add3A_192 : vector<16xi32>
      %gather3A_194 = tpu.vector_load_idx %arg7[%add3A_193] : memref<64xi32, #tpu.memory_space<vmem>>[vector<16xi32>], vector<16xi32>,
      %gather3A_195 = tpu.vector_load_idx %arg9[%add3A_193] : memref<64xi32, #tpu.memory_space<vmem>>[vector<16xi32>], vector<16xi32>,
      %mul3A_196 = arith.constant 2 : i32
      %mul3A_197 = vector.broadcast %mul3A_196 : i32 to vector<16xi32>
      %mul3A_198 = arith.muli %mul3A_197, %gather3A_194 : vector<16xi32>
      %mul3A_199 = arith.constant 2 : i32
      %mul3A_200 = vector.broadcast %mul3A_199 : i32 to vector<16xi32>
      %mul3A_201 = arith.muli %mul3A_200, %gather3A_195 : vector<16xi32>
      %add3A_202 = arith.constant 1 : i32
      %add3A_203 = vector.broadcast %add3A_202 : i32 to vector<16xi32>
      %add3A_204 = arith.addi %mul3A_201, %add3A_203 : vector<16xi32>
      %select_n3A_205 = arith.select %eq3A_8, %mul3A_198, %add3A_204 : vector<16xi1>, vector<16xi32>
      %swap3A_206 = arith.constant 80 : index
      %swap3A_207 = tpu.vector_load %arg11[%swap3A_206] {strides = array<i32>} : memref<128xi32, #tpu.memory_space<vmem>>, vector<16xi32>,
      tpu.vector_store %arg11[%swap3A_206], %select_n3A_205 {strides = array<i32>} : memref<128xi32, #tpu.memory_space<vmem>>, vector<16xi32>,
      %add3A_208 = arith.constant 48 : i32
      %add3A_209 = vector.broadcast %add3A_208 : i32 to vector<16xi32>
      %add3A_210 = arith.addi %shift_right_logical3A_4, %add3A_209 : vector<16xi32>
      %gather3A_211 = tpu.vector_load_idx %arg7[%add3A_210] : memref<64xi32, #tpu.memory_space<vmem>>[vector<16xi32>], vector<16xi32>,
      %gather3A_212 = tpu.vector_load_idx %arg9[%add3A_210] : memref<64xi32, #tpu.memory_space<vmem>>[vector<16xi32>], vector<16xi32>,
      %mul3A_213 = arith.constant 2 : i32
      %mul3A_214 = vector.broadcast %mul3A_213 : i32 to vector<16xi32>
      %mul3A_215 = arith.muli %mul3A_214, %gather3A_211 : vector<16xi32>
      %mul3A_216 = arith.constant 2 : i32
      %mul3A_217 = vector.broadcast %mul3A_216 : i32 to vector<16xi32>
      %mul3A_218 = arith.muli %mul3A_217, %gather3A_212 : vector<16xi32>
      %add3A_219 = arith.constant 1 : i32
      %add3A_220 = vector.broadcast %add3A_219 : i32 to vector<16xi32>
      %add3A_221 = arith.addi %mul3A_218, %add3A_220 : vector<16xi32>
      %select_n3A_222 = arith.select %eq3A_8, %mul3A_215, %add3A_221 : vector<16xi1>, vector<16xi32>
      %swap3A_223 = arith.constant 96 : index
      %swap3A_224 = tpu.vector_load %arg11[%swap3A_223] {strides = array<i32>} : memref<128xi32, #tpu.memory_space<vmem>>, vector<16xi32>,
      tpu.vector_store %arg11[%swap3A_223], %select_n3A_222 {strides = array<i32>} : memref<128xi32, #tpu.memory_space<vmem>>, vector<16xi32>,
      %add3A_225 = arith.constant 56 : i32
      %add3A_226 = vector.broadcast %add3A_225 : i32 to vector<16xi32>
      %add3A_227 = arith.addi %shift_right_logical3A_4, %add3A_226 : vector<16xi32>
      %gather3A_228 = tpu.vector_load_idx %arg7[%add3A_227] : memref<64xi32, #tpu.memory_space<vmem>>[vector<16xi32>], vector<16xi32>,
      %gather3A_229 = tpu.vector_load_idx %arg9[%add3A_227] : memref<64xi32, #tpu.memory_space<vmem>>[vector<16xi32>], vector<16xi32>,
      %mul3A_230 = arith.constant 2 : i32
      %mul3A_231 = vector.broadcast %mul3A_230 : i32 to vector<16xi32>
      %mul3A_232 = arith.muli %mul3A_231, %gather3A_228 : vector<16xi32>
      %mul3A_233 = arith.constant 2 : i32
      %mul3A_234 = vector.broadcast %mul3A_233 : i32 to vector<16xi32>
      %mul3A_235 = arith.muli %mul3A_234, %gather3A_229 : vector<16xi32>
      %add3A_236 = arith.constant 1 : i32
      %add3A_237 = vector.broadcast %add3A_236 : i32 to vector<16xi32>
      %add3A_238 = arith.addi %mul3A_235, %add3A_237 : vector<16xi32>
      %select_n3A_239 = arith.select %eq3A_8, %mul3A_232, %add3A_238 : vector<16xi1>, vector<16xi32>
      %swap3A_240 = arith.constant 112 : index
      %swap3A_241 = tpu.vector_load %arg11[%swap3A_240] {strides = array<i32>} : memref<128xi32, #tpu.memory_space<vmem>>, vector<16xi32>,
      tpu.vector_store %arg11[%swap3A_240], %select_n3A_239 {strides = array<i32>} : memref<128xi32, #tpu.memory_space<vmem>>, vector<16xi32>,
      %ge3A = arith.constant 2 : i32
      %ge3A_242 = arith.cmpi sge, %add3A_95, %ge3A : i32
      %convert_element_type3A = arith.extui %ge3A_242 : i1 to i32
      %cond3A = arith.constant 0 : i32
      %cond3A_243 = arith.cmpi ne, %convert_element_type3A, %cond3A : i32
      scf.if %cond3A_243 {
        %dma_wait3A_449 = arith.constant 0 : i32
        %dma_wait3A_450 = arith.constant 0 : i32
        %dma_wait3A_451 = tpu.memref_slice %arg4[%dma_wait3A_449, %dma_wait3A_450] : memref<320000x8xf32, #tpu.memory_space<hbm>> -> memref<128x8xf32, #tpu.memory_space<hbm>>
        %dma_wait3A_452 = arith.constant 0 : i32
        %dma_wait3A_453 = arith.constant 0 : i32
        %dma_wait3A_454 = tpu.memref_slice %arg4[%dma_wait3A_452, %dma_wait3A_453] : memref<320000x8xf32, #tpu.memory_space<hbm>> -> memref<128x8xf32, #tpu.memory_space<hbm>>
        tpu.wait_dma2 semaphore(%arg19 : memref<!tpu.dma_semaphore, #tpu.memory_space<semaphore_mem>>) src(%arg13 : memref<128x8xf32, #tpu.memory_space<vmem>>) dst(%dma_wait3A_454 : memref<128x8xf32, #tpu.memory_space<hbm>>)
      } else {
      }
      %dma_start3A_244 = arith.constant 0 : i32
      %dma_start3A_245 = arith.constant 0 : i32
      %dma_start3A_246 = tpu.memref_slice %arg5[%dma_start3A_244, %dma_start3A_245] : memref<20480x8xf32, #tpu.memory_space<vmem_shared>> -> memref<20480x8xf32, #tpu.memory_space<vmem_shared>>
      tpu.enqueue_indirect_dma source(%dma_start3A_246 : memref<20480x8xf32, #tpu.memory_space<vmem_shared>>) target(%arg13 : memref<128x8xf32, #tpu.memory_space<vmem>>) offsets(%arg11 : memref<128xi32, #tpu.memory_space<vmem>>) semaphore(%arg17 : memref<!tpu.dma_semaphore, #tpu.memory_space<semaphore_mem>>)
      %add3A_247 = arith.constant 2 : i32
      %add3A_248 = arith.addi %add3A_95, %add3A_247 : i32
      %lt3A = arith.constant 78 : i32
      %lt3A_249 = arith.cmpi slt, %add3A_248, %lt3A : i32
      %convert_element_type3A_250 = arith.extui %lt3A_249 : i1 to i32
      %cond3A_251 = arith.constant 0 : i32
      %cond3A_252 = arith.cmpi ne, %convert_element_type3A_250, %cond3A_251 : i32
      scf.if %cond3A_252 {
        %add3A_449 = arith.constant 2 : i32
        %add3A_450 = arith.addi %add3A_95, %add3A_449 : i32
        %mul3A_451 = arith.constant 64 : i32
        %mul3A_452 = arith.muli %add3A_450, %mul3A_451 : i32
        %add3A_453 = arith.addi %add3A_12, %mul3A_452 : i32
        %multiple_of3A_454 = tpu.assume_multiple %add3A_453, 8 : i32
        %dma_start3A_455 = arith.constant 0 : i32
        %dma_start3A_456 = tpu.memref_slice %arg3[%dma_start3A_455, %multiple_of3A_454] : memref<2x320000xi32, #tpu.memory_space<hbm>> -> memref<1x64xi32, #tpu.memory_space<hbm>>
        %dma_start3A_457 = tpu.memref_squeeze %dma_start3A_456 : memref<1x64xi32, #tpu.memory_space<hbm>> -> memref<64xi32, #tpu.memory_space<hbm>>
        %dma_start3A_458 = tpu.memref_slice %arg3[%dma_start3A_455, %multiple_of3A_454] : memref<2x320000xi32, #tpu.memory_space<hbm>> -> memref<1x64xi32, #tpu.memory_space<hbm>>
        %dma_start3A_459 = tpu.memref_squeeze %dma_start3A_458 : memref<1x64xi32, #tpu.memory_space<hbm>> -> memref<64xi32, #tpu.memory_space<hbm>>
        tpu.enqueue_dma source(%dma_start3A_459 : memref<64xi32, #tpu.memory_space<hbm>>) target(%arg7 : memref<64xi32, #tpu.memory_space<vmem>>) target_semaphore(%arg15 : memref<!tpu.dma_semaphore, #tpu.memory_space<semaphore_mem>>)
        %dma_start3A_460 = arith.constant 1 : i32
        %dma_start3A_461 = tpu.memref_slice %arg3[%dma_start3A_460, %multiple_of3A_454] : memref<2x320000xi32, #tpu.memory_space<hbm>> -> memref<1x64xi32, #tpu.memory_space<hbm>>
        %dma_start3A_462 = tpu.memref_squeeze %dma_start3A_461 : memref<1x64xi32, #tpu.memory_space<hbm>> -> memref<64xi32, #tpu.memory_space<hbm>>
        %dma_start3A_463 = tpu.memref_slice %arg3[%dma_start3A_460, %multiple_of3A_454] : memref<2x320000xi32, #tpu.memory_space<hbm>> -> memref<1x64xi32, #tpu.memory_space<hbm>>
        %dma_start3A_464 = tpu.memref_squeeze %dma_start3A_463 : memref<1x64xi32, #tpu.memory_space<hbm>> -> memref<64xi32, #tpu.memory_space<hbm>>
        tpu.enqueue_dma source(%dma_start3A_464 : memref<64xi32, #tpu.memory_space<hbm>>) target(%arg9 : memref<64xi32, #tpu.memory_space<vmem>>) target_semaphore(%arg15 : memref<!tpu.dma_semaphore, #tpu.memory_space<semaphore_mem>>)
      } else {
      }
      %mul3A_253 = arith.constant 64 : i32
      %mul3A_254 = arith.muli %add3A_95, %mul3A_253 : i32
      %add3A_255 = arith.addi %add3A_12, %mul3A_254 : i32
      %multiple_of3A_256 = tpu.assume_multiple %add3A_255, 8 : i32
      %dma_wait3A_257 = arith.constant 0 : i32
      %dma_wait3A_258 = arith.constant 0 : i32
      %dma_wait3A_259 = tpu.memref_slice %arg5[%dma_wait3A_257, %dma_wait3A_258] : memref<20480x8xf32, #tpu.memory_space<vmem_shared>> -> memref<20480x8xf32, #tpu.memory_space<vmem_shared>>
      tpu.wait_indirect_dma semaphore(%arg17 : memref<!tpu.dma_semaphore, #tpu.memory_space<semaphore_mem>>) src(%dma_wait3A_259 : memref<20480x8xf32, #tpu.memory_space<vmem_shared>>) dst(%arg13 : memref<128x8xf32, #tpu.memory_space<vmem>>)
      %sub3A_260 = arith.constant 160000 : i32
      %sub3A_261 = arith.subi %multiple_of3A_256, %sub3A_260 : i32
      %mul3A_262 = arith.constant 2 : i32
      %mul3A_263 = arith.muli %mul3A_262, %sub3A_261 : i32
      %dma_start3A_264 = arith.constant 0 : i32
      %dma_start3A_265 = tpu.memref_slice %arg4[%mul3A_263, %dma_start3A_264] : memref<320000x8xf32, #tpu.memory_space<hbm>> -> memref<128x8xf32, #tpu.memory_space<hbm>>
      %dma_start3A_266 = arith.constant 0 : i32
      %dma_start3A_267 = tpu.memref_slice %arg4[%mul3A_263, %dma_start3A_266] : memref<320000x8xf32, #tpu.memory_space<hbm>> -> memref<128x8xf32, #tpu.memory_space<hbm>>
      tpu.enqueue_dma source(%arg13 : memref<128x8xf32, #tpu.memory_space<vmem>>) target(%dma_start3A_267 : memref<128x8xf32, #tpu.memory_space<hbm>>) target_semaphore(%arg19 : memref<!tpu.dma_semaphore, #tpu.memory_space<semaphore_mem>>)
      %mul3A_268 = arith.constant 2 : i32
      %mul3A_269 = arith.muli %scan3A_90, %mul3A_268 : i32
      %add3A_270 = arith.constant 1 : i32
      %add3A_271 = arith.addi %mul3A_269, %add3A_270 : i32
      %dma_wait3A_272 = arith.constant 0 : i32
      %dma_wait3A_273 = tpu.memref_slice %arg3[%dma_wait3A_272, %add3A_12] : memref<2x320000xi32, #tpu.memory_space<hbm>> -> memref<1x64xi32, #tpu.memory_space<hbm>>
      %dma_wait3A_274 = tpu.memref_squeeze %dma_wait3A_273 : memref<1x64xi32, #tpu.memory_space<hbm>> -> memref<64xi32, #tpu.memory_space<hbm>>
      %dma_wait3A_275 = tpu.memref_slice %arg3[%dma_wait3A_272, %add3A_12] : memref<2x320000xi32, #tpu.memory_space<hbm>> -> memref<1x64xi32, #tpu.memory_space<hbm>>
      %dma_wait3A_276 = tpu.memref_squeeze %dma_wait3A_275 : memref<1x64xi32, #tpu.memory_space<hbm>> -> memref<64xi32, #tpu.memory_space<hbm>>
      tpu.wait_dma2 semaphore(%arg16 : memref<!tpu.dma_semaphore, #tpu.memory_space<semaphore_mem>>) src(%dma_wait3A_276 : memref<64xi32, #tpu.memory_space<hbm>>) dst(%arg8 : memref<64xi32, #tpu.memory_space<vmem>>)
      %dma_wait3A_277 = arith.constant 1 : i32
      %dma_wait3A_278 = tpu.memref_slice %arg3[%dma_wait3A_277, %add3A_12] : memref<2x320000xi32, #tpu.memory_space<hbm>> -> memref<1x64xi32, #tpu.memory_space<hbm>>
      %dma_wait3A_279 = tpu.memref_squeeze %dma_wait3A_278 : memref<1x64xi32, #tpu.memory_space<hbm>> -> memref<64xi32, #tpu.memory_space<hbm>>
      %dma_wait3A_280 = tpu.memref_slice %arg3[%dma_wait3A_277, %add3A_12] : memref<2x320000xi32, #tpu.memory_space<hbm>> -> memref<1x64xi32, #tpu.memory_space<hbm>>
      %dma_wait3A_281 = tpu.memref_squeeze %dma_wait3A_280 : memref<1x64xi32, #tpu.memory_space<hbm>> -> memref<64xi32, #tpu.memory_space<hbm>>
      tpu.wait_dma2 semaphore(%arg16 : memref<!tpu.dma_semaphore, #tpu.memory_space<semaphore_mem>>) src(%dma_wait3A_281 : memref<64xi32, #tpu.memory_space<hbm>>) dst(%arg10 : memref<64xi32, #tpu.memory_space<vmem>>)
      %add3A_282 = arith.constant 0 : i32
      %add3A_283 = vector.broadcast %add3A_282 : i32 to vector<16xi32>
      %add3A_284 = arith.addi %shift_right_logical3A_4, %add3A_283 : vector<16xi32>
      %gather3A_285 = tpu.vector_load_idx %arg8[%add3A_284] : memref<64xi32, #tpu.memory_space<vmem>>[vector<16xi32>], vector<16xi32>,
      %gather3A_286 = tpu.vector_load_idx %arg10[%add3A_284] : memref<64xi32, #tpu.memory_space<vmem>>[vector<16xi32>], vector<16xi32>,
      %mul3A_287 = arith.constant 2 : i32
      %mul3A_288 = vector.broadcast %mul3A_287 : i32 to vector<16xi32>
      %mul3A_289 = arith.muli %mul3A_288, %gather3A_285 : vector<16xi32>
      %mul3A_290 = arith.constant 2 : i32
      %mul3A_291 = vector.broadcast %mul3A_290 : i32 to vector<16xi32>
      %mul3A_292 = arith.muli %mul3A_291, %gather3A_286 : vector<16xi32>
      %add3A_293 = arith.constant 1 : i32
      %add3A_294 = vector.broadcast %add3A_293 : i32 to vector<16xi32>
      %add3A_295 = arith.addi %mul3A_292, %add3A_294 : vector<16xi32>
      %select_n3A_296 = arith.select %eq3A_8, %mul3A_289, %add3A_295 : vector<16xi1>, vector<16xi32>
      %swap3A_297 = arith.constant 0 : index
      %swap3A_298 = tpu.vector_load %arg12[%swap3A_297] {strides = array<i32>} : memref<128xi32, #tpu.memory_space<vmem>>, vector<16xi32>,
      tpu.vector_store %arg12[%swap3A_297], %select_n3A_296 {strides = array<i32>} : memref<128xi32, #tpu.memory_space<vmem>>, vector<16xi32>,
      %add3A_299 = arith.constant 8 : i32
      %add3A_300 = vector.broadcast %add3A_299 : i32 to vector<16xi32>
      %add3A_301 = arith.addi %shift_right_logical3A_4, %add3A_300 : vector<16xi32>
      %gather3A_302 = tpu.vector_load_idx %arg8[%add3A_301] : memref<64xi32, #tpu.memory_space<vmem>>[vector<16xi32>], vector<16xi32>,
      %gather3A_303 = tpu.vector_load_idx %arg10[%add3A_301] : memref<64xi32, #tpu.memory_space<vmem>>[vector<16xi32>], vector<16xi32>,
      %mul3A_304 = arith.constant 2 : i32
      %mul3A_305 = vector.broadcast %mul3A_304 : i32 to vector<16xi32>
      %mul3A_306 = arith.muli %mul3A_305, %gather3A_302 : vector<16xi32>
      %mul3A_307 = arith.constant 2 : i32
      %mul3A_308 = vector.broadcast %mul3A_307 : i32 to vector<16xi32>
      %mul3A_309 = arith.muli %mul3A_308, %gather3A_303 : vector<16xi32>
      %add3A_310 = arith.constant 1 : i32
      %add3A_311 = vector.broadcast %add3A_310 : i32 to vector<16xi32>
      %add3A_312 = arith.addi %mul3A_309, %add3A_311 : vector<16xi32>
      %select_n3A_313 = arith.select %eq3A_8, %mul3A_306, %add3A_312 : vector<16xi1>, vector<16xi32>
      %swap3A_314 = arith.constant 16 : index
      %swap3A_315 = tpu.vector_load %arg12[%swap3A_314] {strides = array<i32>} : memref<128xi32, #tpu.memory_space<vmem>>, vector<16xi32>,
      tpu.vector_store %arg12[%swap3A_314], %select_n3A_313 {strides = array<i32>} : memref<128xi32, #tpu.memory_space<vmem>>, vector<16xi32>,
      %add3A_316 = arith.constant 16 : i32
      %add3A_317 = vector.broadcast %add3A_316 : i32 to vector<16xi32>
      %add3A_318 = arith.addi %shift_right_logical3A_4, %add3A_317 : vector<16xi32>
      %gather3A_319 = tpu.vector_load_idx %arg8[%add3A_318] : memref<64xi32, #tpu.memory_space<vmem>>[vector<16xi32>], vector<16xi32>,
      %gather3A_320 = tpu.vector_load_idx %arg10[%add3A_318] : memref<64xi32, #tpu.memory_space<vmem>>[vector<16xi32>], vector<16xi32>,
      %mul3A_321 = arith.constant 2 : i32
      %mul3A_322 = vector.broadcast %mul3A_321 : i32 to vector<16xi32>
      %mul3A_323 = arith.muli %mul3A_322, %gather3A_319 : vector<16xi32>
      %mul3A_324 = arith.constant 2 : i32
      %mul3A_325 = vector.broadcast %mul3A_324 : i32 to vector<16xi32>
      %mul3A_326 = arith.muli %mul3A_325, %gather3A_320 : vector<16xi32>
      %add3A_327 = arith.constant 1 : i32
      %add3A_328 = vector.broadcast %add3A_327 : i32 to vector<16xi32>
      %add3A_329 = arith.addi %mul3A_326, %add3A_328 : vector<16xi32>
      %select_n3A_330 = arith.select %eq3A_8, %mul3A_323, %add3A_329 : vector<16xi1>, vector<16xi32>
      %swap3A_331 = arith.constant 32 : index
      %swap3A_332 = tpu.vector_load %arg12[%swap3A_331] {strides = array<i32>} : memref<128xi32, #tpu.memory_space<vmem>>, vector<16xi32>,
      tpu.vector_store %arg12[%swap3A_331], %select_n3A_330 {strides = array<i32>} : memref<128xi32, #tpu.memory_space<vmem>>, vector<16xi32>,
      %add3A_333 = arith.constant 24 : i32
      %add3A_334 = vector.broadcast %add3A_333 : i32 to vector<16xi32>
      %add3A_335 = arith.addi %shift_right_logical3A_4, %add3A_334 : vector<16xi32>
      %gather3A_336 = tpu.vector_load_idx %arg8[%add3A_335] : memref<64xi32, #tpu.memory_space<vmem>>[vector<16xi32>], vector<16xi32>,
      %gather3A_337 = tpu.vector_load_idx %arg10[%add3A_335] : memref<64xi32, #tpu.memory_space<vmem>>[vector<16xi32>], vector<16xi32>,
      %mul3A_338 = arith.constant 2 : i32
      %mul3A_339 = vector.broadcast %mul3A_338 : i32 to vector<16xi32>
      %mul3A_340 = arith.muli %mul3A_339, %gather3A_336 : vector<16xi32>
      %mul3A_341 = arith.constant 2 : i32
      %mul3A_342 = vector.broadcast %mul3A_341 : i32 to vector<16xi32>
      %mul3A_343 = arith.muli %mul3A_342, %gather3A_337 : vector<16xi32>
      %add3A_344 = arith.constant 1 : i32
      %add3A_345 = vector.broadcast %add3A_344 : i32 to vector<16xi32>
      %add3A_346 = arith.addi %mul3A_343, %add3A_345 : vector<16xi32>
      %select_n3A_347 = arith.select %eq3A_8, %mul3A_340, %add3A_346 : vector<16xi1>, vector<16xi32>
      %swap3A_348 = arith.constant 48 : index
      %swap3A_349 = tpu.vector_load %arg12[%swap3A_348] {strides = array<i32>} : memref<128xi32, #tpu.memory_space<vmem>>, vector<16xi32>,
      tpu.vector_store %arg12[%swap3A_348], %select_n3A_347 {strides = array<i32>} : memref<128xi32, #tpu.memory_space<vmem>>, vector<16xi32>,
      %add3A_350 = arith.constant 32 : i32
      %add3A_351 = vector.broadcast %add3A_350 : i32 to vector<16xi32>
      %add3A_352 = arith.addi %shift_right_logical3A_4, %add3A_351 : vector<16xi32>
      %gather3A_353 = tpu.vector_load_idx %arg8[%add3A_352] : memref<64xi32, #tpu.memory_space<vmem>>[vector<16xi32>], vector<16xi32>,
      %gather3A_354 = tpu.vector_load_idx %arg10[%add3A_352] : memref<64xi32, #tpu.memory_space<vmem>>[vector<16xi32>], vector<16xi32>,
      %mul3A_355 = arith.constant 2 : i32
      %mul3A_356 = vector.broadcast %mul3A_355 : i32 to vector<16xi32>
      %mul3A_357 = arith.muli %mul3A_356, %gather3A_353 : vector<16xi32>
      %mul3A_358 = arith.constant 2 : i32
      %mul3A_359 = vector.broadcast %mul3A_358 : i32 to vector<16xi32>
      %mul3A_360 = arith.muli %mul3A_359, %gather3A_354 : vector<16xi32>
      %add3A_361 = arith.constant 1 : i32
      %add3A_362 = vector.broadcast %add3A_361 : i32 to vector<16xi32>
      %add3A_363 = arith.addi %mul3A_360, %add3A_362 : vector<16xi32>
      %select_n3A_364 = arith.select %eq3A_8, %mul3A_357, %add3A_363 : vector<16xi1>, vector<16xi32>
      %swap3A_365 = arith.constant 64 : index
      %swap3A_366 = tpu.vector_load %arg12[%swap3A_365] {strides = array<i32>} : memref<128xi32, #tpu.memory_space<vmem>>, vector<16xi32>,
      tpu.vector_store %arg12[%swap3A_365], %select_n3A_364 {strides = array<i32>} : memref<128xi32, #tpu.memory_space<vmem>>, vector<16xi32>,
      %add3A_367 = arith.constant 40 : i32
      %add3A_368 = vector.broadcast %add3A_367 : i32 to vector<16xi32>
      %add3A_369 = arith.addi %shift_right_logical3A_4, %add3A_368 : vector<16xi32>
      %gather3A_370 = tpu.vector_load_idx %arg8[%add3A_369] : memref<64xi32, #tpu.memory_space<vmem>>[vector<16xi32>], vector<16xi32>,
      %gather3A_371 = tpu.vector_load_idx %arg10[%add3A_369] : memref<64xi32, #tpu.memory_space<vmem>>[vector<16xi32>], vector<16xi32>,
      %mul3A_372 = arith.constant 2 : i32
      %mul3A_373 = vector.broadcast %mul3A_372 : i32 to vector<16xi32>
      %mul3A_374 = arith.muli %mul3A_373, %gather3A_370 : vector<16xi32>
      %mul3A_375 = arith.constant 2 : i32
      %mul3A_376 = vector.broadcast %mul3A_375 : i32 to vector<16xi32>
      %mul3A_377 = arith.muli %mul3A_376, %gather3A_371 : vector<16xi32>
      %add3A_378 = arith.constant 1 : i32
      %add3A_379 = vector.broadcast %add3A_378 : i32 to vector<16xi32>
      %add3A_380 = arith.addi %mul3A_377, %add3A_379 : vector<16xi32>
      %select_n3A_381 = arith.select %eq3A_8, %mul3A_374, %add3A_380 : vector<16xi1>, vector<16xi32>
      %swap3A_382 = arith.constant 80 : index
      %swap3A_383 = tpu.vector_load %arg12[%swap3A_382] {strides = array<i32>} : memref<128xi32, #tpu.memory_space<vmem>>, vector<16xi32>,
      tpu.vector_store %arg12[%swap3A_382], %select_n3A_381 {strides = array<i32>} : memref<128xi32, #tpu.memory_space<vmem>>, vector<16xi32>,
      %add3A_384 = arith.constant 48 : i32
      %add3A_385 = vector.broadcast %add3A_384 : i32 to vector<16xi32>
      %add3A_386 = arith.addi %shift_right_logical3A_4, %add3A_385 : vector<16xi32>
      %gather3A_387 = tpu.vector_load_idx %arg8[%add3A_386] : memref<64xi32, #tpu.memory_space<vmem>>[vector<16xi32>], vector<16xi32>,
      %gather3A_388 = tpu.vector_load_idx %arg10[%add3A_386] : memref<64xi32, #tpu.memory_space<vmem>>[vector<16xi32>], vector<16xi32>,
      %mul3A_389 = arith.constant 2 : i32
      %mul3A_390 = vector.broadcast %mul3A_389 : i32 to vector<16xi32>
      %mul3A_391 = arith.muli %mul3A_390, %gather3A_387 : vector<16xi32>
      %mul3A_392 = arith.constant 2 : i32
      %mul3A_393 = vector.broadcast %mul3A_392 : i32 to vector<16xi32>
      %mul3A_394 = arith.muli %mul3A_393, %gather3A_388 : vector<16xi32>
      %add3A_395 = arith.constant 1 : i32
      %add3A_396 = vector.broadcast %add3A_395 : i32 to vector<16xi32>
      %add3A_397 = arith.addi %mul3A_394, %add3A_396 : vector<16xi32>
      %select_n3A_398 = arith.select %eq3A_8, %mul3A_391, %add3A_397 : vector<16xi1>, vector<16xi32>
      %swap3A_399 = arith.constant 96 : index
      %swap3A_400 = tpu.vector_load %arg12[%swap3A_399] {strides = array<i32>} : memref<128xi32, #tpu.memory_space<vmem>>, vector<16xi32>,
      tpu.vector_store %arg12[%swap3A_399], %select_n3A_398 {strides = array<i32>} : memref<128xi32, #tpu.memory_space<vmem>>, vector<16xi32>,
      %add3A_401 = arith.constant 56 : i32
      %add3A_402 = vector.broadcast %add3A_401 : i32 to vector<16xi32>
      %add3A_403 = arith.addi %shift_right_logical3A_4, %add3A_402 : vector<16xi32>
      %gather3A_404 = tpu.vector_load_idx %arg8[%add3A_403] : memref<64xi32, #tpu.memory_space<vmem>>[vector<16xi32>], vector<16xi32>,
      %gather3A_405 = tpu.vector_load_idx %arg10[%add3A_403] : memref<64xi32, #tpu.memory_space<vmem>>[vector<16xi32>], vector<16xi32>,
      %mul3A_406 = arith.constant 2 : i32
      %mul3A_407 = vector.broadcast %mul3A_406 : i32 to vector<16xi32>
      %mul3A_408 = arith.muli %mul3A_407, %gather3A_404 : vector<16xi32>
      %mul3A_409 = arith.constant 2 : i32
      %mul3A_410 = vector.broadcast %mul3A_409 : i32 to vector<16xi32>
      %mul3A_411 = arith.muli %mul3A_410, %gather3A_405 : vector<16xi32>
      %add3A_412 = arith.constant 1 : i32
      %add3A_413 = vector.broadcast %add3A_412 : i32 to vector<16xi32>
      %add3A_414 = arith.addi %mul3A_411, %add3A_413 : vector<16xi32>
      %select_n3A_415 = arith.select %eq3A_8, %mul3A_408, %add3A_414 : vector<16xi1>, vector<16xi32>
      %swap3A_416 = arith.constant 112 : index
      %swap3A_417 = tpu.vector_load %arg12[%swap3A_416] {strides = array<i32>} : memref<128xi32, #tpu.memory_space<vmem>>, vector<16xi32>,
      tpu.vector_store %arg12[%swap3A_416], %select_n3A_415 {strides = array<i32>} : memref<128xi32, #tpu.memory_space<vmem>>, vector<16xi32>,
      %ge3A_418 = arith.constant 2 : i32
      %ge3A_419 = arith.cmpi sge, %add3A_271, %ge3A_418 : i32
      %convert_element_type3A_420 = arith.extui %ge3A_419 : i1 to i32
      %cond3A_421 = arith.constant 0 : i32
      %cond3A_422 = arith.cmpi ne, %convert_element_type3A_420, %cond3A_421 : i32
      scf.if %cond3A_422 {
        %dma_wait3A_449 = arith.constant 0 : i32
        %dma_wait3A_450 = arith.constant 0 : i32
        %dma_wait3A_451 = tpu.memref_slice %arg4[%dma_wait3A_449, %dma_wait3A_450] : memref<320000x8xf32, #tpu.memory_space<hbm>> -> memref<128x8xf32, #tpu.memory_space<hbm>>
        %dma_wait3A_452 = arith.constant 0 : i32
        %dma_wait3A_453 = arith.constant 0 : i32
        %dma_wait3A_454 = tpu.memref_slice %arg4[%dma_wait3A_452, %dma_wait3A_453] : memref<320000x8xf32, #tpu.memory_space<hbm>> -> memref<128x8xf32, #tpu.memory_space<hbm>>
        tpu.wait_dma2 semaphore(%arg20 : memref<!tpu.dma_semaphore, #tpu.memory_space<semaphore_mem>>) src(%arg14 : memref<128x8xf32, #tpu.memory_space<vmem>>) dst(%dma_wait3A_454 : memref<128x8xf32, #tpu.memory_space<hbm>>)
      } else {
      }
      %dma_start3A_423 = arith.constant 0 : i32
      %dma_start3A_424 = arith.constant 0 : i32
      %dma_start3A_425 = tpu.memref_slice %arg5[%dma_start3A_423, %dma_start3A_424] : memref<20480x8xf32, #tpu.memory_space<vmem_shared>> -> memref<20480x8xf32, #tpu.memory_space<vmem_shared>>
      tpu.enqueue_indirect_dma source(%dma_start3A_425 : memref<20480x8xf32, #tpu.memory_space<vmem_shared>>) target(%arg14 : memref<128x8xf32, #tpu.memory_space<vmem>>) offsets(%arg12 : memref<128xi32, #tpu.memory_space<vmem>>) semaphore(%arg18 : memref<!tpu.dma_semaphore, #tpu.memory_space<semaphore_mem>>)
      %add3A_426 = arith.constant 2 : i32
      %add3A_427 = arith.addi %add3A_271, %add3A_426 : i32
      %lt3A_428 = arith.constant 78 : i32
      %lt3A_429 = arith.cmpi slt, %add3A_427, %lt3A_428 : i32
      %convert_element_type3A_430 = arith.extui %lt3A_429 : i1 to i32
      %cond3A_431 = arith.constant 0 : i32
      %cond3A_432 = arith.cmpi ne, %convert_element_type3A_430, %cond3A_431 : i32
      scf.if %cond3A_432 {
        %add3A_449 = arith.constant 2 : i32
        %add3A_450 = arith.addi %add3A_271, %add3A_449 : i32
        %mul3A_451 = arith.constant 64 : i32
        %mul3A_452 = arith.muli %add3A_450, %mul3A_451 : i32
        %add3A_453 = arith.addi %add3A_12, %mul3A_452 : i32
        %multiple_of3A_454 = tpu.assume_multiple %add3A_453, 8 : i32
        %dma_start3A_455 = arith.constant 0 : i32
        %dma_start3A_456 = tpu.memref_slice %arg3[%dma_start3A_455, %multiple_of3A_454] : memref<2x320000xi32, #tpu.memory_space<hbm>> -> memref<1x64xi32, #tpu.memory_space<hbm>>
        %dma_start3A_457 = tpu.memref_squeeze %dma_start3A_456 : memref<1x64xi32, #tpu.memory_space<hbm>> -> memref<64xi32, #tpu.memory_space<hbm>>
        %dma_start3A_458 = tpu.memref_slice %arg3[%dma_start3A_455, %multiple_of3A_454] : memref<2x320000xi32, #tpu.memory_space<hbm>> -> memref<1x64xi32, #tpu.memory_space<hbm>>
        %dma_start3A_459 = tpu.memref_squeeze %dma_start3A_458 : memref<1x64xi32, #tpu.memory_space<hbm>> -> memref<64xi32, #tpu.memory_space<hbm>>
        tpu.enqueue_dma source(%dma_start3A_459 : memref<64xi32, #tpu.memory_space<hbm>>) target(%arg8 : memref<64xi32, #tpu.memory_space<vmem>>) target_semaphore(%arg16 : memref<!tpu.dma_semaphore, #tpu.memory_space<semaphore_mem>>)
        %dma_start3A_460 = arith.constant 1 : i32
        %dma_start3A_461 = tpu.memref_slice %arg3[%dma_start3A_460, %multiple_of3A_454] : memref<2x320000xi32, #tpu.memory_space<hbm>> -> memref<1x64xi32, #tpu.memory_space<hbm>>
        %dma_start3A_462 = tpu.memref_squeeze %dma_start3A_461 : memref<1x64xi32, #tpu.memory_space<hbm>> -> memref<64xi32, #tpu.memory_space<hbm>>
        %dma_start3A_463 = tpu.memref_slice %arg3[%dma_start3A_460, %multiple_of3A_454] : memref<2x320000xi32, #tpu.memory_space<hbm>> -> memref<1x64xi32, #tpu.memory_space<hbm>>
        %dma_start3A_464 = tpu.memref_squeeze %dma_start3A_463 : memref<1x64xi32, #tpu.memory_space<hbm>> -> memref<64xi32, #tpu.memory_space<hbm>>
        tpu.enqueue_dma source(%dma_start3A_464 : memref<64xi32, #tpu.memory_space<hbm>>) target(%arg10 : memref<64xi32, #tpu.memory_space<vmem>>) target_semaphore(%arg16 : memref<!tpu.dma_semaphore, #tpu.memory_space<semaphore_mem>>)
      } else {
      }
      %mul3A_433 = arith.constant 64 : i32
      %mul3A_434 = arith.muli %add3A_271, %mul3A_433 : i32
      %add3A_435 = arith.addi %add3A_12, %mul3A_434 : i32
      %multiple_of3A_436 = tpu.assume_multiple %add3A_435, 8 : i32
      %dma_wait3A_437 = arith.constant 0 : i32
      %dma_wait3A_438 = arith.constant 0 : i32
      %dma_wait3A_439 = tpu.memref_slice %arg5[%dma_wait3A_437, %dma_wait3A_438] : memref<20480x8xf32, #tpu.memory_space<vmem_shared>> -> memref<20480x8xf32, #tpu.memory_space<vmem_shared>>
      tpu.wait_indirect_dma semaphore(%arg18 : memref<!tpu.dma_semaphore, #tpu.memory_space<semaphore_mem>>) src(%dma_wait3A_439 : memref<20480x8xf32, #tpu.memory_space<vmem_shared>>) dst(%arg14 : memref<128x8xf32, #tpu.memory_space<vmem>>)
      %sub3A_440 = arith.constant 160000 : i32
      %sub3A_441 = arith.subi %multiple_of3A_436, %sub3A_440 : i32
      %mul3A_442 = arith.constant 2 : i32
      %mul3A_443 = arith.muli %mul3A_442, %sub3A_441 : i32
      %dma_start3A_444 = arith.constant 0 : i32
      %dma_start3A_445 = tpu.memref_slice %arg4[%mul3A_443, %dma_start3A_444] : memref<320000x8xf32, #tpu.memory_space<hbm>> -> memref<128x8xf32, #tpu.memory_space<hbm>>
      %dma_start3A_446 = arith.constant 0 : i32
      %dma_start3A_447 = tpu.memref_slice %arg4[%mul3A_443, %dma_start3A_446] : memref<320000x8xf32, #tpu.memory_space<hbm>> -> memref<128x8xf32, #tpu.memory_space<hbm>>
      tpu.enqueue_dma source(%arg14 : memref<128x8xf32, #tpu.memory_space<vmem>>) target(%dma_start3A_447 : memref<128x8xf32, #tpu.memory_space<hbm>>) target_semaphore(%arg20 : memref<!tpu.dma_semaphore, #tpu.memory_space<semaphore_mem>>)
      %scan3A_448 = arith.constant 0 : i32
      scf.yield %scan3A_448 : i32
    }
    %scan3A_42 = arith.constant 39 : i32
    %dma_wait3A = arith.constant 0 : i32
    %dma_wait3A_43 = arith.constant 0 : i32
    %dma_wait3A_44 = tpu.memref_slice %arg4[%dma_wait3A, %dma_wait3A_43] : memref<320000x8xf32, #tpu.memory_space<hbm>> -> memref<128x8xf32, #tpu.memory_space<hbm>>
    %dma_wait3A_45 = arith.constant 0 : i32
    %dma_wait3A_46 = arith.constant 0 : i32
    %dma_wait3A_47 = tpu.memref_slice %arg4[%dma_wait3A_45, %dma_wait3A_46] : memref<320000x8xf32, #tpu.memory_space<hbm>> -> memref<128x8xf32, #tpu.memory_space<hbm>>
    tpu.wait_dma2 semaphore(%arg19 : memref<!tpu.dma_semaphore, #tpu.memory_space<semaphore_mem>>) src(%arg13 : memref<128x8xf32, #tpu.memory_space<vmem>>) dst(%dma_wait3A_47 : memref<128x8xf32, #tpu.memory_space<hbm>>)
    %dma_wait3A_48 = arith.constant 0 : i32
    %dma_wait3A_49 = arith.constant 0 : i32
    %dma_wait3A_50 = tpu.memref_slice %arg4[%dma_wait3A_48, %dma_wait3A_49] : memref<320000x8xf32, #tpu.memory_space<hbm>> -> memref<128x8xf32, #tpu.memory_space<hbm>>
    %dma_wait3A_51 = arith.constant 0 : i32
    %dma_wait3A_52 = arith.constant 0 : i32
    %dma_wait3A_53 = tpu.memref_slice %arg4[%dma_wait3A_51, %dma_wait3A_52] : memref<320000x8xf32, #tpu.memory_space<hbm>> -> memref<128x8xf32, #tpu.memory_space<hbm>>
    tpu.wait_dma2 semaphore(%arg20 : memref<!tpu.dma_semaphore, #tpu.memory_space<semaphore_mem>>) src(%arg14 : memref<128x8xf32, #tpu.memory_space<vmem>>) dst(%dma_wait3A_53 : memref<128x8xf32, #tpu.memory_space<hbm>>)
    %add3A_54 = arith.constant 4992 : i32
    %add3A_55 = arith.addi %add3A_12, %add3A_54 : i32
    %run_scoped3A = arith.constant 0 : i32
    "tpu.region"() ({
      %run_scoped3A_90 = tpu.sem_alloc : memref<!tpu.dma_semaphore, #tpu.memory_space<semaphore_mem>>
      %dma_start3A_91 = arith.constant 0 : i32
      %dma_start3A_92 = tpu.memref_slice %arg7[%dma_start3A_91] : memref<64xi32, #tpu.memory_space<vmem>> -> memref<8xi32, #tpu.memory_space<vmem>>
      %dma_start3A_93 = tpu.memref_slice %arg3[%run_scoped3A, %add3A_55] : memref<2x320000xi32, #tpu.memory_space<hbm>> -> memref<1x8xi32, #tpu.memory_space<hbm>>
      %dma_start3A_94 = tpu.memref_squeeze %dma_start3A_93 : memref<1x8xi32, #tpu.memory_space<hbm>> -> memref<8xi32, #tpu.memory_space<hbm>>
      %dma_start3A_95 = arith.constant 0 : i32
      %dma_start3A_96 = tpu.memref_slice %arg7[%dma_start3A_95] : memref<64xi32, #tpu.memory_space<vmem>> -> memref<8xi32, #tpu.memory_space<vmem>>
      %dma_start3A_97 = tpu.memref_slice %arg3[%run_scoped3A, %add3A_55] : memref<2x320000xi32, #tpu.memory_space<hbm>> -> memref<1x8xi32, #tpu.memory_space<hbm>>
      %dma_start3A_98 = tpu.memref_squeeze %dma_start3A_97 : memref<1x8xi32, #tpu.memory_space<hbm>> -> memref<8xi32, #tpu.memory_space<hbm>>
      tpu.enqueue_dma source(%dma_start3A_98 : memref<8xi32, #tpu.memory_space<hbm>>) target(%dma_start3A_96 : memref<8xi32, #tpu.memory_space<vmem>>) target_semaphore(%run_scoped3A_90 : memref<!tpu.dma_semaphore, #tpu.memory_space<semaphore_mem>>)
      %dma_wait3A_99 = arith.constant 0 : i32
      %dma_wait3A_100 = tpu.memref_slice %arg7[%dma_wait3A_99] : memref<64xi32, #tpu.memory_space<vmem>> -> memref<8xi32, #tpu.memory_space<vmem>>
      %dma_wait3A_101 = tpu.memref_slice %arg3[%run_scoped3A, %add3A_55] : memref<2x320000xi32, #tpu.memory_space<hbm>> -> memref<1x8xi32, #tpu.memory_space<hbm>>
      %dma_wait3A_102 = tpu.memref_squeeze %dma_wait3A_101 : memref<1x8xi32, #tpu.memory_space<hbm>> -> memref<8xi32, #tpu.memory_space<hbm>>
      %dma_wait3A_103 = arith.constant 0 : i32
      %dma_wait3A_104 = tpu.memref_slice %arg7[%dma_wait3A_103] : memref<64xi32, #tpu.memory_space<vmem>> -> memref<8xi32, #tpu.memory_space<vmem>>
      %dma_wait3A_105 = tpu.memref_slice %arg3[%run_scoped3A, %add3A_55] : memref<2x320000xi32, #tpu.memory_space<hbm>> -> memref<1x8xi32, #tpu.memory_space<hbm>>
      %dma_wait3A_106 = tpu.memref_squeeze %dma_wait3A_105 : memref<1x8xi32, #tpu.memory_space<hbm>> -> memref<8xi32, #tpu.memory_space<hbm>>
      tpu.wait_dma2 semaphore(%run_scoped3A_90 : memref<!tpu.dma_semaphore, #tpu.memory_space<semaphore_mem>>) src(%dma_wait3A_106 : memref<8xi32, #tpu.memory_space<hbm>>) dst(%dma_wait3A_104 : memref<8xi32, #tpu.memory_space<vmem>>)
      tpu.yield
    }) : () -> ()
    %run_scoped3A_56 = arith.constant 1 : i32
    "tpu.region"() ({
      %run_scoped3A_90 = tpu.sem_alloc : memref<!tpu.dma_semaphore, #tpu.memory_space<semaphore_mem>>
      %dma_start3A_91 = arith.constant 0 : i32
      %dma_start3A_92 = tpu.memref_slice %arg9[%dma_start3A_91] : memref<64xi32, #tpu.memory_space<vmem>> -> memref<8xi32, #tpu.memory_space<vmem>>
      %dma_start3A_93 = tpu.memref_slice %arg3[%run_scoped3A_56, %add3A_55] : memref<2x320000xi32, #tpu.memory_space<hbm>> -> memref<1x8xi32, #tpu.memory_space<hbm>>
      %dma_start3A_94 = tpu.memref_squeeze %dma_start3A_93 : memref<1x8xi32, #tpu.memory_space<hbm>> -> memref<8xi32, #tpu.memory_space<hbm>>
      %dma_start3A_95 = arith.constant 0 : i32
      %dma_start3A_96 = tpu.memref_slice %arg9[%dma_start3A_95] : memref<64xi32, #tpu.memory_space<vmem>> -> memref<8xi32, #tpu.memory_space<vmem>>
      %dma_start3A_97 = tpu.memref_slice %arg3[%run_scoped3A_56, %add3A_55] : memref<2x320000xi32, #tpu.memory_space<hbm>> -> memref<1x8xi32, #tpu.memory_space<hbm>>
      %dma_start3A_98 = tpu.memref_squeeze %dma_start3A_97 : memref<1x8xi32, #tpu.memory_space<hbm>> -> memref<8xi32, #tpu.memory_space<hbm>>
      tpu.enqueue_dma source(%dma_start3A_98 : memref<8xi32, #tpu.memory_space<hbm>>) target(%dma_start3A_96 : memref<8xi32, #tpu.memory_space<vmem>>) target_semaphore(%run_scoped3A_90 : memref<!tpu.dma_semaphore, #tpu.memory_space<semaphore_mem>>)
      %dma_wait3A_99 = arith.constant 0 : i32
      %dma_wait3A_100 = tpu.memref_slice %arg9[%dma_wait3A_99] : memref<64xi32, #tpu.memory_space<vmem>> -> memref<8xi32, #tpu.memory_space<vmem>>
      %dma_wait3A_101 = tpu.memref_slice %arg3[%run_scoped3A_56, %add3A_55] : memref<2x320000xi32, #tpu.memory_space<hbm>> -> memref<1x8xi32, #tpu.memory_space<hbm>>
      %dma_wait3A_102 = tpu.memref_squeeze %dma_wait3A_101 : memref<1x8xi32, #tpu.memory_space<hbm>> -> memref<8xi32, #tpu.memory_space<hbm>>
      %dma_wait3A_103 = arith.constant 0 : i32
      %dma_wait3A_104 = tpu.memref_slice %arg9[%dma_wait3A_103] : memref<64xi32, #tpu.memory_space<vmem>> -> memref<8xi32, #tpu.memory_space<vmem>>
      %dma_wait3A_105 = tpu.memref_slice %arg3[%run_scoped3A_56, %add3A_55] : memref<2x320000xi32, #tpu.memory_space<hbm>> -> memref<1x8xi32, #tpu.memory_space<hbm>>
      %dma_wait3A_106 = tpu.memref_squeeze %dma_wait3A_105 : memref<1x8xi32, #tpu.memory_space<hbm>> -> memref<8xi32, #tpu.memory_space<hbm>>
      tpu.wait_dma2 semaphore(%run_scoped3A_90 : memref<!tpu.dma_semaphore, #tpu.memory_space<semaphore_mem>>) src(%dma_wait3A_106 : memref<8xi32, #tpu.memory_space<hbm>>) dst(%dma_wait3A_104 : memref<8xi32, #tpu.memory_space<vmem>>)
      tpu.yield
    }) : () -> ()
    %add3A_57 = arith.constant 0 : i32
    %add3A_58 = vector.broadcast %add3A_57 : i32 to vector<16xi32>
    %add3A_59 = arith.addi %shift_right_logical3A_4, %add3A_58 : vector<16xi32>
    %gather3A = tpu.vector_load_idx %arg7[%add3A_59] : memref<64xi32, #tpu.memory_space<vmem>>[vector<16xi32>], vector<16xi32>,
    %gather3A_60 = tpu.vector_load_idx %arg9[%add3A_59] : memref<64xi32, #tpu.memory_space<vmem>>[vector<16xi32>], vector<16xi32>,
    %mul3A_61 = arith.constant 2 : i32
    %mul3A_62 = vector.broadcast %mul3A_61 : i32 to vector<16xi32>
    %mul3A_63 = arith.muli %mul3A_62, %gather3A : vector<16xi32>
    %mul3A_64 = arith.constant 2 : i32
    %mul3A_65 = vector.broadcast %mul3A_64 : i32 to vector<16xi32>
    %mul3A_66 = arith.muli %mul3A_65, %gather3A_60 : vector<16xi32>
    %add3A_67 = arith.constant 1 : i32
    %add3A_68 = vector.broadcast %add3A_67 : i32 to vector<16xi32>
    %add3A_69 = arith.addi %mul3A_66, %add3A_68 : vector<16xi32>
    %select_n3A = arith.select %eq3A_8, %mul3A_63, %add3A_69 : vector<16xi1>, vector<16xi32>
    %swap3A = arith.constant 0 : index
    %swap3A_70 = tpu.vector_load %arg11[%swap3A] {strides = array<i32>} : memref<128xi32, #tpu.memory_space<vmem>>, vector<16xi32>,
    tpu.vector_store %arg11[%swap3A], %select_n3A {strides = array<i32>} : memref<128xi32, #tpu.memory_space<vmem>>, vector<16xi32>,
    %dma_start3A_71 = arith.constant 0 : i32
    %dma_start3A_72 = arith.constant 0 : i32
    %dma_start3A_73 = tpu.memref_slice %arg13[%dma_start3A_71, %dma_start3A_72] : memref<128x8xf32, #tpu.memory_space<vmem>> -> memref<16x8xf32, #tpu.memory_space<vmem>>
    %dma_start3A_74 = arith.constant 0 : i32
    %dma_start3A_75 = tpu.memref_slice %arg11[%dma_start3A_74] : memref<128xi32, #tpu.memory_space<vmem>> -> memref<16xi32, #tpu.memory_space<vmem>>
    %dma_start3A_76 = arith.constant 0 : i32
    %dma_start3A_77 = arith.constant 0 : i32
    %dma_start3A_78 = tpu.memref_slice %arg5[%dma_start3A_76, %dma_start3A_77] : memref<20480x8xf32, #tpu.memory_space<vmem_shared>> -> memref<20480x8xf32, #tpu.memory_space<vmem_shared>>
    tpu.enqueue_indirect_dma source(%dma_start3A_78 : memref<20480x8xf32, #tpu.memory_space<vmem_shared>>) target(%dma_start3A_73 : memref<16x8xf32, #tpu.memory_space<vmem>>) offsets(%dma_start3A_75 : memref<16xi32, #tpu.memory_space<vmem>>) semaphore(%arg17 : memref<!tpu.dma_semaphore, #tpu.memory_space<semaphore_mem>>)
    %dma_wait3A_79 = arith.constant 0 : i32
    %dma_wait3A_80 = arith.constant 0 : i32
    %dma_wait3A_81 = tpu.memref_slice %arg13[%dma_wait3A_79, %dma_wait3A_80] : memref<128x8xf32, #tpu.memory_space<vmem>> -> memref<16x8xf32, #tpu.memory_space<vmem>>
    %dma_wait3A_82 = arith.constant 0 : i32
    %dma_wait3A_83 = tpu.memref_slice %arg11[%dma_wait3A_82] : memref<128xi32, #tpu.memory_space<vmem>> -> memref<16xi32, #tpu.memory_space<vmem>>
    %dma_wait3A_84 = arith.constant 0 : i32
    %dma_wait3A_85 = arith.constant 0 : i32
    %dma_wait3A_86 = tpu.memref_slice %arg5[%dma_wait3A_84, %dma_wait3A_85] : memref<20480x8xf32, #tpu.memory_space<vmem_shared>> -> memref<20480x8xf32, #tpu.memory_space<vmem_shared>>
    tpu.wait_indirect_dma semaphore(%arg17 : memref<!tpu.dma_semaphore, #tpu.memory_space<semaphore_mem>>) src(%dma_wait3A_86 : memref<20480x8xf32, #tpu.memory_space<vmem_shared>>) dst(%dma_wait3A_81 : memref<16x8xf32, #tpu.memory_space<vmem>>)
    %sub3A = arith.constant 160000 : i32
    %sub3A_87 = arith.subi %add3A_55, %sub3A : i32
    %mul3A_88 = arith.constant 2 : i32
    %mul3A_89 = arith.muli %mul3A_88, %sub3A_87 : i32
    "tpu.region"() ({
      %run_scoped3A_90 = tpu.sem_alloc : memref<!tpu.dma_semaphore, #tpu.memory_space<semaphore_mem>>
      %dma_start3A_91 = arith.constant 0 : i32
      %dma_start3A_92 = arith.constant 0 : i32
      %dma_start3A_93 = tpu.memref_slice %arg13[%dma_start3A_91, %dma_start3A_92] : memref<128x8xf32, #tpu.memory_space<vmem>> -> memref<16x8xf32, #tpu.memory_space<vmem>>
      %dma_start3A_94 = arith.constant 0 : i32
      %dma_start3A_95 = tpu.memref_slice %arg4[%mul3A_89, %dma_start3A_94] : memref<320000x8xf32, #tpu.memory_space<hbm>> -> memref<16x8xf32, #tpu.memory_space<hbm>>
      %dma_start3A_96 = arith.constant 0 : i32
      %dma_start3A_97 = tpu.memref_slice %arg4[%mul3A_89, %dma_start3A_96] : memref<320000x8xf32, #tpu.memory_space<hbm>> -> memref<16x8xf32, #tpu.memory_space<hbm>>
      %dma_start3A_98 = arith.constant 0 : i32
      %dma_start3A_99 = arith.constant 0 : i32
      %dma_start3A_100 = tpu.memref_slice %arg13[%dma_start3A_98, %dma_start3A_99] : memref<128x8xf32, #tpu.memory_space<vmem>> -> memref<16x8xf32, #tpu.memory_space<vmem>>
      tpu.enqueue_dma source(%dma_start3A_100 : memref<16x8xf32, #tpu.memory_space<vmem>>) target(%dma_start3A_97 : memref<16x8xf32, #tpu.memory_space<hbm>>) target_semaphore(%run_scoped3A_90 : memref<!tpu.dma_semaphore, #tpu.memory_space<semaphore_mem>>)
      %dma_wait3A_101 = arith.constant 0 : i32
      %dma_wait3A_102 = arith.constant 0 : i32
      %dma_wait3A_103 = tpu.memref_slice %arg13[%dma_wait3A_101, %dma_wait3A_102] : memref<128x8xf32, #tpu.memory_space<vmem>> -> memref<16x8xf32, #tpu.memory_space<vmem>>
      %dma_wait3A_104 = arith.constant 0 : i32
      %dma_wait3A_105 = tpu.memref_slice %arg4[%mul3A_89, %dma_wait3A_104] : memref<320000x8xf32, #tpu.memory_space<hbm>> -> memref<16x8xf32, #tpu.memory_space<hbm>>
      %dma_wait3A_106 = arith.constant 0 : i32
      %dma_wait3A_107 = tpu.memref_slice %arg4[%mul3A_89, %dma_wait3A_106] : memref<320000x8xf32, #tpu.memory_space<hbm>> -> memref<16x8xf32, #tpu.memory_space<hbm>>
      %dma_wait3A_108 = arith.constant 0 : i32
      %dma_wait3A_109 = arith.constant 0 : i32
      %dma_wait3A_110 = tpu.memref_slice %arg13[%dma_wait3A_108, %dma_wait3A_109] : memref<128x8xf32, #tpu.memory_space<vmem>> -> memref<16x8xf32, #tpu.memory_space<vmem>>
      tpu.wait_dma2 semaphore(%run_scoped3A_90 : memref<!tpu.dma_semaphore, #tpu.memory_space<semaphore_mem>>) src(%dma_wait3A_110 : memref<16x8xf32, #tpu.memory_space<vmem>>) dst(%dma_wait3A_107 : memref<16x8xf32, #tpu.memory_space<hbm>>)
      tpu.yield
    }) : () -> ()
    return
  }
}

#map = affine_map<(d0, d1) -> (0, 0)>
module attributes {stable_mosaic.version = 14 : i64} {
  func.func @_gather_kernel(%arg0: i32, %arg1: i32, %arg2: memref<20480x8xf32, #tpu.memory_space<hbm>>, %arg3: memref<2x320000xi32, #tpu.memory_space<hbm>>, %arg4: memref<320000x8xf32, #tpu.memory_space<hbm>>, %arg5: memref<20480x8xf32, #tpu.memory_space<vmem_shared>>, %arg6: memref<1280x8xf32, #tpu.memory_space<vmem>>, %arg7: memref<64xi32, #tpu.memory_space<vmem>>, %arg8: memref<64xi32, #tpu.memory_space<vmem>>, %arg9: memref<64xi32, #tpu.memory_space<vmem>>, %arg10: memref<64xi32, #tpu.memory_space<vmem>>, %arg11: memref<128xi32, #tpu.memory_space<vmem>>, %arg12: memref<128xi32, #tpu.memory_space<vmem>>, %arg13: memref<128x8xf32, #tpu.memory_space<vmem>>, %arg14: memref<128x8xf32, #tpu.memory_space<vmem>>, %arg15: memref<!tpu.dma_semaphore, #tpu.memory_space<semaphore_mem>>, %arg16: memref<!tpu.dma_semaphore, #tpu.memory_space<semaphore_mem>>, %arg17: memref<!tpu.dma_semaphore, #tpu.memory_space<semaphore_mem>>, %arg18: memref<!tpu.dma_semaphore, #tpu.memory_space<semaphore_mem>>, %arg19: memref<!tpu.dma_semaphore, #tpu.memory_space<semaphore_mem>>, %arg20: memref<!tpu.dma_semaphore, #tpu.memory_space<semaphore_mem>>) attributes {dimension_semantics = [#tpu.dimension_semantics<core_parallel>, #tpu.dimension_semantics<subcore_parallel>], iteration_bounds = array<i64: 2, 16>, scalar_prefetch = 0 : i64, scratch_operands = 16 : i64, tpu.core_type = #tpu.core_type<sc_vector_subcore>, window_params = [{transform_indices = #map}, {transform_indices = #map}, {transform_indices = #map}]} {
    %mul3A = arith.constant 2 : i32
    %mul3A_0 = arith.muli %arg1, %mul3A : i32
    %add3A = arith.addi %mul3A_0, %arg0 : i32
    %iota3A = tpu.iota {dimensions = array<i32: 0>} : vector<16xi32>
    %mul3A_1 = arith.constant 1280 : i32
    %mul3A_2 = arith.muli %arg1, %mul3A_1 : i32
    "tpu.region"() ({
      %run_scoped3A_90 = tpu.sem_alloc : memref<!tpu.dma_semaphore, #tpu.memory_space<semaphore_mem>>
      %dma_start3A_91 = arith.constant 0 : i32
      %dma_start3A_92 = tpu.memref_slice %arg2[%mul3A_2, %dma_start3A_91] : memref<20480x8xf32, #tpu.memory_space<hbm>> -> memref<1280x8xf32, #tpu.memory_space<hbm>>
      %dma_start3A_93 = arith.constant 0 : i32
      %dma_start3A_94 = tpu.memref_slice %arg2[%mul3A_2, %dma_start3A_93] : memref<20480x8xf32, #tpu.memory_space<hbm>> -> memref<1280x8xf32, #tpu.memory_space<hbm>>
      tpu.enqueue_dma source(%dma_start3A_94 : memref<1280x8xf32, #tpu.memory_space<hbm>>) target(%arg6 : memref<1280x8xf32, #tpu.memory_space<vmem>>) target_semaphore(%run_scoped3A_90 : memref<!tpu.dma_semaphore, #tpu.memory_space<semaphore_mem>>)
      %dma_wait3A_95 = arith.constant 0 : i32
      %dma_wait3A_96 = tpu.memref_slice %arg2[%mul3A_2, %dma_wait3A_95] : memref<20480x8xf32, #tpu.memory_space<hbm>> -> memref<1280x8xf32, #tpu.memory_space<hbm>>
      %dma_wait3A_97 = arith.constant 0 : i32
      %dma_wait3A_98 = tpu.memref_slice %arg2[%mul3A_2, %dma_wait3A_97] : memref<20480x8xf32, #tpu.memory_space<hbm>> -> memref<1280x8xf32, #tpu.memory_space<hbm>>
      tpu.wait_dma2 semaphore(%run_scoped3A_90 : memref<!tpu.dma_semaphore, #tpu.memory_space<semaphore_mem>>) src(%dma_wait3A_98 : memref<1280x8xf32, #tpu.memory_space<hbm>>) dst(%arg6 : memref<1280x8xf32, #tpu.memory_space<vmem>>)
      tpu.yield
    }) : () -> ()
    "tpu.region"() ({
      %run_scoped3A_90 = tpu.sem_alloc : memref<!tpu.dma_semaphore, #tpu.memory_space<semaphore_mem>>
      %dma_start3A_91 = arith.constant 0 : i32
      %dma_start3A_92 = tpu.memref_slice %arg5[%mul3A_2, %dma_start3A_91] : memref<20480x8xf32, #tpu.memory_space<vmem_shared>> -> memref<1280x8xf32, #tpu.memory_space<vmem_shared>>
      %dma_start3A_93 = arith.constant 0 : i32
      %dma_start3A_94 = tpu.memref_slice %arg5[%mul3A_2, %dma_start3A_93] : memref<20480x8xf32, #tpu.memory_space<vmem_shared>> -> memref<1280x8xf32, #tpu.memory_space<vmem_shared>>
      tpu.enqueue_dma source(%arg6 : memref<1280x8xf32, #tpu.memory_space<vmem>>) target(%dma_start3A_94 : memref<1280x8xf32, #tpu.memory_space<vmem_shared>>) target_semaphore(%run_scoped3A_90 : memref<!tpu.dma_semaphore, #tpu.memory_space<semaphore_mem>>)
      %dma_wait3A_95 = arith.constant 0 : i32
      %dma_wait3A_96 = tpu.memref_slice %arg5[%mul3A_2, %dma_wait3A_95] : memref<20480x8xf32, #tpu.memory_space<vmem_shared>> -> memref<1280x8xf32, #tpu.memory_space<vmem_shared>>
      %dma_wait3A_97 = arith.constant 0 : i32
      %dma_wait3A_98 = tpu.memref_slice %arg5[%mul3A_2, %dma_wait3A_97] : memref<20480x8xf32, #tpu.memory_space<vmem_shared>> -> memref<1280x8xf32, #tpu.memory_space<vmem_shared>>
      tpu.wait_dma2 semaphore(%run_scoped3A_90 : memref<!tpu.dma_semaphore, #tpu.memory_space<semaphore_mem>>) src(%arg6 : memref<1280x8xf32, #tpu.memory_space<vmem>>) dst(%dma_wait3A_98 : memref<1280x8xf32, #tpu.memory_space<vmem_shared>>)
      tpu.yield
    }) : () -> ()
    %barrier3A = arith.constant 0 : index
    tpu.barrier barrier_id(%barrier3A)
    %shift_right_logical3A = arith.constant 1 : i32
    %shift_right_logical3A_3 = vector.broadcast %shift_right_logical3A : i32 to vector<16xi32>
    %shift_right_logical3A_4 = arith.shrui %iota3A, %shift_right_logical3A_3 : vector<16xi32>
    %and3A = arith.constant 1 : i32
    %and3A_5 = vector.broadcast %and3A : i32 to vector<16xi32>
    %and3A_6 = arith.andi %iota3A, %and3A_5 : vector<16xi32>
    %eq3A = arith.constant 0 : i32
    %eq3A_7 = vector.broadcast %eq3A : i32 to vector<16xi32>
    %eq3A_8 = arith.cmpi eq, %and3A_6, %eq3A_7 : vector<16xi32>
    %mul3A_9 = arith.constant 5000 : i32
    %mul3A_10 = arith.muli %add3A, %mul3A_9 : i32
    %add3A_11 = arith.constant 0 : i32
    %add3A_12 = arith.addi %add3A_11, %mul3A_10 : i32
    %add3A_13 = arith.constant 0 : i32
    %add3A_14 = arith.addi %add3A_12, %add3A_13 : i32
    %multiple_of3A = tpu.assume_multiple %add3A_14, 8 : i32
    %dma_start3A = arith.constant 0 : i32
    %dma_start3A_15 = tpu.memref_slice %arg3[%dma_start3A, %multiple_of3A] : memref<2x320000xi32, #tpu.memory_space<hbm>> -> memref<1x64xi32, #tpu.memory_space<hbm>>
    %dma_start3A_16 = tpu.memref_squeeze %dma_start3A_15 : memref<1x64xi32, #tpu.memory_space<hbm>> -> memref<64xi32, #tpu.memory_space<hbm>>
    %dma_start3A_17 = tpu.memref_slice %arg3[%dma_start3A, %multiple_of3A] : memref<2x320000xi32, #tpu.memory_space<hbm>> -> memref<1x64xi32, #tpu.memory_space<hbm>>
    %dma_start3A_18 = tpu.memref_squeeze %dma_start3A_17 : memref<1x64xi32, #tpu.memory_space<hbm>> -> memref<64xi32, #tpu.memory_space<hbm>>
    tpu.enqueue_dma source(%dma_start3A_18 : memref<64xi32, #tpu.memory_space<hbm>>) target(%arg7 : memref<64xi32, #tpu.memory_space<vmem>>) target_semaphore(%arg15 : memref<!tpu.dma_semaphore, #tpu.memory_space<semaphore_mem>>)
    %dma_start3A_19 = arith.constant 1 : i32
    %dma_start3A_20 = tpu.memref_slice %arg3[%dma_start3A_19, %multiple_of3A] : memref<2x320000xi32, #tpu.memory_space<hbm>> -> memref<1x64xi32, #tpu.memory_space<hbm>>
    %dma_start3A_21 = tpu.memref_squeeze %dma_start3A_20 : memref<1x64xi32, #tpu.memory_space<hbm>> -> memref<64xi32, #tpu.memory_space<hbm>>
    %dma_start3A_22 = tpu.memref_slice %arg3[%dma_start3A_19, %multiple_of3A] : memref<2x320000xi32, #tpu.memory_space<hbm>> -> memref<1x64xi32, #tpu.memory_space<hbm>>
    %dma_start3A_23 = tpu.memref_squeeze %dma_start3A_22 : memref<1x64xi32, #tpu.memory_space<hbm>> -> memref<64xi32, #tpu.memory_space<hbm>>
    tpu.enqueue_dma source(%dma_start3A_23 : memref<64xi32, #tpu.memory_space<hbm>>) target(%arg9 : memref<64xi32, #tpu.memory_space<vmem>>) target_semaphore(%arg15 : memref<!tpu.dma_semaphore, #tpu.memory_space<semaphore_mem>>)
    %add3A_24 = arith.constant 64 : i32
    %add3A_25 = arith.addi %add3A_12, %add3A_24 : i32
    %multiple_of3A_26 = tpu.assume_multiple %add3A_25, 8 : i32
    %dma_start3A_27 = arith.constant 0 : i32
    %dma_start3A_28 = tpu.memref_slice %arg3[%dma_start3A_27, %multiple_of3A_26] : memref<2x320000xi32, #tpu.memory_space<hbm>> -> memref<1x64xi32, #tpu.memory_space<hbm>>
    %dma_start3A_29 = tpu.memref_squeeze %dma_start3A_28 : memref<1x64xi32, #tpu.memory_space<hbm>> -> memref<64xi32, #tpu.memory_space<hbm>>
    %dma_start3A_30 = tpu.memref_slice %arg3[%dma_start3A_27, %multiple_of3A_26] : memref<2x320000xi32, #tpu.memory_space<hbm>> -> memref<1x64xi32, #tpu.memory_space<hbm>>
    %dma_start3A_31 = tpu.memref_squeeze %dma_start3A_30 : memref<1x64xi32, #tpu.memory_space<hbm>> -> memref<64xi32, #tpu.memory_space<hbm>>
    tpu.enqueue_dma source(%dma_start3A_31 : memref<64xi32, #tpu.memory_space<hbm>>) target(%arg8 : memref<64xi32, #tpu.memory_space<vmem>>) target_semaphore(%arg16 : memref<!tpu.dma_semaphore, #tpu.memory_space<semaphore_mem>>)
    %dma_start3A_32 = arith.constant 1 : i32
    %dma_start3A_33 = tpu.memref_slice %arg3[%dma_start3A_32, %multiple_of3A_26] : memref<2x320000xi32, #tpu.memory_space<hbm>> -> memref<1x64xi32, #tpu.memory_space<hbm>>
    %dma_start3A_34 = tpu.memref_squeeze %dma_start3A_33 : memref<1x64xi32, #tpu.memory_space<hbm>> -> memref<64xi32, #tpu.memory_space<hbm>>
    %dma_start3A_35 = tpu.memref_slice %arg3[%dma_start3A_32, %multiple_of3A_26] : memref<2x320000xi32, #tpu.memory_space<hbm>> -> memref<1x64xi32, #tpu.memory_space<hbm>>
    %dma_start3A_36 = tpu.memref_squeeze %dma_start3A_35 : memref<1x64xi32, #tpu.memory_space<hbm>> -> memref<64xi32, #tpu.memory_space<hbm>>
    tpu.enqueue_dma source(%dma_start3A_36 : memref<64xi32, #tpu.memory_space<hbm>>) target(%arg10 : memref<64xi32, #tpu.memory_space<vmem>>) target_semaphore(%arg16 : memref<!tpu.dma_semaphore, #tpu.memory_space<semaphore_mem>>)
    %scan3A = arith.constant 0 : i32
    %scan3A_37 = arith.constant 0 : i32
    %scan3A_38 = arith.constant 39 : i32
    %scan3A_39 = arith.addi %scan3A_37, %scan3A_38 : i32
    %scan3A_40 = arith.constant 1 : i32
    %scan3A_41 = scf.for %scan3A_90 = %scan3A_37 to %scan3A_39 step %scan3A_40 iter_args(%scan3A_91 = %scan3A) -> (i32)  : i32 {
      %mul3A_92 = arith.constant 2 : i32
      %mul3A_93 = arith.muli %scan3A_90, %mul3A_92 : i32
      %add3A_94 = arith.constant 0 : i32
      %add3A_95 = arith.addi %mul3A_93, %add3A_94 : i32
      %dma_wait3A_96 = arith.constant 0 : i32
      %dma_wait3A_97 = tpu.memref_slice %arg3[%dma_wait3A_96, %add3A_12] : memref<2x320000xi32, #tpu.memory_space<hbm>> -> memref<1x64xi32, #tpu.memory_space<hbm>>
      %dma_wait3A_98 = tpu.memref_squeeze %dma_wait3A_97 : memref<1x64xi32, #tpu.memory_space<hbm>> -> memref<64xi32, #tpu.memory_space<hbm>>
      %dma_wait3A_99 = tpu.memref_slice %arg3[%dma_wait3A_96, %add3A_12] : memref<2x320000xi32, #tpu.memory_space<hbm>> -> memref<1x64xi32, #tpu.memory_space<hbm>>
      %dma_wait3A_100 = tpu.memref_squeeze %dma_wait3A_99 : memref<1x64xi32, #tpu.memory_space<hbm>> -> memref<64xi32, #tpu.memory_space<hbm>>
      tpu.wait_dma2 semaphore(%arg15 : memref<!tpu.dma_semaphore, #tpu.memory_space<semaphore_mem>>) src(%dma_wait3A_100 : memref<64xi32, #tpu.memory_space<hbm>>) dst(%arg7 : memref<64xi32, #tpu.memory_space<vmem>>)
      %dma_wait3A_101 = arith.constant 1 : i32
      %dma_wait3A_102 = tpu.memref_slice %arg3[%dma_wait3A_101, %add3A_12] : memref<2x320000xi32, #tpu.memory_space<hbm>> -> memref<1x64xi32, #tpu.memory_space<hbm>>
      %dma_wait3A_103 = tpu.memref_squeeze %dma_wait3A_102 : memref<1x64xi32, #tpu.memory_space<hbm>> -> memref<64xi32, #tpu.memory_space<hbm>>
      %dma_wait3A_104 = tpu.memref_slice %arg3[%dma_wait3A_101, %add3A_12] : memref<2x320000xi32, #tpu.memory_space<hbm>> -> memref<1x64xi32, #tpu.memory_space<hbm>>
      %dma_wait3A_105 = tpu.memref_squeeze %dma_wait3A_104 : memref<1x64xi32, #tpu.memory_space<hbm>> -> memref<64xi32, #tpu.memory_space<hbm>>
      tpu.wait_dma2 semaphore(%arg15 : memref<!tpu.dma_semaphore, #tpu.memory_space<semaphore_mem>>) src(%dma_wait3A_105 : memref<64xi32, #tpu.memory_space<hbm>>) dst(%arg9 : memref<64xi32, #tpu.memory_space<vmem>>)
      %add3A_106 = arith.constant 0 : i32
      %add3A_107 = vector.broadcast %add3A_106 : i32 to vector<16xi32>
      %add3A_108 = arith.addi %shift_right_logical3A_4, %add3A_107 : vector<16xi32>
      %gather3A_109 = tpu.vector_load_idx %arg7[%add3A_108] : memref<64xi32, #tpu.memory_space<vmem>>[vector<16xi32>], vector<16xi32>,
      %gather3A_110 = tpu.vector_load_idx %arg9[%add3A_108] : memref<64xi32, #tpu.memory_space<vmem>>[vector<16xi32>], vector<16xi32>,
      %mul3A_111 = arith.constant 2 : i32
      %mul3A_112 = vector.broadcast %mul3A_111 : i32 to vector<16xi32>
      %mul3A_113 = arith.muli %mul3A_112, %gather3A_109 : vector<16xi32>
      %mul3A_114 = arith.constant 2 : i32
      %mul3A_115 = vector.broadcast %mul3A_114 : i32 to vector<16xi32>
      %mul3A_116 = arith.muli %mul3A_115, %gather3A_110 : vector<16xi32>
      %add3A_117 = arith.constant 1 : i32
      %add3A_118 = vector.broadcast %add3A_117 : i32 to vector<16xi32>
      %add3A_119 = arith.addi %mul3A_116, %add3A_118 : vector<16xi32>
      %select_n3A_120 = arith.select %eq3A_8, %mul3A_113, %add3A_119 : vector<16xi1>, vector<16xi32>
      %swap3A_121 = arith.constant 0 : index
      %swap3A_122 = tpu.vector_load %arg11[%swap3A_121] {strides = array<i32>} : memref<128xi32, #tpu.memory_space<vmem>>, vector<16xi32>,
      tpu.vector_store %arg11[%swap3A_121], %select_n3A_120 {strides = array<i32>} : memref<128xi32, #tpu.memory_space<vmem>>, vector<16xi32>,
      %add3A_123 = arith.constant 8 : i32
      %add3A_124 = vector.broadcast %add3A_123 : i32 to vector<16xi32>
      %add3A_125 = arith.addi %shift_right_logical3A_4, %add3A_124 : vector<16xi32>
      %gather3A_126 = tpu.vector_load_idx %arg7[%add3A_125] : memref<64xi32, #tpu.memory_space<vmem>>[vector<16xi32>], vector<16xi32>,
      %gather3A_127 = tpu.vector_load_idx %arg9[%add3A_125] : memref<64xi32, #tpu.memory_space<vmem>>[vector<16xi32>], vector<16xi32>,
      %mul3A_128 = arith.constant 2 : i32
      %mul3A_129 = vector.broadcast %mul3A_128 : i32 to vector<16xi32>
      %mul3A_130 = arith.muli %mul3A_129, %gather3A_126 : vector<16xi32>
      %mul3A_131 = arith.constant 2 : i32
      %mul3A_132 = vector.broadcast %mul3A_131 : i32 to vector<16xi32>
      %mul3A_133 = arith.muli %mul3A_132, %gather3A_127 : vector<16xi32>
      %add3A_134 = arith.constant 1 : i32
      %add3A_135 = vector.broadcast %add3A_134 : i32 to vector<16xi32>
      %add3A_136 = arith.addi %mul3A_133, %add3A_135 : vector<16xi32>
      %select_n3A_137 = arith.select %eq3A_8, %mul3A_130, %add3A_136 : vector<16xi1>, vector<16xi32>
      %swap3A_138 = arith.constant 16 : index
      %swap3A_139 = tpu.vector_load %arg11[%swap3A_138] {strides = array<i32>} : memref<128xi32, #tpu.memory_space<vmem>>, vector<16xi32>,
      tpu.vector_store %arg11[%swap3A_138], %select_n3A_137 {strides = array<i32>} : memref<128xi32, #tpu.memory_space<vmem>>, vector<16xi32>,
      %add3A_140 = arith.constant 16 : i32
      %add3A_141 = vector.broadcast %add3A_140 : i32 to vector<16xi32>
      %add3A_142 = arith.addi %shift_right_logical3A_4, %add3A_141 : vector<16xi32>
      %gather3A_143 = tpu.vector_load_idx %arg7[%add3A_142] : memref<64xi32, #tpu.memory_space<vmem>>[vector<16xi32>], vector<16xi32>,
      %gather3A_144 = tpu.vector_load_idx %arg9[%add3A_142] : memref<64xi32, #tpu.memory_space<vmem>>[vector<16xi32>], vector<16xi32>,
      %mul3A_145 = arith.constant 2 : i32
      %mul3A_146 = vector.broadcast %mul3A_145 : i32 to vector<16xi32>
      %mul3A_147 = arith.muli %mul3A_146, %gather3A_143 : vector<16xi32>
      %mul3A_148 = arith.constant 2 : i32
      %mul3A_149 = vector.broadcast %mul3A_148 : i32 to vector<16xi32>
      %mul3A_150 = arith.muli %mul3A_149, %gather3A_144 : vector<16xi32>
      %add3A_151 = arith.constant 1 : i32
      %add3A_152 = vector.broadcast %add3A_151 : i32 to vector<16xi32>
      %add3A_153 = arith.addi %mul3A_150, %add3A_152 : vector<16xi32>
      %select_n3A_154 = arith.select %eq3A_8, %mul3A_147, %add3A_153 : vector<16xi1>, vector<16xi32>
      %swap3A_155 = arith.constant 32 : index
      %swap3A_156 = tpu.vector_load %arg11[%swap3A_155] {strides = array<i32>} : memref<128xi32, #tpu.memory_space<vmem>>, vector<16xi32>,
      tpu.vector_store %arg11[%swap3A_155], %select_n3A_154 {strides = array<i32>} : memref<128xi32, #tpu.memory_space<vmem>>, vector<16xi32>,
      %add3A_157 = arith.constant 24 : i32
      %add3A_158 = vector.broadcast %add3A_157 : i32 to vector<16xi32>
      %add3A_159 = arith.addi %shift_right_logical3A_4, %add3A_158 : vector<16xi32>
      %gather3A_160 = tpu.vector_load_idx %arg7[%add3A_159] : memref<64xi32, #tpu.memory_space<vmem>>[vector<16xi32>], vector<16xi32>,
      %gather3A_161 = tpu.vector_load_idx %arg9[%add3A_159] : memref<64xi32, #tpu.memory_space<vmem>>[vector<16xi32>], vector<16xi32>,
      %mul3A_162 = arith.constant 2 : i32
      %mul3A_163 = vector.broadcast %mul3A_162 : i32 to vector<16xi32>
      %mul3A_164 = arith.muli %mul3A_163, %gather3A_160 : vector<16xi32>
      %mul3A_165 = arith.constant 2 : i32
      %mul3A_166 = vector.broadcast %mul3A_165 : i32 to vector<16xi32>
      %mul3A_167 = arith.muli %mul3A_166, %gather3A_161 : vector<16xi32>
      %add3A_168 = arith.constant 1 : i32
      %add3A_169 = vector.broadcast %add3A_168 : i32 to vector<16xi32>
      %add3A_170 = arith.addi %mul3A_167, %add3A_169 : vector<16xi32>
      %select_n3A_171 = arith.select %eq3A_8, %mul3A_164, %add3A_170 : vector<16xi1>, vector<16xi32>
      %swap3A_172 = arith.constant 48 : index
      %swap3A_173 = tpu.vector_load %arg11[%swap3A_172] {strides = array<i32>} : memref<128xi32, #tpu.memory_space<vmem>>, vector<16xi32>,
      tpu.vector_store %arg11[%swap3A_172], %select_n3A_171 {strides = array<i32>} : memref<128xi32, #tpu.memory_space<vmem>>, vector<16xi32>,
      %add3A_174 = arith.constant 32 : i32
      %add3A_175 = vector.broadcast %add3A_174 : i32 to vector<16xi32>
      %add3A_176 = arith.addi %shift_right_logical3A_4, %add3A_175 : vector<16xi32>
      %gather3A_177 = tpu.vector_load_idx %arg7[%add3A_176] : memref<64xi32, #tpu.memory_space<vmem>>[vector<16xi32>], vector<16xi32>,
      %gather3A_178 = tpu.vector_load_idx %arg9[%add3A_176] : memref<64xi32, #tpu.memory_space<vmem>>[vector<16xi32>], vector<16xi32>,
      %mul3A_179 = arith.constant 2 : i32
      %mul3A_180 = vector.broadcast %mul3A_179 : i32 to vector<16xi32>
      %mul3A_181 = arith.muli %mul3A_180, %gather3A_177 : vector<16xi32>
      %mul3A_182 = arith.constant 2 : i32
      %mul3A_183 = vector.broadcast %mul3A_182 : i32 to vector<16xi32>
      %mul3A_184 = arith.muli %mul3A_183, %gather3A_178 : vector<16xi32>
      %add3A_185 = arith.constant 1 : i32
      %add3A_186 = vector.broadcast %add3A_185 : i32 to vector<16xi32>
      %add3A_187 = arith.addi %mul3A_184, %add3A_186 : vector<16xi32>
      %select_n3A_188 = arith.select %eq3A_8, %mul3A_181, %add3A_187 : vector<16xi1>, vector<16xi32>
      %swap3A_189 = arith.constant 64 : index
      %swap3A_190 = tpu.vector_load %arg11[%swap3A_189] {strides = array<i32>} : memref<128xi32, #tpu.memory_space<vmem>>, vector<16xi32>,
      tpu.vector_store %arg11[%swap3A_189], %select_n3A_188 {strides = array<i32>} : memref<128xi32, #tpu.memory_space<vmem>>, vector<16xi32>,
      %add3A_191 = arith.constant 40 : i32
      %add3A_192 = vector.broadcast %add3A_191 : i32 to vector<16xi32>
      %add3A_193 = arith.addi %shift_right_logical3A_4, %add3A_192 : vector<16xi32>
      %gather3A_194 = tpu.vector_load_idx %arg7[%add3A_193] : memref<64xi32, #tpu.memory_space<vmem>>[vector<16xi32>], vector<16xi32>,
      %gather3A_195 = tpu.vector_load_idx %arg9[%add3A_193] : memref<64xi32, #tpu.memory_space<vmem>>[vector<16xi32>], vector<16xi32>,
      %mul3A_196 = arith.constant 2 : i32
      %mul3A_197 = vector.broadcast %mul3A_196 : i32 to vector<16xi32>
      %mul3A_198 = arith.muli %mul3A_197, %gather3A_194 : vector<16xi32>
      %mul3A_199 = arith.constant 2 : i32
      %mul3A_200 = vector.broadcast %mul3A_199 : i32 to vector<16xi32>
      %mul3A_201 = arith.muli %mul3A_200, %gather3A_195 : vector<16xi32>
      %add3A_202 = arith.constant 1 : i32
      %add3A_203 = vector.broadcast %add3A_202 : i32 to vector<16xi32>
      %add3A_204 = arith.addi %mul3A_201, %add3A_203 : vector<16xi32>
      %select_n3A_205 = arith.select %eq3A_8, %mul3A_198, %add3A_204 : vector<16xi1>, vector<16xi32>
      %swap3A_206 = arith.constant 80 : index
      %swap3A_207 = tpu.vector_load %arg11[%swap3A_206] {strides = array<i32>} : memref<128xi32, #tpu.memory_space<vmem>>, vector<16xi32>,
      tpu.vector_store %arg11[%swap3A_206], %select_n3A_205 {strides = array<i32>} : memref<128xi32, #tpu.memory_space<vmem>>, vector<16xi32>,
      %add3A_208 = arith.constant 48 : i32
      %add3A_209 = vector.broadcast %add3A_208 : i32 to vector<16xi32>
      %add3A_210 = arith.addi %shift_right_logical3A_4, %add3A_209 : vector<16xi32>
      %gather3A_211 = tpu.vector_load_idx %arg7[%add3A_210] : memref<64xi32, #tpu.memory_space<vmem>>[vector<16xi32>], vector<16xi32>,
      %gather3A_212 = tpu.vector_load_idx %arg9[%add3A_210] : memref<64xi32, #tpu.memory_space<vmem>>[vector<16xi32>], vector<16xi32>,
      %mul3A_213 = arith.constant 2 : i32
      %mul3A_214 = vector.broadcast %mul3A_213 : i32 to vector<16xi32>
      %mul3A_215 = arith.muli %mul3A_214, %gather3A_211 : vector<16xi32>
      %mul3A_216 = arith.constant 2 : i32
      %mul3A_217 = vector.broadcast %mul3A_216 : i32 to vector<16xi32>
      %mul3A_218 = arith.muli %mul3A_217, %gather3A_212 : vector<16xi32>
      %add3A_219 = arith.constant 1 : i32
      %add3A_220 = vector.broadcast %add3A_219 : i32 to vector<16xi32>
      %add3A_221 = arith.addi %mul3A_218, %add3A_220 : vector<16xi32>
      %select_n3A_222 = arith.select %eq3A_8, %mul3A_215, %add3A_221 : vector<16xi1>, vector<16xi32>
      %swap3A_223 = arith.constant 96 : index
      %swap3A_224 = tpu.vector_load %arg11[%swap3A_223] {strides = array<i32>} : memref<128xi32, #tpu.memory_space<vmem>>, vector<16xi32>,
      tpu.vector_store %arg11[%swap3A_223], %select_n3A_222 {strides = array<i32>} : memref<128xi32, #tpu.memory_space<vmem>>, vector<16xi32>,
      %add3A_225 = arith.constant 56 : i32
      %add3A_226 = vector.broadcast %add3A_225 : i32 to vector<16xi32>
      %add3A_227 = arith.addi %shift_right_logical3A_4, %add3A_226 : vector<16xi32>
      %gather3A_228 = tpu.vector_load_idx %arg7[%add3A_227] : memref<64xi32, #tpu.memory_space<vmem>>[vector<16xi32>], vector<16xi32>,
      %gather3A_229 = tpu.vector_load_idx %arg9[%add3A_227] : memref<64xi32, #tpu.memory_space<vmem>>[vector<16xi32>], vector<16xi32>,
      %mul3A_230 = arith.constant 2 : i32
      %mul3A_231 = vector.broadcast %mul3A_230 : i32 to vector<16xi32>
      %mul3A_232 = arith.muli %mul3A_231, %gather3A_228 : vector<16xi32>
      %mul3A_233 = arith.constant 2 : i32
      %mul3A_234 = vector.broadcast %mul3A_233 : i32 to vector<16xi32>
      %mul3A_235 = arith.muli %mul3A_234, %gather3A_229 : vector<16xi32>
      %add3A_236 = arith.constant 1 : i32
      %add3A_237 = vector.broadcast %add3A_236 : i32 to vector<16xi32>
      %add3A_238 = arith.addi %mul3A_235, %add3A_237 : vector<16xi32>
      %select_n3A_239 = arith.select %eq3A_8, %mul3A_232, %add3A_238 : vector<16xi1>, vector<16xi32>
      %swap3A_240 = arith.constant 112 : index
      %swap3A_241 = tpu.vector_load %arg11[%swap3A_240] {strides = array<i32>} : memref<128xi32, #tpu.memory_space<vmem>>, vector<16xi32>,
      tpu.vector_store %arg11[%swap3A_240], %select_n3A_239 {strides = array<i32>} : memref<128xi32, #tpu.memory_space<vmem>>, vector<16xi32>,
      %ge3A = arith.constant 2 : i32
      %ge3A_242 = arith.cmpi sge, %add3A_95, %ge3A : i32
      %convert_element_type3A = arith.extui %ge3A_242 : i1 to i32
      %cond3A = arith.constant 0 : i32
      %cond3A_243 = arith.cmpi ne, %convert_element_type3A, %cond3A : i32
      scf.if %cond3A_243 {
        %dma_wait3A_449 = arith.constant 0 : i32
        %dma_wait3A_450 = arith.constant 0 : i32
        %dma_wait3A_451 = tpu.memref_slice %arg4[%dma_wait3A_449, %dma_wait3A_450] : memref<320000x8xf32, #tpu.memory_space<hbm>> -> memref<128x8xf32, #tpu.memory_space<hbm>>
        %dma_wait3A_452 = arith.constant 0 : i32
        %dma_wait3A_453 = arith.constant 0 : i32
        %dma_wait3A_454 = tpu.memref_slice %arg4[%dma_wait3A_452, %dma_wait3A_453] : memref<320000x8xf32, #tpu.memory_space<hbm>> -> memref<128x8xf32, #tpu.memory_space<hbm>>
        tpu.wait_dma2 semaphore(%arg19 : memref<!tpu.dma_semaphore, #tpu.memory_space<semaphore_mem>>) src(%arg13 : memref<128x8xf32, #tpu.memory_space<vmem>>) dst(%dma_wait3A_454 : memref<128x8xf32, #tpu.memory_space<hbm>>)
      } else {
      }
      %dma_start3A_244 = arith.constant 0 : i32
      %dma_start3A_245 = arith.constant 0 : i32
      %dma_start3A_246 = tpu.memref_slice %arg5[%dma_start3A_244, %dma_start3A_245] : memref<20480x8xf32, #tpu.memory_space<vmem_shared>> -> memref<20480x8xf32, #tpu.memory_space<vmem_shared>>
      tpu.enqueue_indirect_dma source(%dma_start3A_246 : memref<20480x8xf32, #tpu.memory_space<vmem_shared>>) target(%arg13 : memref<128x8xf32, #tpu.memory_space<vmem>>) offsets(%arg11 : memref<128xi32, #tpu.memory_space<vmem>>) semaphore(%arg17 : memref<!tpu.dma_semaphore, #tpu.memory_space<semaphore_mem>>)
      %add3A_247 = arith.constant 2 : i32
      %add3A_248 = arith.addi %add3A_95, %add3A_247 : i32
      %lt3A = arith.constant 78 : i32
      %lt3A_249 = arith.cmpi slt, %add3A_248, %lt3A : i32
      %convert_element_type3A_250 = arith.extui %lt3A_249 : i1 to i32
      %cond3A_251 = arith.constant 0 : i32
      %cond3A_252 = arith.cmpi ne, %convert_element_type3A_250, %cond3A_251 : i32
      scf.if %cond3A_252 {
        %add3A_449 = arith.constant 2 : i32
        %add3A_450 = arith.addi %add3A_95, %add3A_449 : i32
        %mul3A_451 = arith.constant 64 : i32
        %mul3A_452 = arith.muli %add3A_450, %mul3A_451 : i32
        %add3A_453 = arith.addi %add3A_12, %mul3A_452 : i32
        %multiple_of3A_454 = tpu.assume_multiple %add3A_453, 8 : i32
        %dma_start3A_455 = arith.constant 0 : i32
        %dma_start3A_456 = tpu.memref_slice %arg3[%dma_start3A_455, %multiple_of3A_454] : memref<2x320000xi32, #tpu.memory_space<hbm>> -> memref<1x64xi32, #tpu.memory_space<hbm>>
        %dma_start3A_457 = tpu.memref_squeeze %dma_start3A_456 : memref<1x64xi32, #tpu.memory_space<hbm>> -> memref<64xi32, #tpu.memory_space<hbm>>
        %dma_start3A_458 = tpu.memref_slice %arg3[%dma_start3A_455, %multiple_of3A_454] : memref<2x320000xi32, #tpu.memory_space<hbm>> -> memref<1x64xi32, #tpu.memory_space<hbm>>
        %dma_start3A_459 = tpu.memref_squeeze %dma_start3A_458 : memref<1x64xi32, #tpu.memory_space<hbm>> -> memref<64xi32, #tpu.memory_space<hbm>>
        tpu.enqueue_dma source(%dma_start3A_459 : memref<64xi32, #tpu.memory_space<hbm>>) target(%arg7 : memref<64xi32, #tpu.memory_space<vmem>>) target_semaphore(%arg15 : memref<!tpu.dma_semaphore, #tpu.memory_space<semaphore_mem>>)
        %dma_start3A_460 = arith.constant 1 : i32
        %dma_start3A_461 = tpu.memref_slice %arg3[%dma_start3A_460, %multiple_of3A_454] : memref<2x320000xi32, #tpu.memory_space<hbm>> -> memref<1x64xi32, #tpu.memory_space<hbm>>
        %dma_start3A_462 = tpu.memref_squeeze %dma_start3A_461 : memref<1x64xi32, #tpu.memory_space<hbm>> -> memref<64xi32, #tpu.memory_space<hbm>>
        %dma_start3A_463 = tpu.memref_slice %arg3[%dma_start3A_460, %multiple_of3A_454] : memref<2x320000xi32, #tpu.memory_space<hbm>> -> memref<1x64xi32, #tpu.memory_space<hbm>>
        %dma_start3A_464 = tpu.memref_squeeze %dma_start3A_463 : memref<1x64xi32, #tpu.memory_space<hbm>> -> memref<64xi32, #tpu.memory_space<hbm>>
        tpu.enqueue_dma source(%dma_start3A_464 : memref<64xi32, #tpu.memory_space<hbm>>) target(%arg9 : memref<64xi32, #tpu.memory_space<vmem>>) target_semaphore(%arg15 : memref<!tpu.dma_semaphore, #tpu.memory_space<semaphore_mem>>)
      } else {
      }
      %mul3A_253 = arith.constant 64 : i32
      %mul3A_254 = arith.muli %add3A_95, %mul3A_253 : i32
      %add3A_255 = arith.addi %add3A_12, %mul3A_254 : i32
      %multiple_of3A_256 = tpu.assume_multiple %add3A_255, 8 : i32
      %dma_wait3A_257 = arith.constant 0 : i32
      %dma_wait3A_258 = arith.constant 0 : i32
      %dma_wait3A_259 = tpu.memref_slice %arg5[%dma_wait3A_257, %dma_wait3A_258] : memref<20480x8xf32, #tpu.memory_space<vmem_shared>> -> memref<20480x8xf32, #tpu.memory_space<vmem_shared>>
      tpu.wait_indirect_dma semaphore(%arg17 : memref<!tpu.dma_semaphore, #tpu.memory_space<semaphore_mem>>) src(%dma_wait3A_259 : memref<20480x8xf32, #tpu.memory_space<vmem_shared>>) dst(%arg13 : memref<128x8xf32, #tpu.memory_space<vmem>>)
      %sub3A_260 = arith.constant 0 : i32
      %sub3A_261 = arith.subi %multiple_of3A_256, %sub3A_260 : i32
      %mul3A_262 = arith.constant 2 : i32
      %mul3A_263 = arith.muli %mul3A_262, %sub3A_261 : i32
      %dma_start3A_264 = arith.constant 0 : i32
      %dma_start3A_265 = tpu.memref_slice %arg4[%mul3A_263, %dma_start3A_264] : memref<320000x8xf32, #tpu.memory_space<hbm>> -> memref<128x8xf32, #tpu.memory_space<hbm>>
      %dma_start3A_266 = arith.constant 0 : i32
      %dma_start3A_267 = tpu.memref_slice %arg4[%mul3A_263, %dma_start3A_266] : memref<320000x8xf32, #tpu.memory_space<hbm>> -> memref<128x8xf32, #tpu.memory_space<hbm>>
      tpu.enqueue_dma source(%arg13 : memref<128x8xf32, #tpu.memory_space<vmem>>) target(%dma_start3A_267 : memref<128x8xf32, #tpu.memory_space<hbm>>) target_semaphore(%arg19 : memref<!tpu.dma_semaphore, #tpu.memory_space<semaphore_mem>>)
      %mul3A_268 = arith.constant 2 : i32
      %mul3A_269 = arith.muli %scan3A_90, %mul3A_268 : i32
      %add3A_270 = arith.constant 1 : i32
      %add3A_271 = arith.addi %mul3A_269, %add3A_270 : i32
      %dma_wait3A_272 = arith.constant 0 : i32
      %dma_wait3A_273 = tpu.memref_slice %arg3[%dma_wait3A_272, %add3A_12] : memref<2x320000xi32, #tpu.memory_space<hbm>> -> memref<1x64xi32, #tpu.memory_space<hbm>>
      %dma_wait3A_274 = tpu.memref_squeeze %dma_wait3A_273 : memref<1x64xi32, #tpu.memory_space<hbm>> -> memref<64xi32, #tpu.memory_space<hbm>>
      %dma_wait3A_275 = tpu.memref_slice %arg3[%dma_wait3A_272, %add3A_12] : memref<2x320000xi32, #tpu.memory_space<hbm>> -> memref<1x64xi32, #tpu.memory_space<hbm>>
      %dma_wait3A_276 = tpu.memref_squeeze %dma_wait3A_275 : memref<1x64xi32, #tpu.memory_space<hbm>> -> memref<64xi32, #tpu.memory_space<hbm>>
      tpu.wait_dma2 semaphore(%arg16 : memref<!tpu.dma_semaphore, #tpu.memory_space<semaphore_mem>>) src(%dma_wait3A_276 : memref<64xi32, #tpu.memory_space<hbm>>) dst(%arg8 : memref<64xi32, #tpu.memory_space<vmem>>)
      %dma_wait3A_277 = arith.constant 1 : i32
      %dma_wait3A_278 = tpu.memref_slice %arg3[%dma_wait3A_277, %add3A_12] : memref<2x320000xi32, #tpu.memory_space<hbm>> -> memref<1x64xi32, #tpu.memory_space<hbm>>
      %dma_wait3A_279 = tpu.memref_squeeze %dma_wait3A_278 : memref<1x64xi32, #tpu.memory_space<hbm>> -> memref<64xi32, #tpu.memory_space<hbm>>
      %dma_wait3A_280 = tpu.memref_slice %arg3[%dma_wait3A_277, %add3A_12] : memref<2x320000xi32, #tpu.memory_space<hbm>> -> memref<1x64xi32, #tpu.memory_space<hbm>>
      %dma_wait3A_281 = tpu.memref_squeeze %dma_wait3A_280 : memref<1x64xi32, #tpu.memory_space<hbm>> -> memref<64xi32, #tpu.memory_space<hbm>>
      tpu.wait_dma2 semaphore(%arg16 : memref<!tpu.dma_semaphore, #tpu.memory_space<semaphore_mem>>) src(%dma_wait3A_281 : memref<64xi32, #tpu.memory_space<hbm>>) dst(%arg10 : memref<64xi32, #tpu.memory_space<vmem>>)
      %add3A_282 = arith.constant 0 : i32
      %add3A_283 = vector.broadcast %add3A_282 : i32 to vector<16xi32>
      %add3A_284 = arith.addi %shift_right_logical3A_4, %add3A_283 : vector<16xi32>
      %gather3A_285 = tpu.vector_load_idx %arg8[%add3A_284] : memref<64xi32, #tpu.memory_space<vmem>>[vector<16xi32>], vector<16xi32>,
      %gather3A_286 = tpu.vector_load_idx %arg10[%add3A_284] : memref<64xi32, #tpu.memory_space<vmem>>[vector<16xi32>], vector<16xi32>,
      %mul3A_287 = arith.constant 2 : i32
      %mul3A_288 = vector.broadcast %mul3A_287 : i32 to vector<16xi32>
      %mul3A_289 = arith.muli %mul3A_288, %gather3A_285 : vector<16xi32>
      %mul3A_290 = arith.constant 2 : i32
      %mul3A_291 = vector.broadcast %mul3A_290 : i32 to vector<16xi32>
      %mul3A_292 = arith.muli %mul3A_291, %gather3A_286 : vector<16xi32>
      %add3A_293 = arith.constant 1 : i32
      %add3A_294 = vector.broadcast %add3A_293 : i32 to vector<16xi32>
      %add3A_295 = arith.addi %mul3A_292, %add3A_294 : vector<16xi32>
      %select_n3A_296 = arith.select %eq3A_8, %mul3A_289, %add3A_295 : vector<16xi1>, vector<16xi32>
      %swap3A_297 = arith.constant 0 : index
      %swap3A_298 = tpu.vector_load %arg12[%swap3A_297] {strides = array<i32>} : memref<128xi32, #tpu.memory_space<vmem>>, vector<16xi32>,
      tpu.vector_store %arg12[%swap3A_297], %select_n3A_296 {strides = array<i32>} : memref<128xi32, #tpu.memory_space<vmem>>, vector<16xi32>,
      %add3A_299 = arith.constant 8 : i32
      %add3A_300 = vector.broadcast %add3A_299 : i32 to vector<16xi32>
      %add3A_301 = arith.addi %shift_right_logical3A_4, %add3A_300 : vector<16xi32>
      %gather3A_302 = tpu.vector_load_idx %arg8[%add3A_301] : memref<64xi32, #tpu.memory_space<vmem>>[vector<16xi32>], vector<16xi32>,
      %gather3A_303 = tpu.vector_load_idx %arg10[%add3A_301] : memref<64xi32, #tpu.memory_space<vmem>>[vector<16xi32>], vector<16xi32>,
      %mul3A_304 = arith.constant 2 : i32
      %mul3A_305 = vector.broadcast %mul3A_304 : i32 to vector<16xi32>
      %mul3A_306 = arith.muli %mul3A_305, %gather3A_302 : vector<16xi32>
      %mul3A_307 = arith.constant 2 : i32
      %mul3A_308 = vector.broadcast %mul3A_307 : i32 to vector<16xi32>
      %mul3A_309 = arith.muli %mul3A_308, %gather3A_303 : vector<16xi32>
      %add3A_310 = arith.constant 1 : i32
      %add3A_311 = vector.broadcast %add3A_310 : i32 to vector<16xi32>
      %add3A_312 = arith.addi %mul3A_309, %add3A_311 : vector<16xi32>
      %select_n3A_313 = arith.select %eq3A_8, %mul3A_306, %add3A_312 : vector<16xi1>, vector<16xi32>
      %swap3A_314 = arith.constant 16 : index
      %swap3A_315 = tpu.vector_load %arg12[%swap3A_314] {strides = array<i32>} : memref<128xi32, #tpu.memory_space<vmem>>, vector<16xi32>,
      tpu.vector_store %arg12[%swap3A_314], %select_n3A_313 {strides = array<i32>} : memref<128xi32, #tpu.memory_space<vmem>>, vector<16xi32>,
      %add3A_316 = arith.constant 16 : i32
      %add3A_317 = vector.broadcast %add3A_316 : i32 to vector<16xi32>
      %add3A_318 = arith.addi %shift_right_logical3A_4, %add3A_317 : vector<16xi32>
      %gather3A_319 = tpu.vector_load_idx %arg8[%add3A_318] : memref<64xi32, #tpu.memory_space<vmem>>[vector<16xi32>], vector<16xi32>,
      %gather3A_320 = tpu.vector_load_idx %arg10[%add3A_318] : memref<64xi32, #tpu.memory_space<vmem>>[vector<16xi32>], vector<16xi32>,
      %mul3A_321 = arith.constant 2 : i32
      %mul3A_322 = vector.broadcast %mul3A_321 : i32 to vector<16xi32>
      %mul3A_323 = arith.muli %mul3A_322, %gather3A_319 : vector<16xi32>
      %mul3A_324 = arith.constant 2 : i32
      %mul3A_325 = vector.broadcast %mul3A_324 : i32 to vector<16xi32>
      %mul3A_326 = arith.muli %mul3A_325, %gather3A_320 : vector<16xi32>
      %add3A_327 = arith.constant 1 : i32
      %add3A_328 = vector.broadcast %add3A_327 : i32 to vector<16xi32>
      %add3A_329 = arith.addi %mul3A_326, %add3A_328 : vector<16xi32>
      %select_n3A_330 = arith.select %eq3A_8, %mul3A_323, %add3A_329 : vector<16xi1>, vector<16xi32>
      %swap3A_331 = arith.constant 32 : index
      %swap3A_332 = tpu.vector_load %arg12[%swap3A_331] {strides = array<i32>} : memref<128xi32, #tpu.memory_space<vmem>>, vector<16xi32>,
      tpu.vector_store %arg12[%swap3A_331], %select_n3A_330 {strides = array<i32>} : memref<128xi32, #tpu.memory_space<vmem>>, vector<16xi32>,
      %add3A_333 = arith.constant 24 : i32
      %add3A_334 = vector.broadcast %add3A_333 : i32 to vector<16xi32>
      %add3A_335 = arith.addi %shift_right_logical3A_4, %add3A_334 : vector<16xi32>
      %gather3A_336 = tpu.vector_load_idx %arg8[%add3A_335] : memref<64xi32, #tpu.memory_space<vmem>>[vector<16xi32>], vector<16xi32>,
      %gather3A_337 = tpu.vector_load_idx %arg10[%add3A_335] : memref<64xi32, #tpu.memory_space<vmem>>[vector<16xi32>], vector<16xi32>,
      %mul3A_338 = arith.constant 2 : i32
      %mul3A_339 = vector.broadcast %mul3A_338 : i32 to vector<16xi32>
      %mul3A_340 = arith.muli %mul3A_339, %gather3A_336 : vector<16xi32>
      %mul3A_341 = arith.constant 2 : i32
      %mul3A_342 = vector.broadcast %mul3A_341 : i32 to vector<16xi32>
      %mul3A_343 = arith.muli %mul3A_342, %gather3A_337 : vector<16xi32>
      %add3A_344 = arith.constant 1 : i32
      %add3A_345 = vector.broadcast %add3A_344 : i32 to vector<16xi32>
      %add3A_346 = arith.addi %mul3A_343, %add3A_345 : vector<16xi32>
      %select_n3A_347 = arith.select %eq3A_8, %mul3A_340, %add3A_346 : vector<16xi1>, vector<16xi32>
      %swap3A_348 = arith.constant 48 : index
      %swap3A_349 = tpu.vector_load %arg12[%swap3A_348] {strides = array<i32>} : memref<128xi32, #tpu.memory_space<vmem>>, vector<16xi32>,
      tpu.vector_store %arg12[%swap3A_348], %select_n3A_347 {strides = array<i32>} : memref<128xi32, #tpu.memory_space<vmem>>, vector<16xi32>,
      %add3A_350 = arith.constant 32 : i32
      %add3A_351 = vector.broadcast %add3A_350 : i32 to vector<16xi32>
      %add3A_352 = arith.addi %shift_right_logical3A_4, %add3A_351 : vector<16xi32>
      %gather3A_353 = tpu.vector_load_idx %arg8[%add3A_352] : memref<64xi32, #tpu.memory_space<vmem>>[vector<16xi32>], vector<16xi32>,
      %gather3A_354 = tpu.vector_load_idx %arg10[%add3A_352] : memref<64xi32, #tpu.memory_space<vmem>>[vector<16xi32>], vector<16xi32>,
      %mul3A_355 = arith.constant 2 : i32
      %mul3A_356 = vector.broadcast %mul3A_355 : i32 to vector<16xi32>
      %mul3A_357 = arith.muli %mul3A_356, %gather3A_353 : vector<16xi32>
      %mul3A_358 = arith.constant 2 : i32
      %mul3A_359 = vector.broadcast %mul3A_358 : i32 to vector<16xi32>
      %mul3A_360 = arith.muli %mul3A_359, %gather3A_354 : vector<16xi32>
      %add3A_361 = arith.constant 1 : i32
      %add3A_362 = vector.broadcast %add3A_361 : i32 to vector<16xi32>
      %add3A_363 = arith.addi %mul3A_360, %add3A_362 : vector<16xi32>
      %select_n3A_364 = arith.select %eq3A_8, %mul3A_357, %add3A_363 : vector<16xi1>, vector<16xi32>
      %swap3A_365 = arith.constant 64 : index
      %swap3A_366 = tpu.vector_load %arg12[%swap3A_365] {strides = array<i32>} : memref<128xi32, #tpu.memory_space<vmem>>, vector<16xi32>,
      tpu.vector_store %arg12[%swap3A_365], %select_n3A_364 {strides = array<i32>} : memref<128xi32, #tpu.memory_space<vmem>>, vector<16xi32>,
      %add3A_367 = arith.constant 40 : i32
      %add3A_368 = vector.broadcast %add3A_367 : i32 to vector<16xi32>
      %add3A_369 = arith.addi %shift_right_logical3A_4, %add3A_368 : vector<16xi32>
      %gather3A_370 = tpu.vector_load_idx %arg8[%add3A_369] : memref<64xi32, #tpu.memory_space<vmem>>[vector<16xi32>], vector<16xi32>,
      %gather3A_371 = tpu.vector_load_idx %arg10[%add3A_369] : memref<64xi32, #tpu.memory_space<vmem>>[vector<16xi32>], vector<16xi32>,
      %mul3A_372 = arith.constant 2 : i32
      %mul3A_373 = vector.broadcast %mul3A_372 : i32 to vector<16xi32>
      %mul3A_374 = arith.muli %mul3A_373, %gather3A_370 : vector<16xi32>
      %mul3A_375 = arith.constant 2 : i32
      %mul3A_376 = vector.broadcast %mul3A_375 : i32 to vector<16xi32>
      %mul3A_377 = arith.muli %mul3A_376, %gather3A_371 : vector<16xi32>
      %add3A_378 = arith.constant 1 : i32
      %add3A_379 = vector.broadcast %add3A_378 : i32 to vector<16xi32>
      %add3A_380 = arith.addi %mul3A_377, %add3A_379 : vector<16xi32>
      %select_n3A_381 = arith.select %eq3A_8, %mul3A_374, %add3A_380 : vector<16xi1>, vector<16xi32>
      %swap3A_382 = arith.constant 80 : index
      %swap3A_383 = tpu.vector_load %arg12[%swap3A_382] {strides = array<i32>} : memref<128xi32, #tpu.memory_space<vmem>>, vector<16xi32>,
      tpu.vector_store %arg12[%swap3A_382], %select_n3A_381 {strides = array<i32>} : memref<128xi32, #tpu.memory_space<vmem>>, vector<16xi32>,
      %add3A_384 = arith.constant 48 : i32
      %add3A_385 = vector.broadcast %add3A_384 : i32 to vector<16xi32>
      %add3A_386 = arith.addi %shift_right_logical3A_4, %add3A_385 : vector<16xi32>
      %gather3A_387 = tpu.vector_load_idx %arg8[%add3A_386] : memref<64xi32, #tpu.memory_space<vmem>>[vector<16xi32>], vector<16xi32>,
      %gather3A_388 = tpu.vector_load_idx %arg10[%add3A_386] : memref<64xi32, #tpu.memory_space<vmem>>[vector<16xi32>], vector<16xi32>,
      %mul3A_389 = arith.constant 2 : i32
      %mul3A_390 = vector.broadcast %mul3A_389 : i32 to vector<16xi32>
      %mul3A_391 = arith.muli %mul3A_390, %gather3A_387 : vector<16xi32>
      %mul3A_392 = arith.constant 2 : i32
      %mul3A_393 = vector.broadcast %mul3A_392 : i32 to vector<16xi32>
      %mul3A_394 = arith.muli %mul3A_393, %gather3A_388 : vector<16xi32>
      %add3A_395 = arith.constant 1 : i32
      %add3A_396 = vector.broadcast %add3A_395 : i32 to vector<16xi32>
      %add3A_397 = arith.addi %mul3A_394, %add3A_396 : vector<16xi32>
      %select_n3A_398 = arith.select %eq3A_8, %mul3A_391, %add3A_397 : vector<16xi1>, vector<16xi32>
      %swap3A_399 = arith.constant 96 : index
      %swap3A_400 = tpu.vector_load %arg12[%swap3A_399] {strides = array<i32>} : memref<128xi32, #tpu.memory_space<vmem>>, vector<16xi32>,
      tpu.vector_store %arg12[%swap3A_399], %select_n3A_398 {strides = array<i32>} : memref<128xi32, #tpu.memory_space<vmem>>, vector<16xi32>,
      %add3A_401 = arith.constant 56 : i32
      %add3A_402 = vector.broadcast %add3A_401 : i32 to vector<16xi32>
      %add3A_403 = arith.addi %shift_right_logical3A_4, %add3A_402 : vector<16xi32>
      %gather3A_404 = tpu.vector_load_idx %arg8[%add3A_403] : memref<64xi32, #tpu.memory_space<vmem>>[vector<16xi32>], vector<16xi32>,
      %gather3A_405 = tpu.vector_load_idx %arg10[%add3A_403] : memref<64xi32, #tpu.memory_space<vmem>>[vector<16xi32>], vector<16xi32>,
      %mul3A_406 = arith.constant 2 : i32
      %mul3A_407 = vector.broadcast %mul3A_406 : i32 to vector<16xi32>
      %mul3A_408 = arith.muli %mul3A_407, %gather3A_404 : vector<16xi32>
      %mul3A_409 = arith.constant 2 : i32
      %mul3A_410 = vector.broadcast %mul3A_409 : i32 to vector<16xi32>
      %mul3A_411 = arith.muli %mul3A_410, %gather3A_405 : vector<16xi32>
      %add3A_412 = arith.constant 1 : i32
      %add3A_413 = vector.broadcast %add3A_412 : i32 to vector<16xi32>
      %add3A_414 = arith.addi %mul3A_411, %add3A_413 : vector<16xi32>
      %select_n3A_415 = arith.select %eq3A_8, %mul3A_408, %add3A_414 : vector<16xi1>, vector<16xi32>
      %swap3A_416 = arith.constant 112 : index
      %swap3A_417 = tpu.vector_load %arg12[%swap3A_416] {strides = array<i32>} : memref<128xi32, #tpu.memory_space<vmem>>, vector<16xi32>,
      tpu.vector_store %arg12[%swap3A_416], %select_n3A_415 {strides = array<i32>} : memref<128xi32, #tpu.memory_space<vmem>>, vector<16xi32>,
      %ge3A_418 = arith.constant 2 : i32
      %ge3A_419 = arith.cmpi sge, %add3A_271, %ge3A_418 : i32
      %convert_element_type3A_420 = arith.extui %ge3A_419 : i1 to i32
      %cond3A_421 = arith.constant 0 : i32
      %cond3A_422 = arith.cmpi ne, %convert_element_type3A_420, %cond3A_421 : i32
      scf.if %cond3A_422 {
        %dma_wait3A_449 = arith.constant 0 : i32
        %dma_wait3A_450 = arith.constant 0 : i32
        %dma_wait3A_451 = tpu.memref_slice %arg4[%dma_wait3A_449, %dma_wait3A_450] : memref<320000x8xf32, #tpu.memory_space<hbm>> -> memref<128x8xf32, #tpu.memory_space<hbm>>
        %dma_wait3A_452 = arith.constant 0 : i32
        %dma_wait3A_453 = arith.constant 0 : i32
        %dma_wait3A_454 = tpu.memref_slice %arg4[%dma_wait3A_452, %dma_wait3A_453] : memref<320000x8xf32, #tpu.memory_space<hbm>> -> memref<128x8xf32, #tpu.memory_space<hbm>>
        tpu.wait_dma2 semaphore(%arg20 : memref<!tpu.dma_semaphore, #tpu.memory_space<semaphore_mem>>) src(%arg14 : memref<128x8xf32, #tpu.memory_space<vmem>>) dst(%dma_wait3A_454 : memref<128x8xf32, #tpu.memory_space<hbm>>)
      } else {
      }
      %dma_start3A_423 = arith.constant 0 : i32
      %dma_start3A_424 = arith.constant 0 : i32
      %dma_start3A_425 = tpu.memref_slice %arg5[%dma_start3A_423, %dma_start3A_424] : memref<20480x8xf32, #tpu.memory_space<vmem_shared>> -> memref<20480x8xf32, #tpu.memory_space<vmem_shared>>
      tpu.enqueue_indirect_dma source(%dma_start3A_425 : memref<20480x8xf32, #tpu.memory_space<vmem_shared>>) target(%arg14 : memref<128x8xf32, #tpu.memory_space<vmem>>) offsets(%arg12 : memref<128xi32, #tpu.memory_space<vmem>>) semaphore(%arg18 : memref<!tpu.dma_semaphore, #tpu.memory_space<semaphore_mem>>)
      %add3A_426 = arith.constant 2 : i32
      %add3A_427 = arith.addi %add3A_271, %add3A_426 : i32
      %lt3A_428 = arith.constant 78 : i32
      %lt3A_429 = arith.cmpi slt, %add3A_427, %lt3A_428 : i32
      %convert_element_type3A_430 = arith.extui %lt3A_429 : i1 to i32
      %cond3A_431 = arith.constant 0 : i32
      %cond3A_432 = arith.cmpi ne, %convert_element_type3A_430, %cond3A_431 : i32
      scf.if %cond3A_432 {
        %add3A_449 = arith.constant 2 : i32
        %add3A_450 = arith.addi %add3A_271, %add3A_449 : i32
        %mul3A_451 = arith.constant 64 : i32
        %mul3A_452 = arith.muli %add3A_450, %mul3A_451 : i32
        %add3A_453 = arith.addi %add3A_12, %mul3A_452 : i32
        %multiple_of3A_454 = tpu.assume_multiple %add3A_453, 8 : i32
        %dma_start3A_455 = arith.constant 0 : i32
        %dma_start3A_456 = tpu.memref_slice %arg3[%dma_start3A_455, %multiple_of3A_454] : memref<2x320000xi32, #tpu.memory_space<hbm>> -> memref<1x64xi32, #tpu.memory_space<hbm>>
        %dma_start3A_457 = tpu.memref_squeeze %dma_start3A_456 : memref<1x64xi32, #tpu.memory_space<hbm>> -> memref<64xi32, #tpu.memory_space<hbm>>
        %dma_start3A_458 = tpu.memref_slice %arg3[%dma_start3A_455, %multiple_of3A_454] : memref<2x320000xi32, #tpu.memory_space<hbm>> -> memref<1x64xi32, #tpu.memory_space<hbm>>
        %dma_start3A_459 = tpu.memref_squeeze %dma_start3A_458 : memref<1x64xi32, #tpu.memory_space<hbm>> -> memref<64xi32, #tpu.memory_space<hbm>>
        tpu.enqueue_dma source(%dma_start3A_459 : memref<64xi32, #tpu.memory_space<hbm>>) target(%arg8 : memref<64xi32, #tpu.memory_space<vmem>>) target_semaphore(%arg16 : memref<!tpu.dma_semaphore, #tpu.memory_space<semaphore_mem>>)
        %dma_start3A_460 = arith.constant 1 : i32
        %dma_start3A_461 = tpu.memref_slice %arg3[%dma_start3A_460, %multiple_of3A_454] : memref<2x320000xi32, #tpu.memory_space<hbm>> -> memref<1x64xi32, #tpu.memory_space<hbm>>
        %dma_start3A_462 = tpu.memref_squeeze %dma_start3A_461 : memref<1x64xi32, #tpu.memory_space<hbm>> -> memref<64xi32, #tpu.memory_space<hbm>>
        %dma_start3A_463 = tpu.memref_slice %arg3[%dma_start3A_460, %multiple_of3A_454] : memref<2x320000xi32, #tpu.memory_space<hbm>> -> memref<1x64xi32, #tpu.memory_space<hbm>>
        %dma_start3A_464 = tpu.memref_squeeze %dma_start3A_463 : memref<1x64xi32, #tpu.memory_space<hbm>> -> memref<64xi32, #tpu.memory_space<hbm>>
        tpu.enqueue_dma source(%dma_start3A_464 : memref<64xi32, #tpu.memory_space<hbm>>) target(%arg10 : memref<64xi32, #tpu.memory_space<vmem>>) target_semaphore(%arg16 : memref<!tpu.dma_semaphore, #tpu.memory_space<semaphore_mem>>)
      } else {
      }
      %mul3A_433 = arith.constant 64 : i32
      %mul3A_434 = arith.muli %add3A_271, %mul3A_433 : i32
      %add3A_435 = arith.addi %add3A_12, %mul3A_434 : i32
      %multiple_of3A_436 = tpu.assume_multiple %add3A_435, 8 : i32
      %dma_wait3A_437 = arith.constant 0 : i32
      %dma_wait3A_438 = arith.constant 0 : i32
      %dma_wait3A_439 = tpu.memref_slice %arg5[%dma_wait3A_437, %dma_wait3A_438] : memref<20480x8xf32, #tpu.memory_space<vmem_shared>> -> memref<20480x8xf32, #tpu.memory_space<vmem_shared>>
      tpu.wait_indirect_dma semaphore(%arg18 : memref<!tpu.dma_semaphore, #tpu.memory_space<semaphore_mem>>) src(%dma_wait3A_439 : memref<20480x8xf32, #tpu.memory_space<vmem_shared>>) dst(%arg14 : memref<128x8xf32, #tpu.memory_space<vmem>>)
      %sub3A_440 = arith.constant 0 : i32
      %sub3A_441 = arith.subi %multiple_of3A_436, %sub3A_440 : i32
      %mul3A_442 = arith.constant 2 : i32
      %mul3A_443 = arith.muli %mul3A_442, %sub3A_441 : i32
      %dma_start3A_444 = arith.constant 0 : i32
      %dma_start3A_445 = tpu.memref_slice %arg4[%mul3A_443, %dma_start3A_444] : memref<320000x8xf32, #tpu.memory_space<hbm>> -> memref<128x8xf32, #tpu.memory_space<hbm>>
      %dma_start3A_446 = arith.constant 0 : i32
      %dma_start3A_447 = tpu.memref_slice %arg4[%mul3A_443, %dma_start3A_446] : memref<320000x8xf32, #tpu.memory_space<hbm>> -> memref<128x8xf32, #tpu.memory_space<hbm>>
      tpu.enqueue_dma source(%arg14 : memref<128x8xf32, #tpu.memory_space<vmem>>) target(%dma_start3A_447 : memref<128x8xf32, #tpu.memory_space<hbm>>) target_semaphore(%arg20 : memref<!tpu.dma_semaphore, #tpu.memory_space<semaphore_mem>>)
      %scan3A_448 = arith.constant 0 : i32
      scf.yield %scan3A_448 : i32
    }
    %scan3A_42 = arith.constant 39 : i32
    %dma_wait3A = arith.constant 0 : i32
    %dma_wait3A_43 = arith.constant 0 : i32
    %dma_wait3A_44 = tpu.memref_slice %arg4[%dma_wait3A, %dma_wait3A_43] : memref<320000x8xf32, #tpu.memory_space<hbm>> -> memref<128x8xf32, #tpu.memory_space<hbm>>
    %dma_wait3A_45 = arith.constant 0 : i32
    %dma_wait3A_46 = arith.constant 0 : i32
    %dma_wait3A_47 = tpu.memref_slice %arg4[%dma_wait3A_45, %dma_wait3A_46] : memref<320000x8xf32, #tpu.memory_space<hbm>> -> memref<128x8xf32, #tpu.memory_space<hbm>>
    tpu.wait_dma2 semaphore(%arg19 : memref<!tpu.dma_semaphore, #tpu.memory_space<semaphore_mem>>) src(%arg13 : memref<128x8xf32, #tpu.memory_space<vmem>>) dst(%dma_wait3A_47 : memref<128x8xf32, #tpu.memory_space<hbm>>)
    %dma_wait3A_48 = arith.constant 0 : i32
    %dma_wait3A_49 = arith.constant 0 : i32
    %dma_wait3A_50 = tpu.memref_slice %arg4[%dma_wait3A_48, %dma_wait3A_49] : memref<320000x8xf32, #tpu.memory_space<hbm>> -> memref<128x8xf32, #tpu.memory_space<hbm>>
    %dma_wait3A_51 = arith.constant 0 : i32
    %dma_wait3A_52 = arith.constant 0 : i32
    %dma_wait3A_53 = tpu.memref_slice %arg4[%dma_wait3A_51, %dma_wait3A_52] : memref<320000x8xf32, #tpu.memory_space<hbm>> -> memref<128x8xf32, #tpu.memory_space<hbm>>
    tpu.wait_dma2 semaphore(%arg20 : memref<!tpu.dma_semaphore, #tpu.memory_space<semaphore_mem>>) src(%arg14 : memref<128x8xf32, #tpu.memory_space<vmem>>) dst(%dma_wait3A_53 : memref<128x8xf32, #tpu.memory_space<hbm>>)
    %add3A_54 = arith.constant 4992 : i32
    %add3A_55 = arith.addi %add3A_12, %add3A_54 : i32
    %run_scoped3A = arith.constant 0 : i32
    "tpu.region"() ({
      %run_scoped3A_90 = tpu.sem_alloc : memref<!tpu.dma_semaphore, #tpu.memory_space<semaphore_mem>>
      %dma_start3A_91 = arith.constant 0 : i32
      %dma_start3A_92 = tpu.memref_slice %arg7[%dma_start3A_91] : memref<64xi32, #tpu.memory_space<vmem>> -> memref<8xi32, #tpu.memory_space<vmem>>
      %dma_start3A_93 = tpu.memref_slice %arg3[%run_scoped3A, %add3A_55] : memref<2x320000xi32, #tpu.memory_space<hbm>> -> memref<1x8xi32, #tpu.memory_space<hbm>>
      %dma_start3A_94 = tpu.memref_squeeze %dma_start3A_93 : memref<1x8xi32, #tpu.memory_space<hbm>> -> memref<8xi32, #tpu.memory_space<hbm>>
      %dma_start3A_95 = arith.constant 0 : i32
      %dma_start3A_96 = tpu.memref_slice %arg7[%dma_start3A_95] : memref<64xi32, #tpu.memory_space<vmem>> -> memref<8xi32, #tpu.memory_space<vmem>>
      %dma_start3A_97 = tpu.memref_slice %arg3[%run_scoped3A, %add3A_55] : memref<2x320000xi32, #tpu.memory_space<hbm>> -> memref<1x8xi32, #tpu.memory_space<hbm>>
      %dma_start3A_98 = tpu.memref_squeeze %dma_start3A_97 : memref<1x8xi32, #tpu.memory_space<hbm>> -> memref<8xi32, #tpu.memory_space<hbm>>
      tpu.enqueue_dma source(%dma_start3A_98 : memref<8xi32, #tpu.memory_space<hbm>>) target(%dma_start3A_96 : memref<8xi32, #tpu.memory_space<vmem>>) target_semaphore(%run_scoped3A_90 : memref<!tpu.dma_semaphore, #tpu.memory_space<semaphore_mem>>)
      %dma_wait3A_99 = arith.constant 0 : i32
      %dma_wait3A_100 = tpu.memref_slice %arg7[%dma_wait3A_99] : memref<64xi32, #tpu.memory_space<vmem>> -> memref<8xi32, #tpu.memory_space<vmem>>
      %dma_wait3A_101 = tpu.memref_slice %arg3[%run_scoped3A, %add3A_55] : memref<2x320000xi32, #tpu.memory_space<hbm>> -> memref<1x8xi32, #tpu.memory_space<hbm>>
      %dma_wait3A_102 = tpu.memref_squeeze %dma_wait3A_101 : memref<1x8xi32, #tpu.memory_space<hbm>> -> memref<8xi32, #tpu.memory_space<hbm>>
      %dma_wait3A_103 = arith.constant 0 : i32
      %dma_wait3A_104 = tpu.memref_slice %arg7[%dma_wait3A_103] : memref<64xi32, #tpu.memory_space<vmem>> -> memref<8xi32, #tpu.memory_space<vmem>>
      %dma_wait3A_105 = tpu.memref_slice %arg3[%run_scoped3A, %add3A_55] : memref<2x320000xi32, #tpu.memory_space<hbm>> -> memref<1x8xi32, #tpu.memory_space<hbm>>
      %dma_wait3A_106 = tpu.memref_squeeze %dma_wait3A_105 : memref<1x8xi32, #tpu.memory_space<hbm>> -> memref<8xi32, #tpu.memory_space<hbm>>
      tpu.wait_dma2 semaphore(%run_scoped3A_90 : memref<!tpu.dma_semaphore, #tpu.memory_space<semaphore_mem>>) src(%dma_wait3A_106 : memref<8xi32, #tpu.memory_space<hbm>>) dst(%dma_wait3A_104 : memref<8xi32, #tpu.memory_space<vmem>>)
      tpu.yield
    }) : () -> ()
    %run_scoped3A_56 = arith.constant 1 : i32
    "tpu.region"() ({
      %run_scoped3A_90 = tpu.sem_alloc : memref<!tpu.dma_semaphore, #tpu.memory_space<semaphore_mem>>
      %dma_start3A_91 = arith.constant 0 : i32
      %dma_start3A_92 = tpu.memref_slice %arg9[%dma_start3A_91] : memref<64xi32, #tpu.memory_space<vmem>> -> memref<8xi32, #tpu.memory_space<vmem>>
      %dma_start3A_93 = tpu.memref_slice %arg3[%run_scoped3A_56, %add3A_55] : memref<2x320000xi32, #tpu.memory_space<hbm>> -> memref<1x8xi32, #tpu.memory_space<hbm>>
      %dma_start3A_94 = tpu.memref_squeeze %dma_start3A_93 : memref<1x8xi32, #tpu.memory_space<hbm>> -> memref<8xi32, #tpu.memory_space<hbm>>
      %dma_start3A_95 = arith.constant 0 : i32
      %dma_start3A_96 = tpu.memref_slice %arg9[%dma_start3A_95] : memref<64xi32, #tpu.memory_space<vmem>> -> memref<8xi32, #tpu.memory_space<vmem>>
      %dma_start3A_97 = tpu.memref_slice %arg3[%run_scoped3A_56, %add3A_55] : memref<2x320000xi32, #tpu.memory_space<hbm>> -> memref<1x8xi32, #tpu.memory_space<hbm>>
      %dma_start3A_98 = tpu.memref_squeeze %dma_start3A_97 : memref<1x8xi32, #tpu.memory_space<hbm>> -> memref<8xi32, #tpu.memory_space<hbm>>
      tpu.enqueue_dma source(%dma_start3A_98 : memref<8xi32, #tpu.memory_space<hbm>>) target(%dma_start3A_96 : memref<8xi32, #tpu.memory_space<vmem>>) target_semaphore(%run_scoped3A_90 : memref<!tpu.dma_semaphore, #tpu.memory_space<semaphore_mem>>)
      %dma_wait3A_99 = arith.constant 0 : i32
      %dma_wait3A_100 = tpu.memref_slice %arg9[%dma_wait3A_99] : memref<64xi32, #tpu.memory_space<vmem>> -> memref<8xi32, #tpu.memory_space<vmem>>
      %dma_wait3A_101 = tpu.memref_slice %arg3[%run_scoped3A_56, %add3A_55] : memref<2x320000xi32, #tpu.memory_space<hbm>> -> memref<1x8xi32, #tpu.memory_space<hbm>>
      %dma_wait3A_102 = tpu.memref_squeeze %dma_wait3A_101 : memref<1x8xi32, #tpu.memory_space<hbm>> -> memref<8xi32, #tpu.memory_space<hbm>>
      %dma_wait3A_103 = arith.constant 0 : i32
      %dma_wait3A_104 = tpu.memref_slice %arg9[%dma_wait3A_103] : memref<64xi32, #tpu.memory_space<vmem>> -> memref<8xi32, #tpu.memory_space<vmem>>
      %dma_wait3A_105 = tpu.memref_slice %arg3[%run_scoped3A_56, %add3A_55] : memref<2x320000xi32, #tpu.memory_space<hbm>> -> memref<1x8xi32, #tpu.memory_space<hbm>>
      %dma_wait3A_106 = tpu.memref_squeeze %dma_wait3A_105 : memref<1x8xi32, #tpu.memory_space<hbm>> -> memref<8xi32, #tpu.memory_space<hbm>>
      tpu.wait_dma2 semaphore(%run_scoped3A_90 : memref<!tpu.dma_semaphore, #tpu.memory_space<semaphore_mem>>) src(%dma_wait3A_106 : memref<8xi32, #tpu.memory_space<hbm>>) dst(%dma_wait3A_104 : memref<8xi32, #tpu.memory_space<vmem>>)
      tpu.yield
    }) : () -> ()
    %add3A_57 = arith.constant 0 : i32
    %add3A_58 = vector.broadcast %add3A_57 : i32 to vector<16xi32>
    %add3A_59 = arith.addi %shift_right_logical3A_4, %add3A_58 : vector<16xi32>
    %gather3A = tpu.vector_load_idx %arg7[%add3A_59] : memref<64xi32, #tpu.memory_space<vmem>>[vector<16xi32>], vector<16xi32>,
    %gather3A_60 = tpu.vector_load_idx %arg9[%add3A_59] : memref<64xi32, #tpu.memory_space<vmem>>[vector<16xi32>], vector<16xi32>,
    %mul3A_61 = arith.constant 2 : i32
    %mul3A_62 = vector.broadcast %mul3A_61 : i32 to vector<16xi32>
    %mul3A_63 = arith.muli %mul3A_62, %gather3A : vector<16xi32>
    %mul3A_64 = arith.constant 2 : i32
    %mul3A_65 = vector.broadcast %mul3A_64 : i32 to vector<16xi32>
    %mul3A_66 = arith.muli %mul3A_65, %gather3A_60 : vector<16xi32>
    %add3A_67 = arith.constant 1 : i32
    %add3A_68 = vector.broadcast %add3A_67 : i32 to vector<16xi32>
    %add3A_69 = arith.addi %mul3A_66, %add3A_68 : vector<16xi32>
    %select_n3A = arith.select %eq3A_8, %mul3A_63, %add3A_69 : vector<16xi1>, vector<16xi32>
    %swap3A = arith.constant 0 : index
    %swap3A_70 = tpu.vector_load %arg11[%swap3A] {strides = array<i32>} : memref<128xi32, #tpu.memory_space<vmem>>, vector<16xi32>,
    tpu.vector_store %arg11[%swap3A], %select_n3A {strides = array<i32>} : memref<128xi32, #tpu.memory_space<vmem>>, vector<16xi32>,
    %dma_start3A_71 = arith.constant 0 : i32
    %dma_start3A_72 = arith.constant 0 : i32
    %dma_start3A_73 = tpu.memref_slice %arg13[%dma_start3A_71, %dma_start3A_72] : memref<128x8xf32, #tpu.memory_space<vmem>> -> memref<16x8xf32, #tpu.memory_space<vmem>>
    %dma_start3A_74 = arith.constant 0 : i32
    %dma_start3A_75 = tpu.memref_slice %arg11[%dma_start3A_74] : memref<128xi32, #tpu.memory_space<vmem>> -> memref<16xi32, #tpu.memory_space<vmem>>
    %dma_start3A_76 = arith.constant 0 : i32
    %dma_start3A_77 = arith.constant 0 : i32
    %dma_start3A_78 = tpu.memref_slice %arg5[%dma_start3A_76, %dma_start3A_77] : memref<20480x8xf32, #tpu.memory_space<vmem_shared>> -> memref<20480x8xf32, #tpu.memory_space<vmem_shared>>
    tpu.enqueue_indirect_dma source(%dma_start3A_78 : memref<20480x8xf32, #tpu.memory_space<vmem_shared>>) target(%dma_start3A_73 : memref<16x8xf32, #tpu.memory_space<vmem>>) offsets(%dma_start3A_75 : memref<16xi32, #tpu.memory_space<vmem>>) semaphore(%arg17 : memref<!tpu.dma_semaphore, #tpu.memory_space<semaphore_mem>>)
    %dma_wait3A_79 = arith.constant 0 : i32
    %dma_wait3A_80 = arith.constant 0 : i32
    %dma_wait3A_81 = tpu.memref_slice %arg13[%dma_wait3A_79, %dma_wait3A_80] : memref<128x8xf32, #tpu.memory_space<vmem>> -> memref<16x8xf32, #tpu.memory_space<vmem>>
    %dma_wait3A_82 = arith.constant 0 : i32
    %dma_wait3A_83 = tpu.memref_slice %arg11[%dma_wait3A_82] : memref<128xi32, #tpu.memory_space<vmem>> -> memref<16xi32, #tpu.memory_space<vmem>>
    %dma_wait3A_84 = arith.constant 0 : i32
    %dma_wait3A_85 = arith.constant 0 : i32
    %dma_wait3A_86 = tpu.memref_slice %arg5[%dma_wait3A_84, %dma_wait3A_85] : memref<20480x8xf32, #tpu.memory_space<vmem_shared>> -> memref<20480x8xf32, #tpu.memory_space<vmem_shared>>
    tpu.wait_indirect_dma semaphore(%arg17 : memref<!tpu.dma_semaphore, #tpu.memory_space<semaphore_mem>>) src(%dma_wait3A_86 : memref<20480x8xf32, #tpu.memory_space<vmem_shared>>) dst(%dma_wait3A_81 : memref<16x8xf32, #tpu.memory_space<vmem>>)
    %sub3A = arith.constant 0 : i32
    %sub3A_87 = arith.subi %add3A_55, %sub3A : i32
    %mul3A_88 = arith.constant 2 : i32
    %mul3A_89 = arith.muli %mul3A_88, %sub3A_87 : i32
    "tpu.region"() ({
      %run_scoped3A_90 = tpu.sem_alloc : memref<!tpu.dma_semaphore, #tpu.memory_space<semaphore_mem>>
      %dma_start3A_91 = arith.constant 0 : i32
      %dma_start3A_92 = arith.constant 0 : i32
      %dma_start3A_93 = tpu.memref_slice %arg13[%dma_start3A_91, %dma_start3A_92] : memref<128x8xf32, #tpu.memory_space<vmem>> -> memref<16x8xf32, #tpu.memory_space<vmem>>
      %dma_start3A_94 = arith.constant 0 : i32
      %dma_start3A_95 = tpu.memref_slice %arg4[%mul3A_89, %dma_start3A_94] : memref<320000x8xf32, #tpu.memory_space<hbm>> -> memref<16x8xf32, #tpu.memory_space<hbm>>
      %dma_start3A_96 = arith.constant 0 : i32
      %dma_start3A_97 = tpu.memref_slice %arg4[%mul3A_89, %dma_start3A_96] : memref<320000x8xf32, #tpu.memory_space<hbm>> -> memref<16x8xf32, #tpu.memory_space<hbm>>
      %dma_start3A_98 = arith.constant 0 : i32
      %dma_start3A_99 = arith.constant 0 : i32
      %dma_start3A_100 = tpu.memref_slice %arg13[%dma_start3A_98, %dma_start3A_99] : memref<128x8xf32, #tpu.memory_space<vmem>> -> memref<16x8xf32, #tpu.memory_space<vmem>>
      tpu.enqueue_dma source(%dma_start3A_100 : memref<16x8xf32, #tpu.memory_space<vmem>>) target(%dma_start3A_97 : memref<16x8xf32, #tpu.memory_space<hbm>>) target_semaphore(%run_scoped3A_90 : memref<!tpu.dma_semaphore, #tpu.memory_space<semaphore_mem>>)
      %dma_wait3A_101 = arith.constant 0 : i32
      %dma_wait3A_102 = arith.constant 0 : i32
      %dma_wait3A_103 = tpu.memref_slice %arg13[%dma_wait3A_101, %dma_wait3A_102] : memref<128x8xf32, #tpu.memory_space<vmem>> -> memref<16x8xf32, #tpu.memory_space<vmem>>
      %dma_wait3A_104 = arith.constant 0 : i32
      %dma_wait3A_105 = tpu.memref_slice %arg4[%mul3A_89, %dma_wait3A_104] : memref<320000x8xf32, #tpu.memory_space<hbm>> -> memref<16x8xf32, #tpu.memory_space<hbm>>
      %dma_wait3A_106 = arith.constant 0 : i32
      %dma_wait3A_107 = tpu.memref_slice %arg4[%mul3A_89, %dma_wait3A_106] : memref<320000x8xf32, #tpu.memory_space<hbm>> -> memref<16x8xf32, #tpu.memory_space<hbm>>
      %dma_wait3A_108 = arith.constant 0 : i32
      %dma_wait3A_109 = arith.constant 0 : i32
      %dma_wait3A_110 = tpu.memref_slice %arg13[%dma_wait3A_108, %dma_wait3A_109] : memref<128x8xf32, #tpu.memory_space<vmem>> -> memref<16x8xf32, #tpu.memory_space<vmem>>
      tpu.wait_dma2 semaphore(%run_scoped3A_90 : memref<!tpu.dma_semaphore, #tpu.memory_space<semaphore_mem>>) src(%dma_wait3A_110 : memref<16x8xf32, #tpu.memory_space<vmem>>) dst(%dma_wait3A_107 : memref<16x8xf32, #tpu.memory_space<hbm>>)
      tpu.yield
    }) : () -> ()
    return
  }
}

module attributes {stable_mosaic.version = 14 : i64} {
  func.func @_mix_body(%arg0: i32, %arg1: memref<8x6400xf32, #tpu.memory_space<vmem>>, %arg2: memref<6400x128xf32, #tpu.memory_space<vmem>>, %arg3: memref<800x128xf32, #tpu.memory_space<vmem>>) attributes {dimension_semantics = [#tpu.dimension_semantics<arbitrary>], iteration_bounds = array<i64: 50>, scalar_prefetch = 0 : i64, scratch_operands = 0 : i64, tpu.core_type = #tpu.core_type<tc>, window_params = [{transform_indices = @transform_0, window_bounds = array<i64: 8, 6400>}, {transform_indices = @transform_1, window_bounds = array<i64: 6400, 128>}, {transform_indices = @transform_2, window_bounds = array<i64: 800, 128>}]} {
    %get3A = arith.constant 0 : index
    %get3A_0 = arith.constant 0 : index
    %get3A_1 = vector.load %arg1[%get3A, %get3A_0] : memref<8x6400xf32, #tpu.memory_space<vmem>>, vector<8x6400xf32>
    %get3A_2 = arith.constant 0 : index
    %get3A_3 = arith.constant 0 : index
    %get3A_4 = vector.load %arg2[%get3A_2, %get3A_3] : memref<6400x128xf32, #tpu.memory_space<vmem>>, vector<6400x128xf32>
    %iota3A = tpu.iota {dimensions = array<i32: 0>} : vector<8x128xi32>
    %iota3A_5 = tpu.iota {dimensions = array<i32: 1>} : vector<8x128xi32>
    %jit3A = arith.constant 8 : i32
    %div3A = vector.broadcast %jit3A : i32 to vector<8x128xi32>
    %div3A_6 = arith.divsi %iota3A_5, %div3A : vector<8x128xi32>
    %sign3A = arith.constant 0 : i32
    %sign3A_7 = vector.broadcast %sign3A : i32 to vector<8x128xi32>
    %sign3A_8 = arith.cmpi sgt, %iota3A_5, %sign3A_7 : vector<8x128xi32>
    %sign3A_9 = arith.extui %sign3A_8 : vector<8x128xi1> to vector<8x128xi32>
    %sign3A_10 = arith.constant 0 : i32
    %sign3A_11 = vector.broadcast %sign3A_10 : i32 to vector<8x128xi32>
    %sign3A_12 = arith.cmpi slt, %iota3A_5, %sign3A_11 : vector<8x128xi32>
    %sign3A_13 = arith.extui %sign3A_12 : vector<8x128xi1> to vector<8x128xi32>
    %sign3A_14 = arith.subi %sign3A_9, %sign3A_13 : vector<8x128xi32>
    %sign3A_15 = arith.constant 0 : i32
    %sign3A_16 = arith.cmpi sgt, %jit3A, %sign3A_15 : i32
    %sign3A_17 = arith.extui %sign3A_16 : i1 to i32
    %sign3A_18 = arith.constant 0 : i32
    %sign3A_19 = arith.cmpi slt, %jit3A, %sign3A_18 : i32
    %sign3A_20 = arith.extui %sign3A_19 : i1 to i32
    %sign3A_21 = arith.subi %sign3A_17, %sign3A_20 : i32
    %ne3A = vector.broadcast %sign3A_21 : i32 to vector<8x128xi32>
    %ne3A_22 = arith.cmpi ne, %sign3A_14, %ne3A : vector<8x128xi32>
    %rem3A = vector.broadcast %jit3A : i32 to vector<8x128xi32>
    %rem3A_23 = arith.remsi %iota3A_5, %rem3A : vector<8x128xi32>
    %ne3A_24 = arith.constant 0 : i32
    %ne3A_25 = vector.broadcast %ne3A_24 : i32 to vector<8x128xi32>
    %ne3A_26 = arith.cmpi ne, %rem3A_23, %ne3A_25 : vector<8x128xi32>
    %and3A = arith.andi %ne3A_22, %ne3A_26 : vector<8x128xi1>
    %sub3A = arith.constant 1 : i32
    %sub3A_27 = vector.broadcast %sub3A : i32 to vector<8x128xi32>
    %sub3A_28 = arith.subi %div3A_6, %sub3A_27 : vector<8x128xi32>
    %select_n3A = arith.select %and3A, %sub3A_28, %div3A_6 : vector<8x128xi1>, vector<8x128xi32>
    %jit3A_29 = arith.constant 8 : i32
    %eq3A = arith.constant 0 : i32
    %eq3A_30 = arith.cmpi eq, %jit3A_29, %eq3A : i32
    %jit3A_31 = arith.constant 1 : i32
    %select_n3A_32 = arith.select %eq3A_30, %jit3A_31, %jit3A_29 : i32
    %rem3A_33 = vector.broadcast %select_n3A_32 : i32 to vector<8x128xi32>
    %rem3A_34 = arith.remsi %select_n3A, %rem3A_33 : vector<8x128xi32>
    %ne3A_35 = arith.constant 0 : i32
    %ne3A_36 = vector.broadcast %ne3A_35 : i32 to vector<8x128xi32>
    %ne3A_37 = arith.cmpi ne, %rem3A_34, %ne3A_36 : vector<8x128xi32>
    %lt3A = arith.constant 0 : i32
    %lt3A_38 = vector.broadcast %lt3A : i32 to vector<8x128xi32>
    %lt3A_39 = arith.cmpi slt, %rem3A_34, %lt3A_38 : vector<8x128xi32>
    %lt3A_40 = arith.constant 0 : i32
    %lt3A_41 = arith.cmpi slt, %select_n3A_32, %lt3A_40 : i32
    %ne3A_42 = vector.broadcast %lt3A_41 : i1 to vector<8x128xi1>
    %ne3A_43 = vector.broadcast %ne3A_42 : vector<8x128xi1> to vector<8x128xi1>
    %ne3A_44 = arith.xori %lt3A_39, %ne3A_43 : vector<8x128xi1>
    %and3A_45 = arith.andi %ne3A_44, %ne3A_37 : vector<8x128xi1>
    %add3A = vector.broadcast %select_n3A_32 : i32 to vector<8x128xi32>
    %add3A_46 = arith.addi %rem3A_34, %add3A : vector<8x128xi32>
    %select_n3A_47 = arith.select %and3A_45, %add3A_46, %rem3A_34 : vector<8x128xi1>, vector<8x128xi32>
    %eq3A_48 = arith.cmpi eq, %select_n3A_47, %iota3A : vector<8x128xi32>
    %convert_element_type3A = arith.extui %eq3A_48 : vector<8x128xi1> to vector<8x128xi32>
    %convert_element_type3A_49 = arith.sitofp %convert_element_type3A : vector<8x128xi32> to vector<8x128xf32>
    %dot_general3A = arith.constant dense<0.000000e+00> : vector<6400x128xf32>
    %dot_general3A_50 = tpu.matmul %get3A_1, %convert_element_type3A_49, %dot_general3A {dimension_numbers = #tpu.dot_dimension_numbers<[0], [0], [1], [1], [0, 1, 1, 1], [], []>, transpose_lhs_hint = false} : vector<8x6400xf32>, vector<8x128xf32>, vector<6400x128xf32> -> vector<6400x128xf32>
    %mul3A = arith.mulf %dot_general3A_50, %get3A_4 : vector<6400x128xf32>
    %reshape3A = vector.shape_cast %mul3A : vector<6400x128xf32> to vector<800x1024xf32>
    %iota3A_51 = tpu.iota {dimensions = array<i32: 0>} : vector<1024x128xi32>
    %jit3A_52 = arith.constant 128 : i32
    %div3A_53 = vector.broadcast %jit3A_52 : i32 to vector<1024x128xi32>
    %div3A_54 = arith.divsi %iota3A_51, %div3A_53 : vector<1024x128xi32>
    %sign3A_55 = arith.constant 0 : i32
    %sign3A_56 = vector.broadcast %sign3A_55 : i32 to vector<1024x128xi32>
    %sign3A_57 = arith.cmpi sgt, %iota3A_51, %sign3A_56 : vector<1024x128xi32>
    %sign3A_58 = arith.extui %sign3A_57 : vector<1024x128xi1> to vector<1024x128xi32>
    %sign3A_59 = arith.constant 0 : i32
    %sign3A_60 = vector.broadcast %sign3A_59 : i32 to vector<1024x128xi32>
    %sign3A_61 = arith.cmpi slt, %iota3A_51, %sign3A_60 : vector<1024x128xi32>
    %sign3A_62 = arith.extui %sign3A_61 : vector<1024x128xi1> to vector<1024x128xi32>
    %sign3A_63 = arith.subi %sign3A_58, %sign3A_62 : vector<1024x128xi32>
    %sign3A_64 = arith.constant 0 : i32
    %sign3A_65 = arith.cmpi sgt, %jit3A_52, %sign3A_64 : i32
    %sign3A_66 = arith.extui %sign3A_65 : i1 to i32
    %sign3A_67 = arith.constant 0 : i32
    %sign3A_68 = arith.cmpi slt, %jit3A_52, %sign3A_67 : i32
    %sign3A_69 = arith.extui %sign3A_68 : i1 to i32
    %sign3A_70 = arith.subi %sign3A_66, %sign3A_69 : i32
    %ne3A_71 = vector.broadcast %sign3A_70 : i32 to vector<1024x128xi32>
    %ne3A_72 = arith.cmpi ne, %sign3A_63, %ne3A_71 : vector<1024x128xi32>
    %rem3A_73 = vector.broadcast %jit3A_52 : i32 to vector<1024x128xi32>
    %rem3A_74 = arith.remsi %iota3A_51, %rem3A_73 : vector<1024x128xi32>
    %ne3A_75 = arith.constant 0 : i32
    %ne3A_76 = vector.broadcast %ne3A_75 : i32 to vector<1024x128xi32>
    %ne3A_77 = arith.cmpi ne, %rem3A_74, %ne3A_76 : vector<1024x128xi32>
    %and3A_78 = arith.andi %ne3A_72, %ne3A_77 : vector<1024x128xi1>
    %sub3A_79 = arith.constant 1 : i32
    %sub3A_80 = vector.broadcast %sub3A_79 : i32 to vector<1024x128xi32>
    %sub3A_81 = arith.subi %div3A_54, %sub3A_80 : vector<1024x128xi32>
    %select_n3A_82 = arith.select %and3A_78, %sub3A_81, %div3A_54 : vector<1024x128xi1>, vector<1024x128xi32>
    %iota3A_83 = tpu.iota {dimensions = array<i32: 1>} : vector<1024x128xi32>
    %jit3A_84 = arith.constant 16 : i32
    %div3A_85 = vector.broadcast %jit3A_84 : i32 to vector<1024x128xi32>
    %div3A_86 = arith.divsi %iota3A_83, %div3A_85 : vector<1024x128xi32>
    %sign3A_87 = arith.constant 0 : i32
    %sign3A_88 = vector.broadcast %sign3A_87 : i32 to vector<1024x128xi32>
    %sign3A_89 = arith.cmpi sgt, %iota3A_83, %sign3A_88 : vector<1024x128xi32>
    %sign3A_90 = arith.extui %sign3A_89 : vector<1024x128xi1> to vector<1024x128xi32>
    %sign3A_91 = arith.constant 0 : i32
    %sign3A_92 = vector.broadcast %sign3A_91 : i32 to vector<1024x128xi32>
    %sign3A_93 = arith.cmpi slt, %iota3A_83, %sign3A_92 : vector<1024x128xi32>
    %sign3A_94 = arith.extui %sign3A_93 : vector<1024x128xi1> to vector<1024x128xi32>
    %sign3A_95 = arith.subi %sign3A_90, %sign3A_94 : vector<1024x128xi32>
    %sign3A_96 = arith.constant 0 : i32
    %sign3A_97 = arith.cmpi sgt, %jit3A_84, %sign3A_96 : i32
    %sign3A_98 = arith.extui %sign3A_97 : i1 to i32
    %sign3A_99 = arith.constant 0 : i32
    %sign3A_100 = arith.cmpi slt, %jit3A_84, %sign3A_99 : i32
    %sign3A_101 = arith.extui %sign3A_100 : i1 to i32
    %sign3A_102 = arith.subi %sign3A_98, %sign3A_101 : i32
    %ne3A_103 = vector.broadcast %sign3A_102 : i32 to vector<1024x128xi32>
    %ne3A_104 = arith.cmpi ne, %sign3A_95, %ne3A_103 : vector<1024x128xi32>
    %rem3A_105 = vector.broadcast %jit3A_84 : i32 to vector<1024x128xi32>
    %rem3A_106 = arith.remsi %iota3A_83, %rem3A_105 : vector<1024x128xi32>
    %ne3A_107 = arith.constant 0 : i32
    %ne3A_108 = vector.broadcast %ne3A_107 : i32 to vector<1024x128xi32>
    %ne3A_109 = arith.cmpi ne, %rem3A_106, %ne3A_108 : vector<1024x128xi32>
    %and3A_110 = arith.andi %ne3A_104, %ne3A_109 : vector<1024x128xi1>
    %sub3A_111 = arith.constant 1 : i32
    %sub3A_112 = vector.broadcast %sub3A_111 : i32 to vector<1024x128xi32>
    %sub3A_113 = arith.subi %div3A_86, %sub3A_112 : vector<1024x128xi32>
    %select_n3A_114 = arith.select %and3A_110, %sub3A_113, %div3A_86 : vector<1024x128xi1>, vector<1024x128xi32>
    %iota3A_115 = tpu.iota {dimensions = array<i32: 0>} : vector<1024x128xi32>
    %jit3A_116 = arith.constant 128 : i32
    %eq3A_117 = arith.constant 0 : i32
    %eq3A_118 = arith.cmpi eq, %jit3A_116, %eq3A_117 : i32
    %jit3A_119 = arith.constant 1 : i32
    %select_n3A_120 = arith.select %eq3A_118, %jit3A_119, %jit3A_116 : i32
    %rem3A_121 = vector.broadcast %select_n3A_120 : i32 to vector<1024x128xi32>
    %rem3A_122 = arith.remsi %iota3A_115, %rem3A_121 : vector<1024x128xi32>
    %ne3A_123 = arith.constant 0 : i32
    %ne3A_124 = vector.broadcast %ne3A_123 : i32 to vector<1024x128xi32>
    %ne3A_125 = arith.cmpi ne, %rem3A_122, %ne3A_124 : vector<1024x128xi32>
    %lt3A_126 = arith.constant 0 : i32
    %lt3A_127 = vector.broadcast %lt3A_126 : i32 to vector<1024x128xi32>
    %lt3A_128 = arith.cmpi slt, %rem3A_122, %lt3A_127 : vector<1024x128xi32>
    %lt3A_129 = arith.constant 0 : i32
    %lt3A_130 = arith.cmpi slt, %select_n3A_120, %lt3A_129 : i32
    %ne3A_131 = vector.broadcast %lt3A_130 : i1 to vector<1024x128xi1>
    %ne3A_132 = vector.broadcast %ne3A_131 : vector<1024x128xi1> to vector<1024x128xi1>
    %ne3A_133 = arith.xori %lt3A_128, %ne3A_132 : vector<1024x128xi1>
    %and3A_134 = arith.andi %ne3A_133, %ne3A_125 : vector<1024x128xi1>
    %add3A_135 = vector.broadcast %select_n3A_120 : i32 to vector<1024x128xi32>
    %add3A_136 = arith.addi %rem3A_122, %add3A_135 : vector<1024x128xi32>
    %select_n3A_137 = arith.select %and3A_134, %add3A_136, %rem3A_122 : vector<1024x128xi1>, vector<1024x128xi32>
    %iota3A_138 = tpu.iota {dimensions = array<i32: 1>} : vector<1024x128xi32>
    %jit3A_139 = arith.constant 16 : i32
    %eq3A_140 = arith.constant 0 : i32
    %eq3A_141 = arith.cmpi eq, %jit3A_139, %eq3A_140 : i32
    %jit3A_142 = arith.constant 1 : i32
    %select_n3A_143 = arith.select %eq3A_141, %jit3A_142, %jit3A_139 : i32
    %rem3A_144 = vector.broadcast %select_n3A_143 : i32 to vector<1024x128xi32>
    %rem3A_145 = arith.remsi %iota3A_138, %rem3A_144 : vector<1024x128xi32>
    %ne3A_146 = arith.constant 0 : i32
    %ne3A_147 = vector.broadcast %ne3A_146 : i32 to vector<1024x128xi32>
    %ne3A_148 = arith.cmpi ne, %rem3A_145, %ne3A_147 : vector<1024x128xi32>
    %lt3A_149 = arith.constant 0 : i32
    %lt3A_150 = vector.broadcast %lt3A_149 : i32 to vector<1024x128xi32>
    %lt3A_151 = arith.cmpi slt, %rem3A_145, %lt3A_150 : vector<1024x128xi32>
    %lt3A_152 = arith.constant 0 : i32
    %lt3A_153 = arith.cmpi slt, %select_n3A_143, %lt3A_152 : i32
    %ne3A_154 = vector.broadcast %lt3A_153 : i1 to vector<1024x128xi1>
    %ne3A_155 = vector.broadcast %ne3A_154 : vector<1024x128xi1> to vector<1024x128xi1>
    %ne3A_156 = arith.xori %lt3A_151, %ne3A_155 : vector<1024x128xi1>
    %and3A_157 = arith.andi %ne3A_156, %ne3A_148 : vector<1024x128xi1>
    %add3A_158 = vector.broadcast %select_n3A_143 : i32 to vector<1024x128xi32>
    %add3A_159 = arith.addi %rem3A_145, %add3A_158 : vector<1024x128xi32>
    %select_n3A_160 = arith.select %and3A_157, %add3A_159, %rem3A_145 : vector<1024x128xi1>, vector<1024x128xi32>
    %eq3A_161 = arith.cmpi eq, %select_n3A_82, %select_n3A_114 : vector<1024x128xi32>
    %jit3A_162 = arith.constant 64 : i32
    %div3A_163 = vector.broadcast %jit3A_162 : i32 to vector<1024x128xi32>
    %div3A_164 = arith.divsi %select_n3A_137, %div3A_163 : vector<1024x128xi32>
    %sign3A_165 = arith.constant 0 : i32
    %sign3A_166 = vector.broadcast %sign3A_165 : i32 to vector<1024x128xi32>
    %sign3A_167 = arith.cmpi sgt, %select_n3A_137, %sign3A_166 : vector<1024x128xi32>
    %sign3A_168 = arith.extui %sign3A_167 : vector<1024x128xi1> to vector<1024x128xi32>
    %sign3A_169 = arith.constant 0 : i32
    %sign3A_170 = vector.broadcast %sign3A_169 : i32 to vector<1024x128xi32>
    %sign3A_171 = arith.cmpi slt, %select_n3A_137, %sign3A_170 : vector<1024x128xi32>
    %sign3A_172 = arith.extui %sign3A_171 : vector<1024x128xi1> to vector<1024x128xi32>
    %sign3A_173 = arith.subi %sign3A_168, %sign3A_172 : vector<1024x128xi32>
    %sign3A_174 = arith.constant 0 : i32
    %sign3A_175 = arith.cmpi sgt, %jit3A_162, %sign3A_174 : i32
    %sign3A_176 = arith.extui %sign3A_175 : i1 to i32
    %sign3A_177 = arith.constant 0 : i32
    %sign3A_178 = arith.cmpi slt, %jit3A_162, %sign3A_177 : i32
    %sign3A_179 = arith.extui %sign3A_178 : i1 to i32
    %sign3A_180 = arith.subi %sign3A_176, %sign3A_179 : i32
    %ne3A_181 = vector.broadcast %sign3A_180 : i32 to vector<1024x128xi32>
    %ne3A_182 = arith.cmpi ne, %sign3A_173, %ne3A_181 : vector<1024x128xi32>
    %rem3A_183 = vector.broadcast %jit3A_162 : i32 to vector<1024x128xi32>
    %rem3A_184 = arith.remsi %select_n3A_137, %rem3A_183 : vector<1024x128xi32>
    %ne3A_185 = arith.constant 0 : i32
    %ne3A_186 = vector.broadcast %ne3A_185 : i32 to vector<1024x128xi32>
    %ne3A_187 = arith.cmpi ne, %rem3A_184, %ne3A_186 : vector<1024x128xi32>
    %and3A_188 = arith.andi %ne3A_182, %ne3A_187 : vector<1024x128xi1>
    %sub3A_189 = arith.constant 1 : i32
    %sub3A_190 = vector.broadcast %sub3A_189 : i32 to vector<1024x128xi32>
    %sub3A_191 = arith.subi %div3A_164, %sub3A_190 : vector<1024x128xi32>
    %select_n3A_192 = arith.select %and3A_188, %sub3A_191, %div3A_164 : vector<1024x128xi1>, vector<1024x128xi32>
    %jit3A_193 = arith.constant 8 : i32
    %div3A_194 = vector.broadcast %jit3A_193 : i32 to vector<1024x128xi32>
    %div3A_195 = arith.divsi %select_n3A_160, %div3A_194 : vector<1024x128xi32>
    %sign3A_196 = arith.constant 0 : i32
    %sign3A_197 = vector.broadcast %sign3A_196 : i32 to vector<1024x128xi32>
    %sign3A_198 = arith.cmpi sgt, %select_n3A_160, %sign3A_197 : vector<1024x128xi32>
    %sign3A_199 = arith.extui %sign3A_198 : vector<1024x128xi1> to vector<1024x128xi32>
    %sign3A_200 = arith.constant 0 : i32
    %sign3A_201 = vector.broadcast %sign3A_200 : i32 to vector<1024x128xi32>
    %sign3A_202 = arith.cmpi slt, %select_n3A_160, %sign3A_201 : vector<1024x128xi32>
    %sign3A_203 = arith.extui %sign3A_202 : vector<1024x128xi1> to vector<1024x128xi32>
    %sign3A_204 = arith.subi %sign3A_199, %sign3A_203 : vector<1024x128xi32>
    %sign3A_205 = arith.constant 0 : i32
    %sign3A_206 = arith.cmpi sgt, %jit3A_193, %sign3A_205 : i32
    %sign3A_207 = arith.extui %sign3A_206 : i1 to i32
    %sign3A_208 = arith.constant 0 : i32
    %sign3A_209 = arith.cmpi slt, %jit3A_193, %sign3A_208 : i32
    %sign3A_210 = arith.extui %sign3A_209 : i1 to i32
    %sign3A_211 = arith.subi %sign3A_207, %sign3A_210 : i32
    %ne3A_212 = vector.broadcast %sign3A_211 : i32 to vector<1024x128xi32>
    %ne3A_213 = arith.cmpi ne, %sign3A_204, %ne3A_212 : vector<1024x128xi32>
    %rem3A_214 = vector.broadcast %jit3A_193 : i32 to vector<1024x128xi32>
    %rem3A_215 = arith.remsi %select_n3A_160, %rem3A_214 : vector<1024x128xi32>
    %ne3A_216 = arith.constant 0 : i32
    %ne3A_217 = vector.broadcast %ne3A_216 : i32 to vector<1024x128xi32>
    %ne3A_218 = arith.cmpi ne, %rem3A_215, %ne3A_217 : vector<1024x128xi32>
    %and3A_219 = arith.andi %ne3A_213, %ne3A_218 : vector<1024x128xi1>
    %sub3A_220 = arith.constant 1 : i32
    %sub3A_221 = vector.broadcast %sub3A_220 : i32 to vector<1024x128xi32>
    %sub3A_222 = arith.subi %div3A_195, %sub3A_221 : vector<1024x128xi32>
    %select_n3A_223 = arith.select %and3A_219, %sub3A_222, %div3A_195 : vector<1024x128xi1>, vector<1024x128xi32>
    %eq3A_224 = arith.cmpi eq, %select_n3A_192, %select_n3A_223 : vector<1024x128xi32>
    %and3A_225 = arith.andi %eq3A_161, %eq3A_224 : vector<1024x128xi1>
    %jit3A_226 = arith.constant 8 : i32
    %eq3A_227 = arith.constant 0 : i32
    %eq3A_228 = arith.cmpi eq, %jit3A_226, %eq3A_227 : i32
    %jit3A_229 = arith.constant 1 : i32
    %select_n3A_230 = arith.select %eq3A_228, %jit3A_229, %jit3A_226 : i32
    %rem3A_231 = vector.broadcast %select_n3A_230 : i32 to vector<1024x128xi32>
    %rem3A_232 = arith.remsi %select_n3A_137, %rem3A_231 : vector<1024x128xi32>
    %ne3A_233 = arith.constant 0 : i32
    %ne3A_234 = vector.broadcast %ne3A_233 : i32 to vector<1024x128xi32>
    %ne3A_235 = arith.cmpi ne, %rem3A_232, %ne3A_234 : vector<1024x128xi32>
    %lt3A_236 = arith.constant 0 : i32
    %lt3A_237 = vector.broadcast %lt3A_236 : i32 to vector<1024x128xi32>
    %lt3A_238 = arith.cmpi slt, %rem3A_232, %lt3A_237 : vector<1024x128xi32>
    %lt3A_239 = arith.constant 0 : i32
    %lt3A_240 = arith.cmpi slt, %select_n3A_230, %lt3A_239 : i32
    %ne3A_241 = vector.broadcast %lt3A_240 : i1 to vector<1024x128xi1>
    %ne3A_242 = vector.broadcast %ne3A_241 : vector<1024x128xi1> to vector<1024x128xi1>
    %ne3A_243 = arith.xori %lt3A_238, %ne3A_242 : vector<1024x128xi1>
    %and3A_244 = arith.andi %ne3A_243, %ne3A_235 : vector<1024x128xi1>
    %add3A_245 = vector.broadcast %select_n3A_230 : i32 to vector<1024x128xi32>
    %add3A_246 = arith.addi %rem3A_232, %add3A_245 : vector<1024x128xi32>
    %select_n3A_247 = arith.select %and3A_244, %add3A_246, %rem3A_232 : vector<1024x128xi1>, vector<1024x128xi32>
    %jit3A_248 = arith.constant 8 : i32
    %eq3A_249 = arith.constant 0 : i32
    %eq3A_250 = arith.cmpi eq, %jit3A_248, %eq3A_249 : i32
    %jit3A_251 = arith.constant 1 : i32
    %select_n3A_252 = arith.select %eq3A_250, %jit3A_251, %jit3A_248 : i32
    %rem3A_253 = vector.broadcast %select_n3A_252 : i32 to vector<1024x128xi32>
    %rem3A_254 = arith.remsi %select_n3A_160, %rem3A_253 : vector<1024x128xi32>
    %ne3A_255 = arith.constant 0 : i32
    %ne3A_256 = vector.broadcast %ne3A_255 : i32 to vector<1024x128xi32>
    %ne3A_257 = arith.cmpi ne, %rem3A_254, %ne3A_256 : vector<1024x128xi32>
    %lt3A_258 = arith.constant 0 : i32
    %lt3A_259 = vector.broadcast %lt3A_258 : i32 to vector<1024x128xi32>
    %lt3A_260 = arith.cmpi slt, %rem3A_254, %lt3A_259 : vector<1024x128xi32>
    %lt3A_261 = arith.constant 0 : i32
    %lt3A_262 = arith.cmpi slt, %select_n3A_252, %lt3A_261 : i32
    %ne3A_263 = vector.broadcast %lt3A_262 : i1 to vector<1024x128xi1>
    %ne3A_264 = vector.broadcast %ne3A_263 : vector<1024x128xi1> to vector<1024x128xi1>
    %ne3A_265 = arith.xori %lt3A_260, %ne3A_264 : vector<1024x128xi1>
    %and3A_266 = arith.andi %ne3A_265, %ne3A_257 : vector<1024x128xi1>
    %add3A_267 = vector.broadcast %select_n3A_252 : i32 to vector<1024x128xi32>
    %add3A_268 = arith.addi %rem3A_254, %add3A_267 : vector<1024x128xi32>
    %select_n3A_269 = arith.select %and3A_266, %add3A_268, %rem3A_254 : vector<1024x128xi1>, vector<1024x128xi32>
    %eq3A_270 = arith.cmpi eq, %select_n3A_247, %select_n3A_269 : vector<1024x128xi32>
    %and3A_271 = arith.andi %and3A_225, %eq3A_270 : vector<1024x128xi1>
    %convert_element_type3A_272 = arith.extui %and3A_271 : vector<1024x128xi1> to vector<1024x128xi32>
    %convert_element_type3A_273 = arith.sitofp %convert_element_type3A_272 : vector<1024x128xi32> to vector<1024x128xf32>
    %convert_element_type3A_274 = arith.truncf %reshape3A : vector<800x1024xf32> to vector<800x1024xbf16>
    %convert_element_type3A_275 = arith.truncf %convert_element_type3A_273 : vector<1024x128xf32> to vector<1024x128xbf16>
    %dot_general3A_276 = arith.constant dense<0.000000e+00> : vector<800x128xf32>
    %dot_general3A_277 = tpu.matmul %convert_element_type3A_274, %convert_element_type3A_275, %dot_general3A_276 {dimension_numbers = #tpu.dot_dimension_numbers<[1], [0], [0], [1], [0, 0, 1, 1], [], []>, transpose_lhs_hint = false} : vector<800x1024xbf16>, vector<1024x128xbf16>, vector<800x128xf32> -> vector<800x128xf32>
    %mul3A_278 = arith.constant 0.353553385 : f32
    %mul3A_279 = vector.broadcast %mul3A_278 : f32 to vector<800x128xf32>
    %mul3A_280 = arith.mulf %dot_general3A_277, %mul3A_279 : vector<800x128xf32>
    %swap3A = arith.constant 0 : index
    %swap3A_281 = arith.constant 0 : index
    %swap3A_282 = vector.load %arg3[%swap3A, %swap3A_281] : memref<800x128xf32, #tpu.memory_space<vmem>>, vector<800x128xf32>
    tpu.vector_store %arg3[%swap3A, %swap3A_281], %mul3A_280 {strides = array<i32>} : memref<800x128xf32, #tpu.memory_space<vmem>>, vector<800x128xf32>,
    return
  }
  func.func @transform_0(%arg0: i32) -> (i32, i32) {
    %c0_i32 = arith.constant 0 : i32
    %c0_i32_0 = arith.constant 0 : i32
    return %c0_i32, %arg0 : i32, i32
  }
  func.func @transform_1(%arg0: i32) -> (i32, i32) {
    %c0_i32 = arith.constant 0 : i32
    %c0_i32_0 = arith.constant 0 : i32
    return %arg0, %c0_i32 : i32, i32
  }
  func.func @transform_2(%arg0: i32) -> (i32, i32) {
    %c0_i32 = arith.constant 0 : i32
    %c0_i32_0 = arith.constant 0 : i32
    return %arg0, %c0_i32 : i32, i32
  }
}

module attributes {stable_mosaic.version = 14 : i64} {
  func.func @_unpack_body(%arg0: i32, %arg1: memref<800x128xf32, #tpu.memory_space<vmem>>, %arg2: memref<16x6400xf32, #tpu.memory_space<vmem>>) attributes {dimension_semantics = [#tpu.dimension_semantics<arbitrary>], iteration_bounds = array<i64: 25>, scalar_prefetch = 0 : i64, scratch_operands = 0 : i64, tpu.core_type = #tpu.core_type<tc>, window_params = [{transform_indices = @transform_0, window_bounds = array<i64: 800, 128>}, {transform_indices = @transform_1, window_bounds = array<i64: 16, 6400>}]} {
    %get3A = arith.constant 0 : index
    %get3A_0 = arith.constant 0 : index
    %get3A_1 = vector.load %arg1[%get3A, %get3A_0] : memref<800x128xf32, #tpu.memory_space<vmem>>, vector<800x128xf32>
    %iota3A = tpu.iota {dimensions = array<i32: 0>} : vector<128x1024xi32>
    %iota3A_2 = tpu.iota {dimensions = array<i32: 1>} : vector<128x1024xi32>
    %jit3A = arith.constant 16 : i32
    %div3A = vector.broadcast %jit3A : i32 to vector<128x1024xi32>
    %div3A_3 = arith.divsi %iota3A, %div3A : vector<128x1024xi32>
    %sign3A = arith.constant 0 : i32
    %sign3A_4 = vector.broadcast %sign3A : i32 to vector<128x1024xi32>
    %sign3A_5 = arith.cmpi sgt, %iota3A, %sign3A_4 : vector<128x1024xi32>
    %sign3A_6 = arith.extui %sign3A_5 : vector<128x1024xi1> to vector<128x1024xi32>
    %sign3A_7 = arith.constant 0 : i32
    %sign3A_8 = vector.broadcast %sign3A_7 : i32 to vector<128x1024xi32>
    %sign3A_9 = arith.cmpi slt, %iota3A, %sign3A_8 : vector<128x1024xi32>
    %sign3A_10 = arith.extui %sign3A_9 : vector<128x1024xi1> to vector<128x1024xi32>
    %sign3A_11 = arith.subi %sign3A_6, %sign3A_10 : vector<128x1024xi32>
    %sign3A_12 = arith.constant 0 : i32
    %sign3A_13 = arith.cmpi sgt, %jit3A, %sign3A_12 : i32
    %sign3A_14 = arith.extui %sign3A_13 : i1 to i32
    %sign3A_15 = arith.constant 0 : i32
    %sign3A_16 = arith.cmpi slt, %jit3A, %sign3A_15 : i32
    %sign3A_17 = arith.extui %sign3A_16 : i1 to i32
    %sign3A_18 = arith.subi %sign3A_14, %sign3A_17 : i32
    %ne3A = vector.broadcast %sign3A_18 : i32 to vector<128x1024xi32>
    %ne3A_19 = arith.cmpi ne, %sign3A_11, %ne3A : vector<128x1024xi32>
    %rem3A = vector.broadcast %jit3A : i32 to vector<128x1024xi32>
    %rem3A_20 = arith.remsi %iota3A, %rem3A : vector<128x1024xi32>
    %ne3A_21 = arith.constant 0 : i32
    %ne3A_22 = vector.broadcast %ne3A_21 : i32 to vector<128x1024xi32>
    %ne3A_23 = arith.cmpi ne, %rem3A_20, %ne3A_22 : vector<128x1024xi32>
    %and3A = arith.andi %ne3A_19, %ne3A_23 : vector<128x1024xi1>
    %sub3A = arith.constant 1 : i32
    %sub3A_24 = vector.broadcast %sub3A : i32 to vector<128x1024xi32>
    %sub3A_25 = arith.subi %div3A_3, %sub3A_24 : vector<128x1024xi32>
    %select_n3A = arith.select %and3A, %sub3A_25, %div3A_3 : vector<128x1024xi1>, vector<128x1024xi32>
    %jit3A_26 = arith.constant 128 : i32
    %div3A_27 = vector.broadcast %jit3A_26 : i32 to vector<128x1024xi32>
    %div3A_28 = arith.divsi %iota3A_2, %div3A_27 : vector<128x1024xi32>
    %sign3A_29 = arith.constant 0 : i32
    %sign3A_30 = vector.broadcast %sign3A_29 : i32 to vector<128x1024xi32>
    %sign3A_31 = arith.cmpi sgt, %iota3A_2, %sign3A_30 : vector<128x1024xi32>
    %sign3A_32 = arith.extui %sign3A_31 : vector<128x1024xi1> to vector<128x1024xi32>
    %sign3A_33 = arith.constant 0 : i32
    %sign3A_34 = vector.broadcast %sign3A_33 : i32 to vector<128x1024xi32>
    %sign3A_35 = arith.cmpi slt, %iota3A_2, %sign3A_34 : vector<128x1024xi32>
    %sign3A_36 = arith.extui %sign3A_35 : vector<128x1024xi1> to vector<128x1024xi32>
    %sign3A_37 = arith.subi %sign3A_32, %sign3A_36 : vector<128x1024xi32>
    %sign3A_38 = arith.constant 0 : i32
    %sign3A_39 = arith.cmpi sgt, %jit3A_26, %sign3A_38 : i32
    %sign3A_40 = arith.extui %sign3A_39 : i1 to i32
    %sign3A_41 = arith.constant 0 : i32
    %sign3A_42 = arith.cmpi slt, %jit3A_26, %sign3A_41 : i32
    %sign3A_43 = arith.extui %sign3A_42 : i1 to i32
    %sign3A_44 = arith.subi %sign3A_40, %sign3A_43 : i32
    %ne3A_45 = vector.broadcast %sign3A_44 : i32 to vector<128x1024xi32>
    %ne3A_46 = arith.cmpi ne, %sign3A_37, %ne3A_45 : vector<128x1024xi32>
    %rem3A_47 = vector.broadcast %jit3A_26 : i32 to vector<128x1024xi32>
    %rem3A_48 = arith.remsi %iota3A_2, %rem3A_47 : vector<128x1024xi32>
    %ne3A_49 = arith.constant 0 : i32
    %ne3A_50 = vector.broadcast %ne3A_49 : i32 to vector<128x1024xi32>
    %ne3A_51 = arith.cmpi ne, %rem3A_48, %ne3A_50 : vector<128x1024xi32>
    %and3A_52 = arith.andi %ne3A_46, %ne3A_51 : vector<128x1024xi1>
    %sub3A_53 = arith.constant 1 : i32
    %sub3A_54 = vector.broadcast %sub3A_53 : i32 to vector<128x1024xi32>
    %sub3A_55 = arith.subi %div3A_28, %sub3A_54 : vector<128x1024xi32>
    %select_n3A_56 = arith.select %and3A_52, %sub3A_55, %div3A_28 : vector<128x1024xi1>, vector<128x1024xi32>
    %eq3A = arith.cmpi eq, %select_n3A, %select_n3A_56 : vector<128x1024xi32>
    %jit3A_57 = arith.constant 128 : i32
    %eq3A_58 = arith.constant 0 : i32
    %eq3A_59 = arith.cmpi eq, %jit3A_57, %eq3A_58 : i32
    %jit3A_60 = arith.constant 1 : i32
    %select_n3A_61 = arith.select %eq3A_59, %jit3A_60, %jit3A_57 : i32
    %rem3A_62 = vector.broadcast %select_n3A_61 : i32 to vector<128x1024xi32>
    %rem3A_63 = arith.remsi %iota3A_2, %rem3A_62 : vector<128x1024xi32>
    %ne3A_64 = arith.constant 0 : i32
    %ne3A_65 = vector.broadcast %ne3A_64 : i32 to vector<128x1024xi32>
    %ne3A_66 = arith.cmpi ne, %rem3A_63, %ne3A_65 : vector<128x1024xi32>
    %lt3A = arith.constant 0 : i32
    %lt3A_67 = vector.broadcast %lt3A : i32 to vector<128x1024xi32>
    %lt3A_68 = arith.cmpi slt, %rem3A_63, %lt3A_67 : vector<128x1024xi32>
    %lt3A_69 = arith.constant 0 : i32
    %lt3A_70 = arith.cmpi slt, %select_n3A_61, %lt3A_69 : i32
    %ne3A_71 = vector.broadcast %lt3A_70 : i1 to vector<128x1024xi1>
    %ne3A_72 = vector.broadcast %ne3A_71 : vector<128x1024xi1> to vector<128x1024xi1>
    %ne3A_73 = arith.xori %lt3A_68, %ne3A_72 : vector<128x1024xi1>
    %and3A_74 = arith.andi %ne3A_73, %ne3A_66 : vector<128x1024xi1>
    %add3A = vector.broadcast %select_n3A_61 : i32 to vector<128x1024xi32>
    %add3A_75 = arith.addi %rem3A_63, %add3A : vector<128x1024xi32>
    %select_n3A_76 = arith.select %and3A_74, %add3A_75, %rem3A_63 : vector<128x1024xi1>, vector<128x1024xi32>
    %jit3A_77 = arith.constant 16 : i32
    %eq3A_78 = arith.constant 0 : i32
    %eq3A_79 = arith.cmpi eq, %jit3A_77, %eq3A_78 : i32
    %jit3A_80 = arith.constant 1 : i32
    %select_n3A_81 = arith.select %eq3A_79, %jit3A_80, %jit3A_77 : i32
    %rem3A_82 = vector.broadcast %select_n3A_81 : i32 to vector<128x1024xi32>
    %rem3A_83 = arith.remsi %iota3A, %rem3A_82 : vector<128x1024xi32>
    %ne3A_84 = arith.constant 0 : i32
    %ne3A_85 = vector.broadcast %ne3A_84 : i32 to vector<128x1024xi32>
    %ne3A_86 = arith.cmpi ne, %rem3A_83, %ne3A_85 : vector<128x1024xi32>
    %lt3A_87 = arith.constant 0 : i32
    %lt3A_88 = vector.broadcast %lt3A_87 : i32 to vector<128x1024xi32>
    %lt3A_89 = arith.cmpi slt, %rem3A_83, %lt3A_88 : vector<128x1024xi32>
    %lt3A_90 = arith.constant 0 : i32
    %lt3A_91 = arith.cmpi slt, %select_n3A_81, %lt3A_90 : i32
    %ne3A_92 = vector.broadcast %lt3A_91 : i1 to vector<128x1024xi1>
    %ne3A_93 = vector.broadcast %ne3A_92 : vector<128x1024xi1> to vector<128x1024xi1>
    %ne3A_94 = arith.xori %lt3A_89, %ne3A_93 : vector<128x1024xi1>
    %and3A_95 = arith.andi %ne3A_94, %ne3A_86 : vector<128x1024xi1>
    %add3A_96 = vector.broadcast %select_n3A_81 : i32 to vector<128x1024xi32>
    %add3A_97 = arith.addi %rem3A_83, %add3A_96 : vector<128x1024xi32>
    %select_n3A_98 = arith.select %and3A_95, %add3A_97, %rem3A_83 : vector<128x1024xi1>, vector<128x1024xi32>
    %eq3A_99 = arith.cmpi eq, %select_n3A_76, %select_n3A_98 : vector<128x1024xi32>
    %and3A_100 = arith.andi %eq3A, %eq3A_99 : vector<128x1024xi1>
    %convert_element_type3A = arith.extui %and3A_100 : vector<128x1024xi1> to vector<128x1024xi32>
    %convert_element_type3A_101 = arith.sitofp %convert_element_type3A : vector<128x1024xi32> to vector<128x1024xf32>
    %convert_element_type3A_102 = arith.truncf %get3A_1 : vector<800x128xf32> to vector<800x128xbf16>
    %convert_element_type3A_103 = arith.truncf %convert_element_type3A_101 : vector<128x1024xf32> to vector<128x1024xbf16>
    %dot_general3A = arith.constant dense<0.000000e+00> : vector<800x1024xf32>
    %dot_general3A_104 = tpu.matmul %convert_element_type3A_102, %convert_element_type3A_103, %dot_general3A {dimension_numbers = #tpu.dot_dimension_numbers<[1], [0], [0], [1], [0, 0, 1, 1], [], []>, transpose_lhs_hint = false} : vector<800x128xbf16>, vector<128x1024xbf16>, vector<800x1024xf32> -> vector<800x1024xf32>
    %reshape3A = vector.shape_cast %dot_general3A_104 : vector<800x1024xf32> to vector<6400x128xf32>
    %slice3A = vector.extract_strided_slice %reshape3A {offsets = [0, 0], sizes = [6400, 16], strides = [1, 1]} : vector<6400x128xf32> to vector<6400x16xf32>
    %transpose3A = tpu.transpose %slice3A, [1, 0] : vector<6400x16xf32> -> vector<16x6400xf32>
    %swap3A = arith.constant 0 : index
    %swap3A_105 = arith.constant 0 : index
    %swap3A_106 = vector.load %arg2[%swap3A, %swap3A_105] : memref<16x6400xf32, #tpu.memory_space<vmem>>, vector<16x6400xf32>
    tpu.vector_store %arg2[%swap3A, %swap3A_105], %transpose3A {strides = array<i32>} : memref<16x6400xf32, #tpu.memory_space<vmem>>, vector<16x6400xf32>,
    return
  }
  func.func @transform_0(%arg0: i32) -> (i32, i32) {
    %c0_i32 = arith.constant 0 : i32
    %c0_i32_0 = arith.constant 0 : i32
    return %arg0, %c0_i32 : i32, i32
  }
  func.func @transform_1(%arg0: i32) -> (i32, i32) {
    %c0_i32 = arith.constant 0 : i32
    %c0_i32_0 = arith.constant 0 : i32
    return %c0_i32, %arg0 : i32, i32
  }
}

module attributes {stable_mosaic.version = 14 : i64} {
  func.func @_add_body(%arg0: memref<2x1280x128xf32, #tpu.memory_space<vmem>>, %arg1: memref<1280x128xf32, #tpu.memory_space<vmem>>) attributes {dimension_semantics = [], scalar_prefetch = 0 : i64, scratch_operands = 0 : i64, tpu.core_type = #tpu.core_type<tc>} {
    %get3A = arith.constant 0 : index
    %get3A_0 = arith.constant 0 : index
    %get3A_1 = arith.constant 0 : index
    %get3A_2 = vector.load %arg0[%get3A, %get3A_0, %get3A_1] : memref<2x1280x128xf32, #tpu.memory_space<vmem>>, vector<1x1280x128xf32>
    %get3A_3 = vector.shape_cast %get3A_2 : vector<1x1280x128xf32> to vector<1280x128xf32>
    %get3A_4 = arith.constant 1 : index
    %get3A_5 = arith.constant 0 : index
    %get3A_6 = arith.constant 0 : index
    %get3A_7 = vector.load %arg0[%get3A_4, %get3A_5, %get3A_6] : memref<2x1280x128xf32, #tpu.memory_space<vmem>>, vector<1x1280x128xf32>
    %get3A_8 = vector.shape_cast %get3A_7 : vector<1x1280x128xf32> to vector<1280x128xf32>
    %add3A = arith.addf %get3A_3, %get3A_8 : vector<1280x128xf32>
    %swap3A = arith.constant 0 : index
    %swap3A_9 = arith.constant 0 : index
    %swap3A_10 = vector.load %arg1[%swap3A, %swap3A_9] : memref<1280x128xf32, #tpu.memory_space<vmem>>, vector<1280x128xf32>
    tpu.vector_store %arg1[%swap3A, %swap3A_9], %add3A {strides = array<i32>} : memref<1280x128xf32, #tpu.memory_space<vmem>>, vector<1280x128xf32>,
    return
  }
}

module attributes {stable_mosaic.version = 14 : i64} {
  func.func @body(%arg0: i32, %arg1: memref<800x128xf32, #tpu.memory_space<vmem>>, %arg2: memref<16x320000xf32, #tpu.memory_space<any>>, %arg3: memref<16x6400xf32, #tpu.memory_space<vmem>>) attributes {dimension_semantics = [#tpu.dimension_semantics<arbitrary>], iteration_bounds = array<i64: 25>, scalar_prefetch = 0 : i64, scratch_operands = 0 : i64, tpu.core_type = #tpu.core_type<tc>, window_params = [{transform_indices = @transform_0, window_bounds = array<i64: 800, 128>}, {}, {transform_indices = @transform_2, window_bounds = array<i64: 16, 6400>}]} {
    %get3A = arith.constant 0 : index
    %get3A_0 = arith.constant 0 : index
    %get3A_1 = vector.load %arg1[%get3A, %get3A_0] : memref<800x128xf32, #tpu.memory_space<vmem>>, vector<800x128xf32>
    %iota3A = tpu.iota {dimensions = array<i32: 0>} : vector<128x1024xi32>
    %iota3A_2 = tpu.iota {dimensions = array<i32: 1>} : vector<128x1024xi32>
    %jit3A = arith.constant 16 : i32
    %div3A = vector.broadcast %jit3A : i32 to vector<128x1024xi32>
    %div3A_3 = arith.divsi %iota3A, %div3A : vector<128x1024xi32>
    %sign3A = arith.constant 0 : i32
    %sign3A_4 = vector.broadcast %sign3A : i32 to vector<128x1024xi32>
    %sign3A_5 = arith.cmpi sgt, %iota3A, %sign3A_4 : vector<128x1024xi32>
    %sign3A_6 = arith.extui %sign3A_5 : vector<128x1024xi1> to vector<128x1024xi32>
    %sign3A_7 = arith.constant 0 : i32
    %sign3A_8 = vector.broadcast %sign3A_7 : i32 to vector<128x1024xi32>
    %sign3A_9 = arith.cmpi slt, %iota3A, %sign3A_8 : vector<128x1024xi32>
    %sign3A_10 = arith.extui %sign3A_9 : vector<128x1024xi1> to vector<128x1024xi32>
    %sign3A_11 = arith.subi %sign3A_6, %sign3A_10 : vector<128x1024xi32>
    %sign3A_12 = arith.constant 0 : i32
    %sign3A_13 = arith.cmpi sgt, %jit3A, %sign3A_12 : i32
    %sign3A_14 = arith.extui %sign3A_13 : i1 to i32
    %sign3A_15 = arith.constant 0 : i32
    %sign3A_16 = arith.cmpi slt, %jit3A, %sign3A_15 : i32
    %sign3A_17 = arith.extui %sign3A_16 : i1 to i32
    %sign3A_18 = arith.subi %sign3A_14, %sign3A_17 : i32
    %ne3A = vector.broadcast %sign3A_18 : i32 to vector<128x1024xi32>
    %ne3A_19 = arith.cmpi ne, %sign3A_11, %ne3A : vector<128x1024xi32>
    %rem3A = vector.broadcast %jit3A : i32 to vector<128x1024xi32>
    %rem3A_20 = arith.remsi %iota3A, %rem3A : vector<128x1024xi32>
    %ne3A_21 = arith.constant 0 : i32
    %ne3A_22 = vector.broadcast %ne3A_21 : i32 to vector<128x1024xi32>
    %ne3A_23 = arith.cmpi ne, %rem3A_20, %ne3A_22 : vector<128x1024xi32>
    %and3A = arith.andi %ne3A_19, %ne3A_23 : vector<128x1024xi1>
    %sub3A = arith.constant 1 : i32
    %sub3A_24 = vector.broadcast %sub3A : i32 to vector<128x1024xi32>
    %sub3A_25 = arith.subi %div3A_3, %sub3A_24 : vector<128x1024xi32>
    %select_n3A = arith.select %and3A, %sub3A_25, %div3A_3 : vector<128x1024xi1>, vector<128x1024xi32>
    %jit3A_26 = arith.constant 128 : i32
    %div3A_27 = vector.broadcast %jit3A_26 : i32 to vector<128x1024xi32>
    %div3A_28 = arith.divsi %iota3A_2, %div3A_27 : vector<128x1024xi32>
    %sign3A_29 = arith.constant 0 : i32
    %sign3A_30 = vector.broadcast %sign3A_29 : i32 to vector<128x1024xi32>
    %sign3A_31 = arith.cmpi sgt, %iota3A_2, %sign3A_30 : vector<128x1024xi32>
    %sign3A_32 = arith.extui %sign3A_31 : vector<128x1024xi1> to vector<128x1024xi32>
    %sign3A_33 = arith.constant 0 : i32
    %sign3A_34 = vector.broadcast %sign3A_33 : i32 to vector<128x1024xi32>
    %sign3A_35 = arith.cmpi slt, %iota3A_2, %sign3A_34 : vector<128x1024xi32>
    %sign3A_36 = arith.extui %sign3A_35 : vector<128x1024xi1> to vector<128x1024xi32>
    %sign3A_37 = arith.subi %sign3A_32, %sign3A_36 : vector<128x1024xi32>
    %sign3A_38 = arith.constant 0 : i32
    %sign3A_39 = arith.cmpi sgt, %jit3A_26, %sign3A_38 : i32
    %sign3A_40 = arith.extui %sign3A_39 : i1 to i32
    %sign3A_41 = arith.constant 0 : i32
    %sign3A_42 = arith.cmpi slt, %jit3A_26, %sign3A_41 : i32
    %sign3A_43 = arith.extui %sign3A_42 : i1 to i32
    %sign3A_44 = arith.subi %sign3A_40, %sign3A_43 : i32
    %ne3A_45 = vector.broadcast %sign3A_44 : i32 to vector<128x1024xi32>
    %ne3A_46 = arith.cmpi ne, %sign3A_37, %ne3A_45 : vector<128x1024xi32>
    %rem3A_47 = vector.broadcast %jit3A_26 : i32 to vector<128x1024xi32>
    %rem3A_48 = arith.remsi %iota3A_2, %rem3A_47 : vector<128x1024xi32>
    %ne3A_49 = arith.constant 0 : i32
    %ne3A_50 = vector.broadcast %ne3A_49 : i32 to vector<128x1024xi32>
    %ne3A_51 = arith.cmpi ne, %rem3A_48, %ne3A_50 : vector<128x1024xi32>
    %and3A_52 = arith.andi %ne3A_46, %ne3A_51 : vector<128x1024xi1>
    %sub3A_53 = arith.constant 1 : i32
    %sub3A_54 = vector.broadcast %sub3A_53 : i32 to vector<128x1024xi32>
    %sub3A_55 = arith.subi %div3A_28, %sub3A_54 : vector<128x1024xi32>
    %select_n3A_56 = arith.select %and3A_52, %sub3A_55, %div3A_28 : vector<128x1024xi1>, vector<128x1024xi32>
    %eq3A = arith.cmpi eq, %select_n3A, %select_n3A_56 : vector<128x1024xi32>
    %jit3A_57 = arith.constant 128 : i32
    %eq3A_58 = arith.constant 0 : i32
    %eq3A_59 = arith.cmpi eq, %jit3A_57, %eq3A_58 : i32
    %jit3A_60 = arith.constant 1 : i32
    %select_n3A_61 = arith.select %eq3A_59, %jit3A_60, %jit3A_57 : i32
    %rem3A_62 = vector.broadcast %select_n3A_61 : i32 to vector<128x1024xi32>
    %rem3A_63 = arith.remsi %iota3A_2, %rem3A_62 : vector<128x1024xi32>
    %ne3A_64 = arith.constant 0 : i32
    %ne3A_65 = vector.broadcast %ne3A_64 : i32 to vector<128x1024xi32>
    %ne3A_66 = arith.cmpi ne, %rem3A_63, %ne3A_65 : vector<128x1024xi32>
    %lt3A = arith.constant 0 : i32
    %lt3A_67 = vector.broadcast %lt3A : i32 to vector<128x1024xi32>
    %lt3A_68 = arith.cmpi slt, %rem3A_63, %lt3A_67 : vector<128x1024xi32>
    %lt3A_69 = arith.constant 0 : i32
    %lt3A_70 = arith.cmpi slt, %select_n3A_61, %lt3A_69 : i32
    %ne3A_71 = vector.broadcast %lt3A_70 : i1 to vector<128x1024xi1>
    %ne3A_72 = vector.broadcast %ne3A_71 : vector<128x1024xi1> to vector<128x1024xi1>
    %ne3A_73 = arith.xori %lt3A_68, %ne3A_72 : vector<128x1024xi1>
    %and3A_74 = arith.andi %ne3A_73, %ne3A_66 : vector<128x1024xi1>
    %add3A = vector.broadcast %select_n3A_61 : i32 to vector<128x1024xi32>
    %add3A_75 = arith.addi %rem3A_63, %add3A : vector<128x1024xi32>
    %select_n3A_76 = arith.select %and3A_74, %add3A_75, %rem3A_63 : vector<128x1024xi1>, vector<128x1024xi32>
    %jit3A_77 = arith.constant 16 : i32
    %eq3A_78 = arith.constant 0 : i32
    %eq3A_79 = arith.cmpi eq, %jit3A_77, %eq3A_78 : i32
    %jit3A_80 = arith.constant 1 : i32
    %select_n3A_81 = arith.select %eq3A_79, %jit3A_80, %jit3A_77 : i32
    %rem3A_82 = vector.broadcast %select_n3A_81 : i32 to vector<128x1024xi32>
    %rem3A_83 = arith.remsi %iota3A, %rem3A_82 : vector<128x1024xi32>
    %ne3A_84 = arith.constant 0 : i32
    %ne3A_85 = vector.broadcast %ne3A_84 : i32 to vector<128x1024xi32>
    %ne3A_86 = arith.cmpi ne, %rem3A_83, %ne3A_85 : vector<128x1024xi32>
    %lt3A_87 = arith.constant 0 : i32
    %lt3A_88 = vector.broadcast %lt3A_87 : i32 to vector<128x1024xi32>
    %lt3A_89 = arith.cmpi slt, %rem3A_83, %lt3A_88 : vector<128x1024xi32>
    %lt3A_90 = arith.constant 0 : i32
    %lt3A_91 = arith.cmpi slt, %select_n3A_81, %lt3A_90 : i32
    %ne3A_92 = vector.broadcast %lt3A_91 : i1 to vector<128x1024xi1>
    %ne3A_93 = vector.broadcast %ne3A_92 : vector<128x1024xi1> to vector<128x1024xi1>
    %ne3A_94 = arith.xori %lt3A_89, %ne3A_93 : vector<128x1024xi1>
    %and3A_95 = arith.andi %ne3A_94, %ne3A_86 : vector<128x1024xi1>
    %add3A_96 = vector.broadcast %select_n3A_81 : i32 to vector<128x1024xi32>
    %add3A_97 = arith.addi %rem3A_83, %add3A_96 : vector<128x1024xi32>
    %select_n3A_98 = arith.select %and3A_95, %add3A_97, %rem3A_83 : vector<128x1024xi1>, vector<128x1024xi32>
    %eq3A_99 = arith.cmpi eq, %select_n3A_76, %select_n3A_98 : vector<128x1024xi32>
    %and3A_100 = arith.andi %eq3A, %eq3A_99 : vector<128x1024xi1>
    %convert_element_type3A = arith.extui %and3A_100 : vector<128x1024xi1> to vector<128x1024xi32>
    %convert_element_type3A_101 = arith.sitofp %convert_element_type3A : vector<128x1024xi32> to vector<128x1024xf32>
    %convert_element_type3A_102 = arith.truncf %get3A_1 : vector<800x128xf32> to vector<800x128xbf16>
    %convert_element_type3A_103 = arith.truncf %convert_element_type3A_101 : vector<128x1024xf32> to vector<128x1024xbf16>
    %dot_general3A = arith.constant dense<0.000000e+00> : vector<800x1024xf32>
    %dot_general3A_104 = tpu.matmul %convert_element_type3A_102, %convert_element_type3A_103, %dot_general3A {dimension_numbers = #tpu.dot_dimension_numbers<[1], [0], [0], [1], [0, 0, 1, 1], [], []>, transpose_lhs_hint = false} : vector<800x128xbf16>, vector<128x1024xbf16>, vector<800x1024xf32> -> vector<800x1024xf32>
    %reshape3A = vector.shape_cast %dot_general3A_104 : vector<800x1024xf32> to vector<6400x128xf32>
    %slice3A = vector.extract_strided_slice %reshape3A {offsets = [0, 0], sizes = [6400, 16], strides = [1, 1]} : vector<6400x128xf32> to vector<6400x16xf32>
    %transpose3A = tpu.transpose %slice3A, [1, 0] : vector<6400x16xf32> -> vector<16x6400xf32>
    %swap3A = arith.constant 0 : index
    %swap3A_105 = arith.constant 0 : index
    %swap3A_106 = vector.load %arg3[%swap3A, %swap3A_105] : memref<16x6400xf32, #tpu.memory_space<vmem>>, vector<16x6400xf32>
    tpu.vector_store %arg3[%swap3A, %swap3A_105], %transpose3A {strides = array<i32>} : memref<16x6400xf32, #tpu.memory_space<vmem>>, vector<16x6400xf32>,
    return
  }
  func.func @transform_0(%arg0: i32) -> (i32, i32) {
    %c0_i32 = arith.constant 0 : i32
    %c0_i32_0 = arith.constant 0 : i32
    return %arg0, %c0_i32 : i32, i32
  }
  func.func @transform_2(%arg0: i32) -> (i32, i32) {
    %add3A = arith.constant 25 : i32
    %add3A_0 = arith.addi %arg0, %add3A : i32
    %c0_i32 = arith.constant 0 : i32
    %c0_i32_1 = arith.constant 0 : i32
    return %c0_i32, %add3A_0 : i32, i32
  }
}

</mosaic_0001>

<sc_bundles>
// kernel: kernel.12.cloned.1.call-start
scs
__scs_entry_jumppad:
0x0: {  	(pc) =	sbr.rel $0x88, $3  }
0x1: {  	(tag) =	ssettag $0x0;
	lr =	simm.s32 $0x1  }
0x2: {  	[smem:$0x3F9E] =	sst lr;
	_ =	strace $0xD0000000  }
0x3: {  	_ = 	snop  }
0x4: {  	_ = 	snop  }
0x5: {  	_ = 	snop  }
0x6: {  	_ = 	snop  }
0x7: {  	_ = 	snop  }
__scs_overlays_trampoline_lowered:
0x8: {  	[smem:$0x3FAD] =	sst s0  }
0x9: {  	[smem:$0x3FAE] =	sst s1  }
0xa: {  	[smem:$0x3FAF] =	sst s2  }
0xb: {  	[smem:$0x3FB0] =	sst s3  }
0xc: {  	[smem:$0x3FB1] =	sst s4  }
0xd: {  	[smem:$0x3FB2] =	sst s5  }
0xe: {  	[smem:$0x3FB3] =	sst s6  }
0xf: {  	[smem:$0x3FB4] =	sst s7  }
0x10: {  	[smem:$0x3FB5] =	sst s8  }
0x11: {  	[smem:$0x3FB6] =	sst s9;
	s0 =	simm.s32 @!p0 $0x0  }
0x12: {  	s1 =	sld [smem:$0x3F9C];
	s0 =	simm.s32 @p0 $0x1  }
0x13: {  	[smem:$0x3FB7] =	sst s0;
	s0 =	simm.s32 @!p1 $0x0  }
0x14: {  	s2 =	sld [smem:$0x3F9B];
	s0 =	simm.s32 @p1 $0x1  }
0x15: {  	[smem:$0x3FB8] =	sst s0;
	s0 =	simm.s32 @!p2 $0x0  }
0x16: {  	s3 =	sld [smem:$0x3FDB];
	s0 =	simm.s32 @p2 $0x1  }
0x17: {  	s4 =	simm.s32 $0x1BF5;
	[smem:$0x3FBA] =	sst s0  }
0x18: {  	s0 =	sld [smem:$0x3F9D];
	_ =	swait.ge [sflag:s4], $0x0  }
0x19: {  	s7 =	sld [smem:$0x3F9E]  }
0x1a: {  	s8 =	sadd.s32 $0xFFFFE003, lr  }
0x1b: {  	s9 =	sadd.s32 $0xFFFFFEF7, lr;
	s5 =	simm.s32 $0xFFFFFFFF;
	p2 =	slt.u32 s8, $0xFFFFF086  }
0x1c: {  	p1 =	slt.u32 s9, $0xF7A;
	s5 =	simm.s32 @!p2 $0x0  }
0x1d: {  	s5 =	simm.s32 @p1 $0x1;
	p0 =	seq.s32 s7, s2  }
0x1e: {  	s7 =	smul.u32 @!p0 $0xF7A, s2;
	p2 =	seq.s32 @!p0 s5, $0x0  }
0x1f: {  	s9 =	smul.u32 $0xF7A, s1;
	s8 =	simm.s32 @!p0 $0x1BF5;
	p2 =	por !p2, p0  }
0x20: {  	[sflag:s8] =	ssyncset.s32 @!p0 $0xFFFFF086;
	s6 =	sadd.s32 @!p0 s3, s7;
	s7 =	simm.s32 @!p0 $0x108  }
0x21: {  	s3 =	sadd.s32 s3, s9;
	s6 =	sadd.s32 @!p0 $0x88, s6;
	s7 =	simm.s32 @p2 $0x1082  }
0x22: {  	[simem:s7], [sflag:s8] =	dma.local @!p0 [hbm:s6], $0xF7A  }
0x23: {  	s9 =	sor.u32 $0xD0000000, s2;
	s6 =	simm.s32 $0x108;
	_ =	swait.ge @!p0 [sflag:s8], $0x0  }
0x24: {  	s3 =	sadd.s32 $0x88, s3;
	s6 =	simm.s32 @!p1 $0x1082;
	[sflag:s4] =	ssyncset.s32 $0xFFFFF086  }
0x25: {  	[simem:s6], [sflag:s4] =	dma.local [hbm:s3], $0xF7A  }
0x26: {  	[smem:$0x3F9E] =	sst s1;
	(tag) =	ssettag s2;
	_ =	strace s9  }
0x27: {  	s1 =	sld [smem:$0x3FAE]  }
0x28: {  	s2 =	sld [smem:$0x3FAF]  }
0x29: {  	s4 =	sld [smem:$0x3FB1]  }
0x2a: {  	p0 =	seq.s32 s5, $0x0;
	s5 =	sld [smem:$0x3FB2]  }
0x2b: {  	s6 =	sld [smem:$0x3FB3]  }
0x2c: {  	s7 =	sld [smem:$0x3FB4]  }
0x2d: {  	s3 =	simm.s32 $0x108;
	s8 =	sld [smem:$0x3FB5]  }
0x2e: {  	s3 =	simm.s32 @!p0 $0x1082;
	s9 =	sld [smem:$0x3FB6]  }
0x2f: {  	lr =	sadd.s32 s0, s3;
	s0 =	sld [smem:$0x3FAD]  }
0x30: {  	s3 =	sld [smem:$0x3FB0]  }
0x31: {  	[smem:$0x3FB9] =	sst s10  }
0x32: {  	s10 =	sld [smem:$0x3FB7];
	_ =	sdelay $0x3  }
0x33: {  	p0 =	seq.s32 s10, $0x1;
	s10 =	sld [smem:$0x3FB9];
	_ =	sdelay $0x3  }
0x34: {  	[smem:$0x3FB9] =	sst s10  }
0x35: {  	s10 =	sld [smem:$0x3FB8];
	_ =	sdelay $0x3  }
0x36: {  	p1 =	seq.s32 s10, $0x1;
	s10 =	sld [smem:$0x3FB9];
	_ =	sdelay $0x3  }
0x37: {  	[smem:$0x3FB9] =	sst s10  }
0x38: {  	s10 =	sld [smem:$0x3FBA]  }
0x39: {  	_ = 	snop;
	(pc) =	sbr.ind lr, $3  }
0x3a: {  	_ = 	snop  }
0x3b: {  	_ = 	snop  }
0x3c: {  	p2 =	seq.s32 s10, $0x1;
	s10 =	sld [smem:$0x3FB9]  }
0x3d: {  	_ =	shalt  }
0x3e: {  	_ =	shalt  }
0x3f: {  	_ =	shalt  }
0x40: {  	_ =	shalt  }
0x41: {  	_ =	shalt  }
0x42: {  	_ =	shalt  }
0x43: {  	_ =	shalt  }
0x44: {  	_ =	shalt  }
0x45: {  	_ =	shalt  }
0x46: {  	_ =	shalt  }
0x47: {  	_ =	shalt  }
0x48: {  	_ =	shalt  }
0x49: {  	_ =	shalt  }
0x4a: {  	_ =	shalt  }
0x4b: {  	_ =	shalt  }
0x4c: {  	_ =	shalt  }
0x4d: {  	_ =	shalt  }
0x4e: {  	_ =	shalt  }
0x4f: {  	_ =	shalt  }
0x50: {  	_ =	shalt  }
0x51: {  	_ =	shalt  }
0x52: {  	_ =	shalt  }
0x53: {  	_ =	shalt  }
0x54: {  	_ =	shalt  }
0x55: {  	_ =	shalt  }
0x56: {  	_ =	shalt  }
0x57: {  	_ =	shalt  }
0x58: {  	_ =	shalt  }
0x59: {  	_ =	shalt  }
0x5a: {  	_ =	shalt  }
0x5b: {  	_ =	shalt  }
0x5c: {  	_ =	shalt  }
0x5d: {  	_ =	shalt  }
0x5e: {  	_ =	shalt  }
0x5f: {  	_ =	shalt  }
0x60: {  	_ =	shalt  }
0x61: {  	_ =	shalt  }
0x62: {  	_ =	shalt  }
0x63: {  	_ =	shalt  }
0x64: {  	_ =	shalt  }
0x65: {  	_ =	shalt  }
0x66: {  	_ =	shalt  }
0x67: {  	_ =	shalt  }
0x68: {  	_ =	shalt  }
0x69: {  	_ =	shalt  }
0x6a: {  	_ =	shalt  }
0x6b: {  	_ =	shalt  }
0x6c: {  	_ =	shalt  }
0x6d: {  	_ =	shalt  }
0x6e: {  	_ =	shalt  }
0x6f: {  	_ =	shalt  }
0x70: {  	_ =	shalt  }
0x71: {  	_ =	shalt  }
0x72: {  	_ =	shalt  }
0x73: {  	_ =	shalt  }
0x74: {  	_ =	shalt  }
0x75: {  	_ =	shalt  }
0x76: {  	_ =	shalt  }
0x77: {  	_ =	shalt  }
0x78: {  	_ =	shalt  }
0x79: {  	_ =	shalt  }
0x7a: {  	_ =	shalt  }
0x7b: {  	_ =	shalt  }
0x7c: {  	_ =	shalt  }
0x7d: {  	_ =	shalt  }
0x7e: {  	_ =	shalt  }
0x7f: {  	_ =	shalt  }
0x80: {  	_ =	shalt  }
0x81: {  	_ =	shalt  }
0x82: {  	_ =	shalt  }
0x83: {  	_ =	shalt  }
0x84: {  	_ =	shalt  }
0x85: {  	_ =	shalt  }
0x86: {  	_ =	shalt  }
0x87: {  	_ =	shalt  }
.Lfunc_end0:
.L_simem_size_0:
called_computation.1_lowered:
.L_overlay_start_0:
0x88: {  	s2 =	sld [smem:$0x3FD9]  }
0x89: {  	s3 =	sld [smem:$0x3FFE];
	_ =	sdelay $0x1  }
0x8a: {  	s1 =	srdreg.scid  }
0x8b: {  	s0 =	sand.u32 $0x1, s1  }
0x8c: {  	s17 =	sshll.u32 s0, $0xA;
	s2 =	sadd.s32 s3, s2  }
0x8d: {  	s2 =	sadd.s32 s2, s17  }
0x8e: {  	[smem:$0x3FC5] =	sst s2  }
0x8f: {  	_ = 	snop  }
0x90: {  	s2 =	sld [smem:$0x3FD0];
	(tm) =	ssettm $0x1  }
0x91: {  	s18 =	sld [smem:$0x3FFB];
	_ =	sdelay $0x3  }
0x92: {  	_ =	strace s18  }
0x93: {  	s3 =	sld [smem:$0x3FFC];
	_ =	sdelay $0x3  }
0x94: {  	_ =	strace s3  }
0x95: {  	s3 =	sld [smem:$0x3FFD];
	_ =	sdelay $0x3  }
0x96: {  	_ =	strace s3  }
0x97: {  	_ =	strace $0x8FFFFFFF  }
0x98: {  	s19 =	sld [smem:$0x3FDB];
	_ =	sdelay $0x1  }
0x99: {  	s4 =	simm.s32 $_scs_section_size  }
0x9a: {  	s5 =	simm.s32 $_size__tile_overlayer_lowered;
	s6 =	simm.s32 $_tile_overlayer_lowered  }
0x9b: {  	s22 =	simm.s32 $0x1BFF;
	s21 =	sshll.u32 s6, $0x1;
	s3 =	sadd.s32 s4, s19  }
0x9c: {  	s7 =	simm.s32 $0x0;
	s20 =	sshll.u32 s5, $0x1;
	s5 =	sadd.s32 s21, s3  }
0x9d: {  	[timem:s7], [sflag:s22] =	dma.local [hbm:s5], s20  }
0x9e: {  	_ =	swait.ge [sflag:s22], s20  }
0x9f: {  	s4 =	ssub.s32 $0x0, s20;
	[sflag:s22] =	ssyncset.done $0x0  }
0xa0: {  	[sflag:s22] =	ssyncadd.s32 s4;
	_ =	sdelay $0x1  }
0xa1: {  	s23 =	simm.s32 $0x1B8B  }
0xa2: {  	_ =	swait.ge [sflag:s23], $0x1  }
0xa3: {  	[sflag:s23] =	ssyncset.done $0x0  }
0xa4: {  	s25 =	simm.s32 $0x1B8E;
	s24 =	sld [smem:$0x3FFE];
	[sflag:s23] =	ssyncadd.s32 $0xFFFFFFFF  }
0xa5: {  	s26 =	simm.s32 $execute0_lowered;
	[smem:$0x3FD2] =	sst s25  }
0xa6: {  	s5 =	sshll.u32 s26, $0x1;
	_ =	strace $0x80000049;
	[dreg:$0x1] =	wrdreg $0xFFFFFFFF  }
0xa7: {  	s28 =	simm.s32 $_size_execute0_lowered;
	s3 =	sadd.s32 s3, s5;
	[dreg:$0x0] =	wrdreg $0x0  }
0xa8: {  	s5 =	sshll.u32 s28, $0x1;
	[dreg:$0x2] =	wrdreg s3  }
0xa9: {  	[dreg:$0x3] =	wrdreg s5  }
0xaa: {  	[dreg:$0x4] =	wrdreg $0xC0  }
0xab: {  	_ =	task [dreg:s7], $0x5FFFF  }
0xac: {  	[dreg:$0x1] =	wrdreg $0xFFFFFFFF  }
0xad: {  	[dreg:$0x0] =	wrdreg $0x60  }
0xae: {  	[dreg:$0x2] =	wrdreg s24  }
0xaf: {  	[dreg:$0x3] =	wrdreg s2  }
0xb0: {  	[dreg:$0x4] =	wrdreg $0x0  }
0xb1: {  	[dreg:$0x5] =	wrdreg $0x9  }
0xb2: {  	_ =	task.clear_ibuf [dreg:s7], $0x6FFFF;
	_ =	strace $0x90000049  }
0xb3: {  	s29 =	simm.s32 $0x9;
	_ =	strace $0x8000004B  }
0xb4: {  	_ =	swait.ge [sflag:s29], $0x1  }
0xb5: {  	[sflag:s29] =	ssyncadd.s32 $0xFFFFFFFF  }
0xb6: {  	_ =	strace $0x9000004B  }
0xb7: {  	_ =	sfence  }
0xb8: {  	s30 =	sld [smem:$0x0];
	_ =	sdelay $0x2  }
0xb9: {  	s31 =	sshll.u32 s1, $0xD;
	s1 =	sshrl.u32 s1, $0x2  }
0xba: {  	s3 =	sand.u32 $0x4000, s31;
	s1 =	sadd.s32 s1, s30  }
0xbb: {  	s0 =	sor.u32 s3, s0;
	s1 =	sshll.u32 s1, $0x11  }
0xbc: {  	s0 =	sor.u32 s1, s0  }
0xbd: {  	s0 =	sadd.s32 $0x8F2B, s0  }
0xbe: {  	[sflag:s0] =	ssyncadd.remote.s32 $0x1  }
0xbf: {  	_ =	sfence.sel $0xFFFF  }
0xc0: {  	[dreg:$0x0] =	wrdreg $0xFFFFFFFF;
	(pc) =	sbr.abs _section_cstart, $3  }
0xc1: {  	[dreg:$0x1] =	wrdreg $0xFFFFFFFF  }
0xc2: {  	_ =	task.clear_ibuf [dreg:s7], $0x2FFFF;
	_ =	strace $0x9FFFFFFF  }
0xc3: {  	(tm) =	ssettm $0x7FFFFFFF  }
tec
execute0_lowered:
.L_overlay_start_1:
0x0: {  	(tag) =	ssettag $0x1  }
0x1: {  	s0 =	rddreg [dreg:$0x0]  }
0x2: {  	s1 =	rddreg [dreg:$0x1]  }
0x3: {  	s2 =	rddreg [dreg:$0x2]  }
0x4: {  	s3 =	simm.s32 $0x0;
	s11 =	stileid.u32;
	s4 =	srdreg.scid  }
0x5: {  	s28 =	simm.s32 $0x1;
	s29 =	simm.s32 $0x80;
	s5 =	smul.u32 $0x2800, s11  }
0x6: {  	s30 =	simm.s32 $0x5100;
	s31 =	simm.s32 $0x5200;
	s26 =	smul.u32 $0x27100, s11  }
0x7: {  	[smem:$0x7FF] =	sst s3;
	s6 =	sand.u32 $0x1, s4;
	s16 =	smul.u32 $0x2710, s11  }
0x8: {  	s22 =	sshll.u32 s11, $0x1;
	_ =	strace $0x8000004A;
	s13 =	smul.u32 $0x13880, s6  }
0x9: {  	s7 =	ssub.s32 $0x2, s6;
	s4 =	sor.u32 s6, s22;
	s6 =	smul.u32 $0x1388, s6  }
0xa: {  	s8 =	sshrl.u32 s5, $0x3;
	s9 =	sshrl.u32 s7, $0x1;
	s10 =	smul.u32 $0x1388, s4  }
0xb: {  	s4 =	sadd.s32 $0x1600, s0;
	s5 =	sadd.s32 s5, s2;
	s8 =	sadd.s32 s8, s0  }
0xc: {  	s23 =	ssub.s32 s7, s9;
	[dreg:$0x5] =	wrdreg s5;
	s5 =	sadd.s32 s13, s26  }
0xd: {  	s6 =	sadd.s32 s6, s16;
	s24 =	sadd.s32 $0x15000, s8;
	s25 =	sshrl.u32 s10, $0x3  }
0xe: {  	s15 =	sadd.s32 $0x1380, s10;
	s5 =	sshrl.u32 s5, $0x3;
	s20 =	sshll.u32 s6, $0x1  }
0xf: {  	s0 =	smax.u32 s23, $0x1;
	s23 =	sadd.s32 $0xC0, s6;
	s8 =	simm.s32 $0x4  }
0x10: {  	s10 =	simm.s32 $0x6;
	[dreg:$0x4] =	wrdreg s24;
	s7 =	sadd.s32 s4, s25  }
0x11: {  	s18 =	sshrl.u32 s15, $0x3;
	s9 =	sshll.u32 s15, $0x1;
	[dreg:$0xd] =	wrdreg s0  }
0x12: {  	s21 =	sadd.s32 s5, s1;
	s22 =	sadd.s32 s1, s20;
	s24 =	sadd.s32 $0x4E2C0, s6  }
0x13: {  	s25 =	sadd.s32 $0x4E280, s6;
	s5 =	simm.s32 $0x5180;
	[dreg:$0x6] =	wrdreg s7  }
0x14: {  	s14 =	sadd.s32 $0x9C40, s7;
	s17 =	sadd.s32 $0x8, s7;
	[dreg:$0xe] =	wrdreg s21  }
0x15: {  	s12 =	sadd.s32 $0x9C48, s7;
	s11 =	sadd.s32 s4, s18;
	[dreg:$0x7] =	wrdreg s14  }
0x16: {  	s7 =	sadd.s32 $0x9EB0, s7;
	s19 =	sadd.s32 s1, s9;
	[dreg:$0x8] =	wrdreg s17  }
0x17: {  	vm0 =	vcmask $0xB08;
	vm1 =	vcmask $0x300;
	v0 =	vlaneseq.u32;
	s0 =	sadd.s32 $0x80, s22;
	s1 =	sshrl.u32 s24, $0x3;
	[dreg:$0x9] =	wrdreg s12  }
0x18: {  	vm0 =	vmor vm1, vm0;
	vm1 =	vcmask $0x1310;
	v0 =	vshrl.u32 v0, $0x1;
	s26 =	sshrl.u32 s25, $0x3;
	s22 =	simm.s32 $0x7;
	[dreg:$0xa] =	wrdreg s11  }
0x19: {  	vm0 =	vmor vm0, vm1;
	vm1 =	vcmask $0x1B18;
	v1 =	vor.u32 $0x8, v0;
	s24 =	simm.s32 $0x5080;
	s25 =	simm.s32 $0x5040;
	[dreg:$0xb] =	wrdreg s7  }
.Ltmp0:
0x1a: {  	v2 =	vor.u32 $0x10, v0;
	vm0 =	vmor vm0, vm1;
	vm1 =	vcmask $0x2320;
	s9 =	simm.s32 $0x5;
	[dreg:$0xc] =	wrdreg s19;
	(pc) =	sbr.rel .LBB2_1-.Ltmp0, $4  }
0x1b: {  	v3 =	vor.u32 $0x18, v0;
	vm0 =	vmor vm0, vm1;
	vm1 =	vcmask $0x2B28;
	[dreg:$0xf] =	wrdreg s0;
	s0 =	sshrl.u32 s23, $0x3;
	s18 =	sadd.s32 s1, s4  }
0x1c: {  	v4 =	vor.u32 $0x20, v0;
	vm0 =	vmor vm0, vm1;
	vm1 =	vcmask $0x3330;
	s12 =	sadd.s32 $0x80, s6;
	s20 =	sadd.s32 s26, s4;
	s23 =	simm.s32 $0x5000  }
0x1d: {  	v5 =	vor.u32 $0x28, v0;
	vm0 =	vmor vm0, vm1;
	vm1 =	vcmask $0x3B38;
	s26 =	simm.s32 $0x50C0;
	s1 =	simm.s32 $0x2;
	s6 =	simm.s32 $0x5600  }
0x1e: {  	v6 =	vor.u32 $0x30, v0;
	v7 =	vor.u32 $0x38, v0;
	vm0 =	vmor vm0, vm1;
	s11 =	simm.s32 $0x0;
	s17 =	sadd.s32 s0, s4;
	s0 =	simm.s32 $0x3  }
.LBB2_7:
0x1f: {  	_ =	swait.ge [sflag:s9], $0x400  }
0x20: {  	[sflag:s9] =	ssyncset.done $0x0  }
0x21: {  	[sflag:s9] =	ssyncadd.s32 $0xFFFFFC00  }
0x22: {  	_ =	swait.ge [sflag:s10], $0x400  }
0x23: {  	[sflag:s10] =	ssyncset.done $0x0  }
0x24: {  	s7 =	rddreg [dreg:$0xa];
	[sflag:s10] =	ssyncadd.s32 $0xFFFFFC00  }
0x25: {  	[tilespmem:s23], [sflag:$0x7] =	stream.linear.gather [hbm4b:s7+s3], $0x8, $0x38;
	[tilespmem:$0x5A00] =	vst v63  }
0x26: {  	_ =	swait.ge [sflag:s22], $0x8  }
0x27: {  	[sflag:s22] =	ssyncset.done $0x0  }
0x28: {  	s15 =	rddreg [dreg:$0xb];
	[sflag:s22] =	ssyncadd.s32 $0xFFFFFFF8  }
0x29: {  	[tilespmem:s24], [sflag:$0x7] =	stream.linear.gather [hbm4b:s15+s3], $0x8, $0x38;
	[tilespmem:$0x5A00] =	vst v63  }
0x2a: {  	_ =	swait.ge [sflag:s22], $0x8  }
0x2b: {  	[sflag:s22] =	ssyncset.done $0x0  }
0x2c: {  	[sflag:s22] =	ssyncadd.s32 $0xFFFFFFF8  }
0x2d: {  	v8 =	vld.idx.msk [tilespmem:v0+s24+$0x0], $0xffff  }
0x2e: {  	v9 =	vld.idx.msk [tilespmem:v0+s23+$0x0], $0xffff;
	_ =	sdelay $0x3  }
0x2f: {  	v8 =	vshll.u32 v8, $0x1  }
0x30: {  	v9 =	vshll.u32 v9, $0x1;
	v8 =	vor.u32 $0x1, v8  }
0x31: {  	v8 =	vsel vm0, v9, v8  }
0x32: {  	s16 =	simm.s32 $0x10;
	[tilespmem:$0x5100] =	vst v8  }
0x33: {  	[tilespmem:s31], [sflag:$0x3] =	stream.indirect.gather [spmem:s2], $0x8, s30, s16, $0xb8;
	[tilespmem:$0x5A00] =	vst v63  }
0x34: {  	_ =	swait.ge [sflag:s0], $0x80  }
0x35: {  	[sflag:s0] =	ssyncset.done $0x0  }
0x36: {  	s19 =	rddreg [dreg:$0xc];
	[sflag:s0] =	ssyncadd.s32 $0xFFFFFF80  }
0x37: {  	[hbm4b:s19+s3] =	stream.linear.scatter [tilespmem:s31], [sflag:$0x7], $0x80, $0x38;
	[tilespmem:$0x5A00] =	vst v63  }
0x38: {  	_ =	swait.ge [sflag:s22], $0x80  }
0x39: {  	s11 =	sadd.s32 $0x1, s11;
	s21 =	rddreg [dreg:$0xd]  }
0x3a: {  	p0 =	sne.s32 s11, s21  }
.Ltmp1:
0x3b: {  	_ = 	snop;
	(pc) =	sbr.rel @!p0 .LBB2_8-.Ltmp1, $3  }
0x3c: {  	_ =	sdelay $0x1  }
0x3d: {  	[sflag:s22] =	ssyncset.done $0x0  }
0x3e: {  	[sflag:s22] =	ssyncadd.s32 $0xFFFFFF80  }
.LBB2_1:
0x3f: {  	s7 =	rddreg [dreg:$0x4];
	s13 =	simm.s32 $0x2800  }
0x40: {  	[tilespmem:s13], [sflag:$0x7] =	stream.linear.gather [hbm4b:s7+s3], $0x2800, $0x38;
	[tilespmem:$0x5A00] =	vst v63  }
0x41: {  	_ =	swait.ge [sflag:s22], $0x2800  }
0x42: {  	[sflag:s22] =	ssyncset.done $0x0  }
0x43: {  	s14 =	rddreg [dreg:$0x5];
	[sflag:s22] =	ssyncadd.s32 $0xFFFFD800  }
0x44: {  	[spmem:s14] =	stream.linear.scatter [tilespmem:s13], [sflag:$0x7], $0x2800, $0x38;
	[tilespmem:$0x5A00] =	vst v63  }
0x45: {  	_ =	swait.ge [sflag:s22], $0x2800  }
0x46: {  	[sflag:s22] =	ssyncset.done $0x0  }
0x47: {  	[sflag:s22] =	ssyncadd.s32 $0xFFFFD800  }
0x48: {  	[bflag:$0x0] =	sbarrier.arrive $0xFFFF  }
0x49: {  	s15 =	rddreg [dreg:$0x6]  }
0x4a: {  	s16 =	rddreg [dreg:$0x7]  }
0x4b: {  	[tilespmem:s23], [sflag:$0x1] =	stream.linear.gather [hbm4b:s15+s3], $0x40, $0x38;
	[tilespmem:$0x5A00] =	vst v63  }
0x4c: {  	s19 =	rddreg [dreg:$0x8]  }
0x4d: {  	[tilespmem:s24], [sflag:$0x1] =	stream.linear.gather [hbm4b:s16+s3], $0x40, $0x38;
	[tilespmem:$0x5A00] =	vst v63  }
.Ltmp2:
0x4e: {  	s21 =	rddreg [dreg:$0x9];
	(pc) =	sbr.rel .LBB2_2-.Ltmp2, $4  }
0x4f: {  	s15 =	rddreg [dreg:$0xe]  }
0x50: {  	[tilespmem:s25], [sflag:$0x2] =	stream.linear.gather [hbm4b:s19+s3], $0x40, $0x38;
	[tilespmem:$0x5A00] =	vst v63  }
0x51: {  	s14 =	simm.s32 $0x0;
	s16 =	rddreg [dreg:$0xf];
	s19 =	smov.u32 s12  }
0x52: {  	[tilespmem:s26], [sflag:$0x2] =	stream.linear.gather [hbm4b:s21+s3], $0x40, $0x38;
	[tilespmem:$0x5A00] =	vst v63  }
.LBB2_3:
0x53: {  	[tilespmem:s31], [sflag:$0x3] =	stream.indirect.gather [spmem:s2], $0x8, s30, s29, $0xb8;
	[tilespmem:$0x5A00] =	vst v63  }
.LBB2_5:
0x54: {  	s13 =	sshrl.u32 s19, $0x3  }
0x55: {  	s13 =	sadd.s32 s4, s13  }
0x56: {  	[tilespmem:s23], [sflag:$0x1] =	stream.linear.gather [hbm4b:s13+s3], $0x40, $0x38;
	[tilespmem:$0x5A00] =	vst v63  }
0x57: {  	s21 =	sadd.s32 s14, s20;
	p0 =	por $0x0, $0x0  }
0x58: {  	[tilespmem:s24], [sflag:$0x1] =	stream.linear.gather [hbm4b:s21+s3], $0x40, $0x38;
	[tilespmem:$0x5A00] =	vst v63  }
.LBB2_6:
0x59: {  	_ =	swait.ge [sflag:s0], $0x400  }
0x5a: {  	[sflag:s0] =	ssyncset.done $0x0  }
0x5b: {  	[sflag:s0] =	ssyncadd.s32 $0xFFFFFC00  }
0x5c: {  	[hbm4b:s15+s3] =	stream.linear.scatter [tilespmem:s31], [sflag:$0x5], $0x400, $0x38;
	[tilespmem:$0x5A00] =	vst v63  }
0x5d: {  	_ =	swait.ge [sflag:s1], $0x40  }
0x5e: {  	[sflag:s1] =	ssyncset.done $0x0  }
0x5f: {  	[sflag:s1] =	ssyncadd.s32 $0xFFFFFFC0  }
0x60: {  	_ =	swait.ge [sflag:s1], $0x40  }
0x61: {  	[sflag:s1] =	ssyncset.done $0x0  }
0x62: {  	[sflag:s1] =	ssyncadd.s32 $0xFFFFFFC0  }
0x63: {  	v8 =	vld.idx.msk [tilespmem:v0+s26+$0x0], $0xffff  }
0x64: {  	v9 =	vld.idx.msk [tilespmem:v0+s25+$0x0], $0xffff;
	_ =	sdelay $0x3  }
0x65: {  	v8 =	vshll.u32 v8, $0x1  }
0x66: {  	v9 =	vshll.u32 v9, $0x1;
	v8 =	vor.u32 $0x1, v8  }
0x67: {  	v8 =	vsel vm0, v9, v8  }
0x68: {  	[tilespmem:$0x5180] =	vst v8  }
0x69: {  	v8 =	vld.idx.msk [tilespmem:v1+s26+$0x0], $0xffff  }
0x6a: {  	v57 =	vld.idx.msk [tilespmem:v1+s25+$0x0], $0xffff;
	_ =	sdelay $0x3  }
0x6b: {  	v8 =	vshll.u32 v8, $0x1  }
0x6c: {  	v9 =	vshll.u32 v57, $0x1;
	v8 =	vor.u32 $0x1, v8  }
0x6d: {  	v8 =	vsel vm0, v9, v8  }
0x6e: {  	[tilespmem:$0x5190] =	vst v8  }
0x6f: {  	v8 =	vld.idx.msk [tilespmem:v2+s26+$0x0], $0xffff  }
0x70: {  	v58 =	vld.idx.msk [tilespmem:v2+s25+$0x0], $0xffff;
	_ =	sdelay $0x3  }
0x71: {  	v8 =	vshll.u32 v8, $0x1  }
0x72: {  	v9 =	vshll.u32 v58, $0x1;
	v8 =	vor.u32 $0x1, v8  }
0x73: {  	v8 =	vsel vm0, v9, v8  }
0x74: {  	[tilespmem:$0x51A0] =	vst v8  }
0x75: {  	v8 =	vld.idx.msk [tilespmem:v3+s26+$0x0], $0xffff  }
0x76: {  	v59 =	vld.idx.msk [tilespmem:v3+s25+$0x0], $0xffff;
	_ =	sdelay $0x3  }
0x77: {  	v8 =	vshll.u32 v8, $0x1  }
0x78: {  	v9 =	vshll.u32 v59, $0x1;
	v8 =	vor.u32 $0x1, v8  }
0x79: {  	v8 =	vsel vm0, v9, v8  }
0x7a: {  	[tilespmem:$0x51B0] =	vst v8  }
0x7b: {  	v8 =	vld.idx.msk [tilespmem:v4+s26+$0x0], $0xffff  }
0x7c: {  	v60 =	vld.idx.msk [tilespmem:v4+s25+$0x0], $0xffff;
	_ =	sdelay $0x3  }
0x7d: {  	v8 =	vshll.u32 v8, $0x1  }
0x7e: {  	v9 =	vshll.u32 v60, $0x1;
	v8 =	vor.u32 $0x1, v8  }
0x7f: {  	v8 =	vsel vm0, v9, v8  }
0x80: {  	[tilespmem:$0x51C0] =	vst v8  }
0x81: {  	v8 =	vld.idx.msk [tilespmem:v5+s26+$0x0], $0xffff  }
0x82: {  	v61 =	vld.idx.msk [tilespmem:v5+s25+$0x0], $0xffff;
	_ =	sdelay $0x3  }
0x83: {  	v8 =	vshll.u32 v8, $0x1  }
0x84: {  	v9 =	vshll.u32 v61, $0x1;
	v8 =	vor.u32 $0x1, v8  }
0x85: {  	v8 =	vsel vm0, v9, v8  }
0x86: {  	[tilespmem:$0x51D0] =	vst v8  }
0x87: {  	v8 =	vld.idx.msk [tilespmem:v6+s26+$0x0], $0xffff  }
0x88: {  	v62 =	vld.idx.msk [tilespmem:v6+s25+$0x0], $0xffff;
	_ =	sdelay $0x3  }
0x89: {  	v8 =	vshll.u32 v8, $0x1  }
0x8a: {  	v9 =	vshll.u32 v62, $0x1;
	v8 =	vor.u32 $0x1, v8  }
0x8b: {  	v8 =	vsel vm0, v9, v8  }
0x8c: {  	[tilespmem:$0x51E0] =	vst v8  }
0x8d: {  	v8 =	vld.idx.msk [tilespmem:v7+s26+$0x0], $0xffff  }
0x8e: {  	v63 =	vld.idx.msk [tilespmem:v7+s25+$0x0], $0xffff;
	_ =	sdelay $0x3  }
0x8f: {  	v8 =	vshll.u32 v8, $0x1  }
0x90: {  	v9 =	vshll.u32 v63, $0x1;
	v8 =	vor.u32 $0x1, v8  }
0x91: {  	p1 =	seq.s32 s14, $0x0;
	v8 =	vsel vm0, v9, v8  }
0x92: {  	s13 =	simm.s32 @!p1 $0x6;
	[tilespmem:$0x51F0] =	vst v8  }
0x93: {  	_ =	swait.ge @!p1 [sflag:s13], $0x400  }
0x94: {  	[sflag:s13] =	ssyncset.done @!p1 $0x0  }
0x95: {  	[sflag:s13] =	ssyncadd.s32 @!p1 $0xFFFFFC00  }
0x96: {  	[tilespmem:s6], [sflag:$0x4] =	stream.indirect.gather [spmem:s2], $0x8, s5, s29, $0xb8;
	[tilespmem:$0x5A00] =	vst v63  }
0x97: {  	s21 =	simm.s32 @!p0 $0x0;
	s7 =	simm.s32 @!p0 $0x5040;
	s13 =	sadd.s32 @!p0 s14, s17  }
0x98: {  	[tilespmem:s7], [sflag:$0x2] =	stream.linear.gather @!p0 [hbm4b:s13+s21], $0x40, $0x38;
	[tilespmem:$0x5A00] =	vst v63  }
0x99: {  	s7 =	sadd.s32 @!p0 s14, s18;
	s13 =	simm.s32 @!p0 $0x50C0;
	s14 =	sadd.s32 $0x10, s14  }
0x9a: {  	[tilespmem:s13], [sflag:$0x2] =	stream.linear.gather @!p0 [hbm4b:s7+s21], $0x40, $0x38;
	[tilespmem:$0x5A00] =	vst v63  }
0x9b: {  	p0 =	sne.s32 s14, $0x270  }
.Ltmp3:
0x9c: {  	_ =	swait.ge [sflag:s8], $0x400;
	(pc) =	sbr.rel @!p0 .LBB2_7-.Ltmp3, $4  }
0x9d: {  	[sflag:s8] =	ssyncset.done $0x0  }
0x9e: {  	[sflag:s8] =	ssyncadd.s32 $0xFFFFFC00  }
0x9f: {  	[hbm4b:s16+s3] =	stream.linear.scatter [tilespmem:s6], [sflag:$0x6], $0x400, $0x38;
	[tilespmem:$0x5A00] =	vst v63  }
0xa0: {  	s19 =	sadd.s32 $0x80, s19;
	s15 =	sadd.s32 $0x100, s15;
	s16 =	sadd.s32 $0x100, s16  }
.LBB2_2:
0xa1: {  	_ =	swait.ge [sflag:s28], $0x40  }
0xa2: {  	[sflag:s28] =	ssyncset.done $0x0  }
0xa3: {  	[sflag:s28] =	ssyncadd.s32 $0xFFFFFFC0  }
0xa4: {  	_ =	swait.ge [sflag:s28], $0x40  }
0xa5: {  	[sflag:s28] =	ssyncset.done $0x0  }
0xa6: {  	[sflag:s28] =	ssyncadd.s32 $0xFFFFFFC0  }
0xa7: {  	v8 =	vld.idx.msk [tilespmem:v0+s24+$0x0], $0xffff  }
0xa8: {  	v9 =	vld.idx.msk [tilespmem:v0+s23+$0x0], $0xffff;
	_ =	sdelay $0x3  }
0xa9: {  	v8 =	vshll.u32 v8, $0x1  }
0xaa: {  	v9 =	vshll.u32 v9, $0x1;
	v8 =	vor.u32 $0x1, v8  }
0xab: {  	v8 =	vsel vm0, v9, v8  }
0xac: {  	[tilespmem:$0x5100] =	vst v8  }
0xad: {  	v8 =	vld.idx.msk [tilespmem:v1+s24+$0x0], $0xffff  }
0xae: {  	v57 =	vld.idx.msk [tilespmem:v1+s23+$0x0], $0xffff;
	_ =	sdelay $0x3  }
0xaf: {  	v8 =	vshll.u32 v8, $0x1  }
0xb0: {  	v9 =	vshll.u32 v57, $0x1;
	v8 =	vor.u32 $0x1, v8  }
0xb1: {  	v8 =	vsel vm0, v9, v8  }
0xb2: {  	[tilespmem:$0x5110] =	vst v8  }
0xb3: {  	v8 =	vld.idx.msk [tilespmem:v2+s24+$0x0], $0xffff  }
0xb4: {  	v58 =	vld.idx.msk [tilespmem:v2+s23+$0x0], $0xffff;
	_ =	sdelay $0x3  }
0xb5: {  	v8 =	vshll.u32 v8, $0x1  }
0xb6: {  	v9 =	vshll.u32 v58, $0x1;
	v8 =	vor.u32 $0x1, v8  }
0xb7: {  	v8 =	vsel vm0, v9, v8  }
0xb8: {  	[tilespmem:$0x5120] =	vst v8  }
0xb9: {  	v8 =	vld.idx.msk [tilespmem:v3+s24+$0x0], $0xffff  }
0xba: {  	v59 =	vld.idx.msk [tilespmem:v3+s23+$0x0], $0xffff;
	_ =	sdelay $0x3  }
0xbb: {  	v8 =	vshll.u32 v8, $0x1  }
0xbc: {  	v9 =	vshll.u32 v59, $0x1;
	v8 =	vor.u32 $0x1, v8  }
0xbd: {  	v8 =	vsel vm0, v9, v8  }
0xbe: {  	[tilespmem:$0x5130] =	vst v8  }
0xbf: {  	v8 =	vld.idx.msk [tilespmem:v4+s24+$0x0], $0xffff  }
0xc0: {  	v60 =	vld.idx.msk [tilespmem:v4+s23+$0x0], $0xffff;
	_ =	sdelay $0x3  }
0xc1: {  	v8 =	vshll.u32 v8, $0x1  }
0xc2: {  	v9 =	vshll.u32 v60, $0x1;
	v8 =	vor.u32 $0x1, v8  }
0xc3: {  	v8 =	vsel vm0, v9, v8  }
0xc4: {  	[tilespmem:$0x5140] =	vst v8  }
0xc5: {  	v8 =	vld.idx.msk [tilespmem:v5+s24+$0x0], $0xffff  }
0xc6: {  	v61 =	vld.idx.msk [tilespmem:v5+s23+$0x0], $0xffff;
	_ =	sdelay $0x3  }
0xc7: {  	v8 =	vshll.u32 v8, $0x1  }
0xc8: {  	v9 =	vshll.u32 v61, $0x1;
	v8 =	vor.u32 $0x1, v8  }
0xc9: {  	v8 =	vsel vm0, v9, v8  }
0xca: {  	[tilespmem:$0x5150] =	vst v8  }
0xcb: {  	v8 =	vld.idx.msk [tilespmem:v6+s24+$0x0], $0xffff  }
0xcc: {  	v62 =	vld.idx.msk [tilespmem:v6+s23+$0x0], $0xffff;
	_ =	sdelay $0x3  }
0xcd: {  	v8 =	vshll.u32 v8, $0x1  }
0xce: {  	v9 =	vshll.u32 v62, $0x1;
	v8 =	vor.u32 $0x1, v8  }
0xcf: {  	v8 =	vsel vm0, v9, v8  }
0xd0: {  	[tilespmem:$0x5160] =	vst v8  }
0xd1: {  	v8 =	vld.idx.msk [tilespmem:v7+s24+$0x0], $0xffff  }
0xd2: {  	v63 =	vld.idx.msk [tilespmem:v7+s23+$0x0], $0xffff;
	_ =	sdelay $0x1  }
0xd3: {  	p0 =	sne.s32 s14, $0x0  }
.Ltmp4:
0xd4: {  	_ = 	snop;
	(pc) =	sbr.rel @!p0 .LBB2_3-.Ltmp4, $4  }
0xd5: {  	v8 =	vshll.u32 v8, $0x1  }
0xd6: {  	v9 =	vshll.u32 v63, $0x1;
	v8 =	vor.u32 $0x1, v8  }
0xd7: {  	v8 =	vsel vm0, v9, v8  }
0xd8: {  	[tilespmem:$0x5170] =	vst v8  }
0xd9: {  	p1 =	seq.s32 s14, $0x260  }
.Ltmp5:
0xda: {  	_ = 	snop;
	(pc) =	sbr.rel @p1 .LBB2_6-.Ltmp5, $4  }
.Ltmp6:
0xdb: {  	_ =	swait.ge [sflag:s9], $0x400;
	(pc) =	sbr.rel @!p1 .LBB2_5-.Ltmp6, $4  }
0xdc: {  	[sflag:s9] =	ssyncset.done $0x0  }
0xdd: {  	p0 =	por $0x1, $0x1;
	[sflag:s9] =	ssyncadd.s32 $0xFFFFFC00  }
0xde: {  	[tilespmem:s31], [sflag:$0x3] =	stream.indirect.gather [spmem:s2], $0x8, s30, s29, $0xb8;
	[tilespmem:$0x5A00] =	vst v63  }
0xdf: {  	_ = 	snop  }
.LBB2_8:
0xe0: {  	_ =	sfence.sel $0x180000  }
0xe1: {  	[bflag:$0x0] =	sbarrier.arrive $0xFFFF  }
0xe2: {  	_ =	strace $0x9000004A  }
0xe3: {  	s0 =	stileid.u32;
	[bflag:$0x2] =	sbarrier.arrive $0xFFFF  }
0xe4: {  	p0 =	sne.s32 s0, $0x0;
	s0 =	rddreg [dreg:$0x3]  }
0xe5: {  	s0 =	sadd.s32 @!p0 $0x100000, s0  }
0xe6: {  	[sflag:s0] =	ssyncadd.tile.s32 @!p0 $0x1;
	_ =	shalt  }
.Lfunc_end2:
_tile_overlayer_lowered:
.L_overlay_start_2:
0xe7: {  	(tag) =	ssettag $0x2  }
0xe8: {  	s0 =	rddreg [dreg:$0x0];
	s2 =	stileid.u32  }
0xe9: {  	s1 =	rddreg [dreg:$0x1];
	p0 =	sne.s32 s2, $0x0  }
0xea: {  	s3 =	rddreg [dreg:$0x2];
	[bflag:$0x3] =	sbarrier.arrive $0xFFFF;
	s2 =	simm.s32 @!p0 $0x1C07  }
0xeb: {  	[timem:s3], [sflag:s2] =	dma.local @!p0 [hbm:s0], s1  }
0xec: {  	s0 =	simm.s32 @!p0 $0x7  }
0xed: {  	_ =	swait.ge @!p0 [sflag:s0], s1  }
0xee: {  	s1 =	ssub.s32 @!p0 $0x0, s1;
	[sflag:s0] =	ssyncset.done @!p0 $0x0  }
0xef: {  	[sflag:s0] =	ssyncadd.s32 @!p0 s1  }
0xf0: {  	[bflag:$0x3] =	sbarrier.arrive $0xFFFF  }
0xf1: {  	_ =	shalt  }

// kernel: kernel.15.cloned.1.call-start
scs
__scs_entry_jumppad:
0x0: {  	(pc) =	sbr.rel $0x88, $3  }
0x1: {  	(tag) =	ssettag $0x0;
	lr =	simm.s32 $0x1  }
0x2: {  	[smem:$0x3F9E] =	sst lr;
	_ =	strace $0xD0000000  }
0x3: {  	_ = 	snop  }
0x4: {  	_ = 	snop  }
0x5: {  	_ = 	snop  }
0x6: {  	_ = 	snop  }
0x7: {  	_ = 	snop  }
__scs_overlays_trampoline_lowered:
0x8: {  	[smem:$0x3FAD] =	sst s0  }
0x9: {  	[smem:$0x3FAE] =	sst s1  }
0xa: {  	[smem:$0x3FAF] =	sst s2  }
0xb: {  	[smem:$0x3FB0] =	sst s3  }
0xc: {  	[smem:$0x3FB1] =	sst s4  }
0xd: {  	[smem:$0x3FB2] =	sst s5  }
0xe: {  	[smem:$0x3FB3] =	sst s6  }
0xf: {  	[smem:$0x3FB4] =	sst s7  }
0x10: {  	[smem:$0x3FB5] =	sst s8  }
0x11: {  	[smem:$0x3FB6] =	sst s9;
	s0 =	simm.s32 @!p0 $0x0  }
0x12: {  	s1 =	sld [smem:$0x3F9C];
	s0 =	simm.s32 @p0 $0x1  }
0x13: {  	[smem:$0x3FB7] =	sst s0;
	s0 =	simm.s32 @!p1 $0x0  }
0x14: {  	s2 =	sld [smem:$0x3F9B];
	s0 =	simm.s32 @p1 $0x1  }
0x15: {  	[smem:$0x3FB8] =	sst s0;
	s0 =	simm.s32 @!p2 $0x0  }
0x16: {  	s3 =	sld [smem:$0x3FDB];
	s0 =	simm.s32 @p2 $0x1  }
0x17: {  	s4 =	simm.s32 $0x1BF5;
	[smem:$0x3FBA] =	sst s0  }
0x18: {  	s0 =	sld [smem:$0x3F9D];
	_ =	swait.ge [sflag:s4], $0x0  }
0x19: {  	s7 =	sld [smem:$0x3F9E]  }
0x1a: {  	s8 =	sadd.s32 $0xFFFFE003, lr  }
0x1b: {  	s9 =	sadd.s32 $0xFFFFFEF7, lr;
	s5 =	simm.s32 $0xFFFFFFFF;
	p2 =	slt.u32 s8, $0xFFFFF086  }
0x1c: {  	p1 =	slt.u32 s9, $0xF7A;
	s5 =	simm.s32 @!p2 $0x0  }
0x1d: {  	s5 =	simm.s32 @p1 $0x1;
	p0 =	seq.s32 s7, s2  }
0x1e: {  	s7 =	smul.u32 @!p0 $0xF7A, s2;
	p2 =	seq.s32 @!p0 s5, $0x0  }
0x1f: {  	s9 =	smul.u32 $0xF7A, s1;
	s8 =	simm.s32 @!p0 $0x1BF5;
	p2 =	por !p2, p0  }
0x20: {  	[sflag:s8] =	ssyncset.s32 @!p0 $0xFFFFF086;
	s6 =	sadd.s32 @!p0 s3, s7;
	s7 =	simm.s32 @!p0 $0x108  }
0x21: {  	s3 =	sadd.s32 s3, s9;
	s6 =	sadd.s32 @!p0 $0x88, s6;
	s7 =	simm.s32 @p2 $0x1082  }
0x22: {  	[simem:s7], [sflag:s8] =	dma.local @!p0 [hbm:s6], $0xF7A  }
0x23: {  	s9 =	sor.u32 $0xD0000000, s2;
	s6 =	simm.s32 $0x108;
	_ =	swait.ge @!p0 [sflag:s8], $0x0  }
0x24: {  	s3 =	sadd.s32 $0x88, s3;
	s6 =	simm.s32 @!p1 $0x1082;
	[sflag:s4] =	ssyncset.s32 $0xFFFFF086  }
0x25: {  	[simem:s6], [sflag:s4] =	dma.local [hbm:s3], $0xF7A  }
0x26: {  	[smem:$0x3F9E] =	sst s1;
	(tag) =	ssettag s2;
	_ =	strace s9  }
0x27: {  	s1 =	sld [smem:$0x3FAE]  }
0x28: {  	s2 =	sld [smem:$0x3FAF]  }
0x29: {  	s4 =	sld [smem:$0x3FB1]  }
0x2a: {  	p0 =	seq.s32 s5, $0x0;
	s5 =	sld [smem:$0x3FB2]  }
0x2b: {  	s6 =	sld [smem:$0x3FB3]  }
0x2c: {  	s7 =	sld [smem:$0x3FB4]  }
0x2d: {  	s3 =	simm.s32 $0x108;
	s8 =	sld [smem:$0x3FB5]  }
0x2e: {  	s3 =	simm.s32 @!p0 $0x1082;
	s9 =	sld [smem:$0x3FB6]  }
0x2f: {  	lr =	sadd.s32 s0, s3;
	s0 =	sld [smem:$0x3FAD]  }
0x30: {  	s3 =	sld [smem:$0x3FB0]  }
0x31: {  	[smem:$0x3FB9] =	sst s10  }
0x32: {  	s10 =	sld [smem:$0x3FB7];
	_ =	sdelay $0x3  }
0x33: {  	p0 =	seq.s32 s10, $0x1;
	s10 =	sld [smem:$0x3FB9];
	_ =	sdelay $0x3  }
0x34: {  	[smem:$0x3FB9] =	sst s10  }
0x35: {  	s10 =	sld [smem:$0x3FB8];
	_ =	sdelay $0x3  }
0x36: {  	p1 =	seq.s32 s10, $0x1;
	s10 =	sld [smem:$0x3FB9];
	_ =	sdelay $0x3  }
0x37: {  	[smem:$0x3FB9] =	sst s10  }
0x38: {  	s10 =	sld [smem:$0x3FBA]  }
0x39: {  	_ = 	snop;
	(pc) =	sbr.ind lr, $3  }
0x3a: {  	_ = 	snop  }
0x3b: {  	_ = 	snop  }
0x3c: {  	p2 =	seq.s32 s10, $0x1;
	s10 =	sld [smem:$0x3FB9]  }
0x3d: {  	_ =	shalt  }
0x3e: {  	_ =	shalt  }
0x3f: {  	_ =	shalt  }
0x40: {  	_ =	shalt  }
0x41: {  	_ =	shalt  }
0x42: {  	_ =	shalt  }
0x43: {  	_ =	shalt  }
0x44: {  	_ =	shalt  }
0x45: {  	_ =	shalt  }
0x46: {  	_ =	shalt  }
0x47: {  	_ =	shalt  }
0x48: {  	_ =	shalt  }
0x49: {  	_ =	shalt  }
0x4a: {  	_ =	shalt  }
0x4b: {  	_ =	shalt  }
0x4c: {  	_ =	shalt  }
0x4d: {  	_ =	shalt  }
0x4e: {  	_ =	shalt  }
0x4f: {  	_ =	shalt  }
0x50: {  	_ =	shalt  }
0x51: {  	_ =	shalt  }
0x52: {  	_ =	shalt  }
0x53: {  	_ =	shalt  }
0x54: {  	_ =	shalt  }
0x55: {  	_ =	shalt  }
0x56: {  	_ =	shalt  }
0x57: {  	_ =	shalt  }
0x58: {  	_ =	shalt  }
0x59: {  	_ =	shalt  }
0x5a: {  	_ =	shalt  }
0x5b: {  	_ =	shalt  }
0x5c: {  	_ =	shalt  }
0x5d: {  	_ =	shalt  }
0x5e: {  	_ =	shalt  }
0x5f: {  	_ =	shalt  }
0x60: {  	_ =	shalt  }
0x61: {  	_ =	shalt  }
0x62: {  	_ =	shalt  }
0x63: {  	_ =	shalt  }
0x64: {  	_ =	shalt  }
0x65: {  	_ =	shalt  }
0x66: {  	_ =	shalt  }
0x67: {  	_ =	shalt  }
0x68: {  	_ =	shalt  }
0x69: {  	_ =	shalt  }
0x6a: {  	_ =	shalt  }
0x6b: {  	_ =	shalt  }
0x6c: {  	_ =	shalt  }
0x6d: {  	_ =	shalt  }
0x6e: {  	_ =	shalt  }
0x6f: {  	_ =	shalt  }
0x70: {  	_ =	shalt  }
0x71: {  	_ =	shalt  }
0x72: {  	_ =	shalt  }
0x73: {  	_ =	shalt  }
0x74: {  	_ =	shalt  }
0x75: {  	_ =	shalt  }
0x76: {  	_ =	shalt  }
0x77: {  	_ =	shalt  }
0x78: {  	_ =	shalt  }
0x79: {  	_ =	shalt  }
0x7a: {  	_ =	shalt  }
0x7b: {  	_ =	shalt  }
0x7c: {  	_ =	shalt  }
0x7d: {  	_ =	shalt  }
0x7e: {  	_ =	shalt  }
0x7f: {  	_ =	shalt  }
0x80: {  	_ =	shalt  }
0x81: {  	_ =	shalt  }
0x82: {  	_ =	shalt  }
0x83: {  	_ =	shalt  }
0x84: {  	_ =	shalt  }
0x85: {  	_ =	shalt  }
0x86: {  	_ =	shalt  }
0x87: {  	_ =	shalt  }
.Lfunc_end0:
.L_simem_size_0:
called_computation.2_lowered:
.L_overlay_start_0:
0x88: {  	s2 =	sld [smem:$0x3FD9]  }
0x89: {  	s3 =	sld [smem:$0x3FFE];
	_ =	sdelay $0x1  }
0x8a: {  	s1 =	srdreg.scid  }
0x8b: {  	s0 =	sand.u32 $0x1, s1  }
0x8c: {  	s17 =	sshll.u32 s0, $0xA;
	s2 =	sadd.s32 s3, s2  }
0x8d: {  	s2 =	sadd.s32 s2, s17  }
0x8e: {  	[smem:$0x3FC5] =	sst s2  }
0x8f: {  	_ = 	snop  }
0x90: {  	(tm) =	ssettm $0x1  }
0x91: {  	s18 =	sld [smem:$0x3FFB];
	_ =	sdelay $0x3  }
0x92: {  	_ =	strace s18  }
0x93: {  	s2 =	sld [smem:$0x3FFC];
	_ =	sdelay $0x3  }
0x94: {  	_ =	strace s2  }
0x95: {  	s2 =	sld [smem:$0x3FFD];
	_ =	sdelay $0x3  }
0x96: {  	_ =	strace s2  }
0x97: {  	_ =	strace $0x8FFFFFFF  }
0x98: {  	s19 =	sld [smem:$0x3FDB];
	_ =	sdelay $0x1  }
0x99: {  	s20 =	simm.s32 $_scs_section_size  }
0x9a: {  	s4 =	simm.s32 $_size__tile_overlayer_lowered;
	s5 =	simm.s32 $_tile_overlayer_lowered  }
0x9b: {  	s6 =	simm.s32 $0x1BFF;
	s21 =	sshll.u32 s5, $0x1;
	s3 =	sadd.s32 s20, s19  }
0x9c: {  	s22 =	simm.s32 $0x0;
	s4 =	sshll.u32 s4, $0x1;
	s5 =	sadd.s32 s21, s3  }
0x9d: {  	[timem:s22], [sflag:s6] =	dma.local [hbm:s5], s4  }
0x9e: {  	_ =	swait.ge [sflag:s6], s4  }
0x9f: {  	s4 =	ssub.s32 $0x0, s4;
	[sflag:s6] =	ssyncset.done $0x0  }
0xa0: {  	[sflag:s6] =	ssyncadd.s32 s4;
	_ =	sdelay $0x1  }
0xa1: {  	s23 =	simm.s32 $0x1B8B  }
0xa2: {  	_ =	swait.ge [sflag:s23], $0x1  }
0xa3: {  	[sflag:s23] =	ssyncset.done $0x0  }
0xa4: {  	[sflag:s23] =	ssyncadd.s32 $0xFFFFFFFF  }
0xa5: {  	s4 =	sld [smem:$0x0]  }
0xa6: {  	s5 =	sand.u32 $0xFFFFFFFE, s1  }
0xa7: {  	p0 =	sne.s32 s1, s5  }
0xa8: {  	s5 =	sshll.u32 @p0 s5, $0xE  }
0xa9: {  	s5 =	sadd.s32 @p0 $0x11B8D, s5;
	s6 =	sshll.u32 @p0 s4, $0x11  }
0xaa: {  	s5 =	sor.u32 @p0 s6, s5  }
0xab: {  	[sflag:s5] =	ssyncadd.remote.s32 @p0 $0x1;
	_ =	sdelay $0x1  }
0xac: {  	s5 =	simm.s32 @p0 $0x1B8D  }
0xad: {  	_ =	swait.eq @p0 [sflag:s5], $0x1  }
0xae: {  	[sflag:s5] =	ssyncadd.s32 @p0 $0xFFFFFFFF  }
0xaf: {  	s6 =	sshll.u32 @!p0 s1, $0xE  }
0xb0: {  	s6 =	sor.u32 @!p0 $0x4000, s6;
	s5 =	simm.s32 @!p0 $0x1B8D  }
0xb1: {  	s4 =	sshll.u32 @!p0 s4, $0x11;
	s6 =	sadd.s32 @!p0 $0x11B8D, s6;
	_ =	swait.eq @!p0 [sflag:s5], $0x1  }
0xb2: {  	s4 =	sor.u32 @!p0 s4, s6;
	[sflag:s5] =	ssyncadd.s32 @!p0 $0xFFFFFFFF  }
0xb3: {  	s25 =	simm.s32 $0x1B8E;
	s24 =	sld [smem:$0x3FFE];
	[sflag:s4] =	ssyncadd.remote.s32 @!p0 $0x1  }
0xb4: {  	s26 =	simm.s32 $execute0_lowered;
	[smem:$0x3FD2] =	sst s25  }
0xb5: {  	s5 =	sshll.u32 s26, $0x1;
	_ =	strace $0x8000004C;
	[dreg:$0x1] =	wrdreg $0xFFFFFFFF  }
0xb6: {  	s28 =	simm.s32 $_size_execute0_lowered;
	s3 =	sadd.s32 s3, s5;
	[dreg:$0x0] =	wrdreg $0x0  }
0xb7: {  	s5 =	sshll.u32 s28, $0x1;
	[dreg:$0x2] =	wrdreg s3  }
0xb8: {  	[dreg:$0x3] =	wrdreg s5  }
0xb9: {  	[dreg:$0x4] =	wrdreg $0xC0  }
0xba: {  	_ =	task [dreg:s22], $0x5FFFF  }
0xbb: {  	[dreg:$0x1] =	wrdreg $0xFFFFFFFF  }
0xbc: {  	[dreg:$0x0] =	wrdreg $0x60  }
0xbd: {  	[dreg:$0x2] =	wrdreg s24  }
0xbe: {  	[dreg:$0x3] =	wrdreg $0x0  }
0xbf: {  	[dreg:$0x4] =	wrdreg $0xA  }
0xc0: {  	_ =	task.clear_ibuf [dreg:s22], $0x5FFFF;
	_ =	strace $0x9000004C  }
0xc1: {  	s29 =	simm.s32 $0xA;
	_ =	strace $0x8000004E  }
0xc2: {  	_ =	swait.ge [sflag:s29], $0x1  }
0xc3: {  	[sflag:s29] =	ssyncadd.s32 $0xFFFFFFFF  }
0xc4: {  	_ =	strace $0x9000004E  }
0xc5: {  	_ =	sfence  }
0xc6: {  	s30 =	sld [smem:$0x0];
	_ =	sdelay $0x2  }
0xc7: {  	s31 =	sshll.u32 s1, $0xD;
	s1 =	sshrl.u32 s1, $0x2  }
0xc8: {  	s4 =	sand.u32 $0x4000, s31;
	s1 =	sadd.s32 s1, s30  }
0xc9: {  	s0 =	sor.u32 s4, s0;
	s1 =	sshll.u32 s1, $0x11  }
0xca: {  	s0 =	sor.u32 s1, s0  }
0xcb: {  	s0 =	sadd.s32 $0x8F2B, s0  }
0xcc: {  	[sflag:s0] =	ssyncadd.remote.s32 $0x1  }
0xcd: {  	_ =	sfence.sel $0xFFFF  }
0xce: {  	[dreg:$0x0] =	wrdreg $0xFFFFFFFF;
	(pc) =	sbr.abs _section_cstart, $3  }
0xcf: {  	[dreg:$0x1] =	wrdreg $0xFFFFFFFF  }
0xd0: {  	_ =	task.clear_ibuf [dreg:s22], $0x2FFFF;
	_ =	strace $0x9FFFFFFF  }
0xd1: {  	(tm) =	ssettm $0x7FFFFFFF  }
tec
execute0_lowered:
.L_overlay_start_1:
0x0: {  	(tag) =	ssettag $0x1  }
0x1: {  	s0 =	rddreg [dreg:$0x0]  }
0x2: {  	s2 =	rddreg [dreg:$0x1];
	s3 =	simm.s32 $0x0  }
0x3: {  	s10 =	stileid.u32;
	s4 =	srdreg.scid;
	s28 =	simm.s32 $0x80  }
0x4: {  	s29 =	simm.s32 $0x5100;
	s30 =	simm.s32 $0x5200;
	s1 =	smul.u32 $0x2800, s10  }
0x5: {  	s31 =	simm.s32 $0x3;
	[smem:$0x7FF] =	sst s3;
	s25 =	smul.u32 $0x27100, s10  }
0x6: {  	s4 =	sand.u32 $0x1, s4;
	s5 =	sshll.u32 s10, $0x1;
	s14 =	smul.u32 $0x2710, s10  }
0x7: {  	s11 =	sadd.s32 $0x1600, s0;
	_ =	strace $0x8000004D;
	s12 =	smul.u32 $0x13880, s4  }
0x8: {  	s7 =	ssub.s32 $0x2, s4;
	s5 =	sor.u32 s4, s5;
	s4 =	smul.u32 $0x1388, s4  }
0x9: {  	s6 =	sshrl.u32 s1, $0x3;
	s8 =	sshrl.u32 s7, $0x1;
	s9 =	smul.u32 $0x1388, s5  }
0xa: {  	s5 =	smul.u32 $0x13880, s5;
	s1 =	sadd.s32 s1, s2;
	s6 =	sadd.s32 s6, s0  }
0xb: {  	s0 =	sadd.s32 $0x1A000, s0;
	s7 =	ssub.s32 s7, s8;
	[dreg:$0x4] =	wrdreg s1  }
0xc: {  	s19 =	sadd.s32 s12, s25;
	s4 =	sadd.s32 s4, s14;
	s8 =	simm.s32 $0x0  }
0xd: {  	s6 =	sadd.s32 $0x15000, s6;
	s23 =	sshrl.u32 s9, $0x3;
	s5 =	sshrl.u32 s5, $0x3  }
0xe: {  	s18 =	smax.u32 s7, $0x1;
	s20 =	sshll.u32 s4, $0x1;
	s21 =	sadd.s32 $0x271C0, s4  }
0xf: {  	s7 =	simm.s32 $0x6;
	[dreg:$0x3] =	wrdreg s6;
	s24 =	sadd.s32 s11, s23  }
0x10: {  	s5 =	sadd.s32 s0, s5;
	[dreg:$0xc] =	wrdreg s18;
	s26 =	sadd.s32 $0x4E20, s24  }
0x11: {  	s22 =	sshrl.u32 s21, $0x3;
	s9 =	sadd.s32 $0xEA60, s24;
	[dreg:$0x5] =	wrdreg s26  }
0x12: {  	s23 =	sadd.s32 $0x753C0, s4;
	s13 =	sadd.s32 $0x4E28, s24;
	[dreg:$0x6] =	wrdreg s9  }
0x13: {  	s21 =	simm.s32 $0x7;
	s15 =	sadd.s32 $0xEA68, s24;
	[dreg:$0x7] =	wrdreg s13  }
0x14: {  	s6 =	simm.s32 $0x5;
	s16 =	sadd.s32 $0x5090, s24;
	[dreg:$0x8] =	wrdreg s15  }
0x15: {  	s1 =	sadd.s32 $0xECD0, s24;
	s17 =	sadd.s32 $0x2700, s5;
	[dreg:$0x9] =	wrdreg s16  }
0x16: {  	s24 =	sadd.s32 $0x27180, s4;
	s4 =	sadd.s32 $0x75380, s4;
	[dreg:$0xa] =	wrdreg s1  }
0x17: {  	vm0 =	vcmask $0xB08;
	vm1 =	vcmask $0x300;
	v0 =	vlaneseq.u32;
	s5 =	simm.s32 $0x4;
	[dreg:$0xb] =	wrdreg s17;
	s1 =	sshrl.u32 s19, $0x3  }
0x18: {  	vm0 =	vmor vm1, vm0;
	vm1 =	vcmask $0x1310;
	v0 =	vshrl.u32 v0, $0x1;
	s16 =	sadd.s32 s22, s11;
	s25 =	sshrl.u32 s24, $0x3;
	s26 =	sshrl.u32 s4, $0x3  }
0x19: {  	vm0 =	vmor vm0, vm1;
	vm1 =	vcmask $0x1B18;
	v1 =	vor.u32 $0x8, v0;
	s22 =	simm.s32 $0x5000;
	s24 =	simm.s32 $0x5040;
	s4 =	simm.s32 $0x5600  }
.Ltmp0:
0x1a: {  	v2 =	vor.u32 $0x10, v0;
	vm0 =	vmor vm0, vm1;
	vm1 =	vcmask $0x2320;
	s1 =	sadd.s32 s1, s0;
	s0 =	sadd.s32 s0, s20;
	(pc) =	sbr.rel .LBB2_1-.Ltmp0, $4  }
0x1b: {  	v3 =	vor.u32 $0x18, v0;
	vm0 =	vmor vm0, vm1;
	vm1 =	vcmask $0x2B28;
	s18 =	sadd.s32 s25, s11;
	s19 =	sadd.s32 s26, s11;
	s20 =	simm.s32 $0x2800  }
0x1c: {  	v4 =	vor.u32 $0x20, v0;
	vm0 =	vmor vm0, vm1;
	vm1 =	vcmask $0x3330;
	s25 =	simm.s32 $0x50C0;
	s26 =	simm.s32 $0x1;
	[dreg:$0xd] =	wrdreg s1  }
0x1d: {  	v5 =	vor.u32 $0x28, v0;
	vm0 =	vmor vm0, vm1;
	vm1 =	vcmask $0x3B38;
	s9 =	sadd.s32 $0x80, s0;
	s0 =	sshrl.u32 s23, $0x3;
	s23 =	simm.s32 $0x5080  }
0x1e: {  	v6 =	vor.u32 $0x30, v0;
	v7 =	vor.u32 $0x38, v0;
	vm0 =	vmor vm0, vm1;
	s1 =	simm.s32 $0x5180;
	s17 =	sadd.s32 s0, s11;
	s0 =	simm.s32 $0x2  }
.LBB2_7:
0x1f: {  	_ =	swait.ge [sflag:s6], $0x400  }
0x20: {  	[sflag:s6] =	ssyncset.done $0x0  }
0x21: {  	[sflag:s6] =	ssyncadd.s32 $0xFFFFFC00  }
0x22: {  	_ =	swait.ge [sflag:s7], $0x400  }
0x23: {  	[sflag:s7] =	ssyncset.done $0x0  }
0x24: {  	s10 =	rddreg [dreg:$0x9];
	[sflag:s7] =	ssyncadd.s32 $0xFFFFFC00  }
0x25: {  	[tilespmem:s22], [sflag:$0x7] =	stream.linear.gather [hbm4b:s10+s3], $0x8, $0x38;
	[tilespmem:$0x5A00] =	vst v63  }
0x26: {  	_ =	swait.ge [sflag:s21], $0x8  }
0x27: {  	[sflag:s21] =	ssyncset.done $0x0  }
0x28: {  	s12 =	rddreg [dreg:$0xa];
	[sflag:s21] =	ssyncadd.s32 $0xFFFFFFF8  }
0x29: {  	[tilespmem:s23], [sflag:$0x7] =	stream.linear.gather [hbm4b:s12+s3], $0x8, $0x38;
	[tilespmem:$0x5A00] =	vst v63  }
0x2a: {  	_ =	swait.ge [sflag:s21], $0x8  }
0x2b: {  	[sflag:s21] =	ssyncset.done $0x0  }
0x2c: {  	[sflag:s21] =	ssyncadd.s32 $0xFFFFFFF8  }
0x2d: {  	v8 =	vld.idx.msk [tilespmem:v0+s23+$0x0], $0xffff  }
0x2e: {  	v9 =	vld.idx.msk [tilespmem:v0+s22+$0x0], $0xffff;
	_ =	sdelay $0x3  }
0x2f: {  	v8 =	vshll.u32 v8, $0x1  }
0x30: {  	v9 =	vshll.u32 v9, $0x1;
	v8 =	vor.u32 $0x1, v8  }
0x31: {  	v8 =	vsel vm0, v9, v8  }
0x32: {  	s13 =	simm.s32 $0x10;
	[tilespmem:$0x5100] =	vst v8  }
0x33: {  	[tilespmem:s30], [sflag:$0x3] =	stream.indirect.gather [spmem:s2], $0x8, s29, s13, $0xb8;
	[tilespmem:$0x5A00] =	vst v63  }
0x34: {  	_ =	swait.ge [sflag:s31], $0x80  }
0x35: {  	[sflag:s31] =	ssyncset.done $0x0  }
0x36: {  	s14 =	rddreg [dreg:$0xb];
	[sflag:s31] =	ssyncadd.s32 $0xFFFFFF80  }
0x37: {  	[hbm4b:s14+s3] =	stream.linear.scatter [tilespmem:s30], [sflag:$0x7], $0x80, $0x38;
	[tilespmem:$0x5A00] =	vst v63  }
0x38: {  	_ =	swait.ge [sflag:s21], $0x80  }
0x39: {  	s8 =	sadd.s32 $0x1, s8;
	s15 =	rddreg [dreg:$0xc]  }
0x3a: {  	p0 =	sne.s32 s8, s15  }
.Ltmp1:
0x3b: {  	_ = 	snop;
	(pc) =	sbr.rel @!p0 .LBB2_8-.Ltmp1, $3  }
0x3c: {  	_ =	sdelay $0x1  }
0x3d: {  	[sflag:s21] =	ssyncset.done $0x0  }
0x3e: {  	[sflag:s21] =	ssyncadd.s32 $0xFFFFFF80  }
.LBB2_1:
0x3f: {  	s10 =	rddreg [dreg:$0x3]  }
0x40: {  	[tilespmem:s20], [sflag:$0x7] =	stream.linear.gather [hbm4b:s10+s3], $0x2800, $0x38;
	[tilespmem:$0x5A00] =	vst v63  }
0x41: {  	_ =	swait.ge [sflag:s21], $0x2800  }
0x42: {  	[sflag:s21] =	ssyncset.done $0x0  }
0x43: {  	s11 =	rddreg [dreg:$0x4];
	[sflag:s21] =	ssyncadd.s32 $0xFFFFD800  }
0x44: {  	[spmem:s11] =	stream.linear.scatter [tilespmem:s20], [sflag:$0x7], $0x2800, $0x38;
	[tilespmem:$0x5A00] =	vst v63  }
0x45: {  	_ =	swait.ge [sflag:s21], $0x2800  }
0x46: {  	[sflag:s21] =	ssyncset.done $0x0  }
0x47: {  	[sflag:s21] =	ssyncadd.s32 $0xFFFFD800  }
0x48: {  	[bflag:$0x0] =	sbarrier.arrive $0xFFFF  }
0x49: {  	s12 =	rddreg [dreg:$0x5]  }
0x4a: {  	[tilespmem:s22], [sflag:$0x1] =	stream.linear.gather [hbm4b:s12+s3], $0x40, $0x38;
	[tilespmem:$0x5A00] =	vst v63  }
0x4b: {  	s13 =	rddreg [dreg:$0x6]  }
0x4c: {  	[tilespmem:s23], [sflag:$0x1] =	stream.linear.gather [hbm4b:s13+s3], $0x40, $0x38;
	[tilespmem:$0x5A00] =	vst v63  }
.Ltmp2:
0x4d: {  	s14 =	rddreg [dreg:$0x7];
	(pc) =	sbr.rel .LBB2_2-.Ltmp2, $4  }
0x4e: {  	[tilespmem:s24], [sflag:$0x2] =	stream.linear.gather [hbm4b:s14+s3], $0x40, $0x38;
	[tilespmem:$0x5A00] =	vst v63  }
0x4f: {  	s15 =	rddreg [dreg:$0x8]  }
0x50: {  	[tilespmem:s25], [sflag:$0x2] =	stream.linear.gather [hbm4b:s15+s3], $0x40, $0x38;
	[tilespmem:$0x5A00] =	vst v63  }
0x51: {  	s11 =	simm.s32 $0x0;
	s14 =	rddreg [dreg:$0xd];
	s15 =	smov.u32 s9  }
.LBB2_3:
0x52: {  	[tilespmem:s30], [sflag:$0x3] =	stream.indirect.gather [spmem:s2], $0x8, s29, s28, $0xb8;
	[tilespmem:$0x5A00] =	vst v63  }
.LBB2_5:
0x53: {  	s12 =	sadd.s32 s11, s18  }
0x54: {  	[tilespmem:s22], [sflag:$0x1] =	stream.linear.gather [hbm4b:s12+s3], $0x40, $0x38;
	[tilespmem:$0x5A00] =	vst v63  }
0x55: {  	s13 =	sadd.s32 s11, s19;
	p0 =	por $0x0, $0x0  }
0x56: {  	[tilespmem:s23], [sflag:$0x1] =	stream.linear.gather [hbm4b:s13+s3], $0x40, $0x38;
	[tilespmem:$0x5A00] =	vst v63  }
.LBB2_6:
0x57: {  	_ =	swait.ge [sflag:s31], $0x400  }
0x58: {  	[sflag:s31] =	ssyncset.done $0x0  }
0x59: {  	[sflag:s31] =	ssyncadd.s32 $0xFFFFFC00  }
0x5a: {  	[hbm4b:s14+s3] =	stream.linear.scatter [tilespmem:s30], [sflag:$0x5], $0x400, $0x38;
	[tilespmem:$0x5A00] =	vst v63  }
0x5b: {  	_ =	swait.ge [sflag:s0], $0x40  }
0x5c: {  	[sflag:s0] =	ssyncset.done $0x0  }
0x5d: {  	[sflag:s0] =	ssyncadd.s32 $0xFFFFFFC0  }
0x5e: {  	_ =	swait.ge [sflag:s0], $0x40  }
0x5f: {  	[sflag:s0] =	ssyncset.done $0x0  }
0x60: {  	[sflag:s0] =	ssyncadd.s32 $0xFFFFFFC0  }
0x61: {  	v8 =	vld.idx.msk [tilespmem:v0+s25+$0x0], $0xffff  }
0x62: {  	v9 =	vld.idx.msk [tilespmem:v0+s24+$0x0], $0xffff;
	_ =	sdelay $0x3  }
0x63: {  	v8 =	vshll.u32 v8, $0x1  }
0x64: {  	v9 =	vshll.u32 v9, $0x1;
	v8 =	vor.u32 $0x1, v8  }
0x65: {  	v8 =	vsel vm0, v9, v8  }
0x66: {  	[tilespmem:$0x5180] =	vst v8  }
0x67: {  	v8 =	vld.idx.msk [tilespmem:v1+s25+$0x0], $0xffff  }
0x68: {  	v57 =	vld.idx.msk [tilespmem:v1+s24+$0x0], $0xffff;
	_ =	sdelay $0x3  }
0x69: {  	v8 =	vshll.u32 v8, $0x1  }
0x6a: {  	v9 =	vshll.u32 v57, $0x1;
	v8 =	vor.u32 $0x1, v8  }
0x6b: {  	v8 =	vsel vm0, v9, v8  }
0x6c: {  	[tilespmem:$0x5190] =	vst v8  }
0x6d: {  	v8 =	vld.idx.msk [tilespmem:v2+s25+$0x0], $0xffff  }
0x6e: {  	v58 =	vld.idx.msk [tilespmem:v2+s24+$0x0], $0xffff;
	_ =	sdelay $0x3  }
0x6f: {  	v8 =	vshll.u32 v8, $0x1  }
0x70: {  	v9 =	vshll.u32 v58, $0x1;
	v8 =	vor.u32 $0x1, v8  }
0x71: {  	v8 =	vsel vm0, v9, v8  }
0x72: {  	[tilespmem:$0x51A0] =	vst v8  }
0x73: {  	v8 =	vld.idx.msk [tilespmem:v3+s25+$0x0], $0xffff  }
0x74: {  	v59 =	vld.idx.msk [tilespmem:v3+s24+$0x0], $0xffff;
	_ =	sdelay $0x3  }
0x75: {  	v8 =	vshll.u32 v8, $0x1  }
0x76: {  	v9 =	vshll.u32 v59, $0x1;
	v8 =	vor.u32 $0x1, v8  }
0x77: {  	v8 =	vsel vm0, v9, v8  }
0x78: {  	[tilespmem:$0x51B0] =	vst v8  }
0x79: {  	v8 =	vld.idx.msk [tilespmem:v4+s25+$0x0], $0xffff  }
0x7a: {  	v60 =	vld.idx.msk [tilespmem:v4+s24+$0x0], $0xffff;
	_ =	sdelay $0x3  }
0x7b: {  	v8 =	vshll.u32 v8, $0x1  }
0x7c: {  	v9 =	vshll.u32 v60, $0x1;
	v8 =	vor.u32 $0x1, v8  }
0x7d: {  	v8 =	vsel vm0, v9, v8  }
0x7e: {  	[tilespmem:$0x51C0] =	vst v8  }
0x7f: {  	v8 =	vld.idx.msk [tilespmem:v5+s25+$0x0], $0xffff  }
0x80: {  	v61 =	vld.idx.msk [tilespmem:v5+s24+$0x0], $0xffff;
	_ =	sdelay $0x3  }
0x81: {  	v8 =	vshll.u32 v8, $0x1  }
0x82: {  	v9 =	vshll.u32 v61, $0x1;
	v8 =	vor.u32 $0x1, v8  }
0x83: {  	v8 =	vsel vm0, v9, v8  }
0x84: {  	[tilespmem:$0x51D0] =	vst v8  }
0x85: {  	v8 =	vld.idx.msk [tilespmem:v6+s25+$0x0], $0xffff  }
0x86: {  	v62 =	vld.idx.msk [tilespmem:v6+s24+$0x0], $0xffff;
	_ =	sdelay $0x3  }
0x87: {  	v8 =	vshll.u32 v8, $0x1  }
0x88: {  	v9 =	vshll.u32 v62, $0x1;
	v8 =	vor.u32 $0x1, v8  }
0x89: {  	v8 =	vsel vm0, v9, v8  }
0x8a: {  	[tilespmem:$0x51E0] =	vst v8  }
0x8b: {  	v8 =	vld.idx.msk [tilespmem:v7+s25+$0x0], $0xffff  }
0x8c: {  	v63 =	vld.idx.msk [tilespmem:v7+s24+$0x0], $0xffff;
	_ =	sdelay $0x3  }
0x8d: {  	v8 =	vshll.u32 v8, $0x1  }
0x8e: {  	v9 =	vshll.u32 v63, $0x1;
	v8 =	vor.u32 $0x1, v8  }
0x8f: {  	p1 =	seq.s32 s11, $0x0;
	v8 =	vsel vm0, v9, v8  }
0x90: {  	s12 =	simm.s32 @!p1 $0x6;
	[tilespmem:$0x51F0] =	vst v8  }
0x91: {  	_ =	swait.ge @!p1 [sflag:s12], $0x400  }
0x92: {  	[sflag:s12] =	ssyncset.done @!p1 $0x0  }
0x93: {  	[sflag:s12] =	ssyncadd.s32 @!p1 $0xFFFFFC00  }
0x94: {  	[tilespmem:s4], [sflag:$0x4] =	stream.indirect.gather [spmem:s2], $0x8, s1, s28, $0xb8;
	[tilespmem:$0x5A00] =	vst v63  }
0x95: {  	s13 =	simm.s32 @!p0 $0x0;
	s10 =	simm.s32 @!p0 $0x5040;
	s12 =	sadd.s32 @!p0 s11, s16  }
0x96: {  	[tilespmem:s10], [sflag:$0x2] =	stream.linear.gather @!p0 [hbm4b:s12+s13], $0x40, $0x38;
	[tilespmem:$0x5A00] =	vst v63  }
0x97: {  	s10 =	sadd.s32 @!p0 s11, s17;
	s12 =	simm.s32 @!p0 $0x50C0;
	s11 =	sadd.s32 $0x10, s11  }
0x98: {  	[tilespmem:s12], [sflag:$0x2] =	stream.linear.gather @!p0 [hbm4b:s10+s13], $0x40, $0x38;
	[tilespmem:$0x5A00] =	vst v63  }
0x99: {  	p0 =	sne.s32 s11, $0x270  }
.Ltmp3:
0x9a: {  	_ =	swait.ge [sflag:s5], $0x400;
	(pc) =	sbr.rel @!p0 .LBB2_7-.Ltmp3, $4  }
0x9b: {  	[sflag:s5] =	ssyncset.done $0x0  }
0x9c: {  	[sflag:s5] =	ssyncadd.s32 $0xFFFFFC00  }
0x9d: {  	[hbm4b:s15+s3] =	stream.linear.scatter [tilespmem:s4], [sflag:$0x6], $0x400, $0x38;
	[tilespmem:$0x5A00] =	vst v63  }
0x9e: {  	s14 =	sadd.s32 $0x100, s14;
	s15 =	sadd.s32 $0x100, s15  }
.LBB2_2:
0x9f: {  	_ =	swait.ge [sflag:s26], $0x40  }
0xa0: {  	[sflag:s26] =	ssyncset.done $0x0  }
0xa1: {  	[sflag:s26] =	ssyncadd.s32 $0xFFFFFFC0  }
0xa2: {  	_ =	swait.ge [sflag:s26], $0x40  }
0xa3: {  	[sflag:s26] =	ssyncset.done $0x0  }
0xa4: {  	[sflag:s26] =	ssyncadd.s32 $0xFFFFFFC0  }
0xa5: {  	v8 =	vld.idx.msk [tilespmem:v0+s23+$0x0], $0xffff  }
0xa6: {  	v9 =	vld.idx.msk [tilespmem:v0+s22+$0x0], $0xffff;
	_ =	sdelay $0x3  }
0xa7: {  	v8 =	vshll.u32 v8, $0x1  }
0xa8: {  	v9 =	vshll.u32 v9, $0x1;
	v8 =	vor.u32 $0x1, v8  }
0xa9: {  	v8 =	vsel vm0, v9, v8  }
0xaa: {  	[tilespmem:$0x5100] =	vst v8  }
0xab: {  	v8 =	vld.idx.msk [tilespmem:v1+s23+$0x0], $0xffff  }
0xac: {  	v57 =	vld.idx.msk [tilespmem:v1+s22+$0x0], $0xffff;
	_ =	sdelay $0x3  }
0xad: {  	v8 =	vshll.u32 v8, $0x1  }
0xae: {  	v9 =	vshll.u32 v57, $0x1;
	v8 =	vor.u32 $0x1, v8  }
0xaf: {  	v8 =	vsel vm0, v9, v8  }
0xb0: {  	[tilespmem:$0x5110] =	vst v8  }
0xb1: {  	v8 =	vld.idx.msk [tilespmem:v2+s23+$0x0], $0xffff  }
0xb2: {  	v58 =	vld.idx.msk [tilespmem:v2+s22+$0x0], $0xffff;
	_ =	sdelay $0x3  }
0xb3: {  	v8 =	vshll.u32 v8, $0x1  }
0xb4: {  	v9 =	vshll.u32 v58, $0x1;
	v8 =	vor.u32 $0x1, v8  }
0xb5: {  	v8 =	vsel vm0, v9, v8  }
0xb6: {  	[tilespmem:$0x5120] =	vst v8  }
0xb7: {  	v8 =	vld.idx.msk [tilespmem:v3+s23+$0x0], $0xffff  }
0xb8: {  	v59 =	vld.idx.msk [tilespmem:v3+s22+$0x0], $0xffff;
	_ =	sdelay $0x3  }
0xb9: {  	v8 =	vshll.u32 v8, $0x1  }
0xba: {  	v9 =	vshll.u32 v59, $0x1;
	v8 =	vor.u32 $0x1, v8  }
0xbb: {  	v8 =	vsel vm0, v9, v8  }
0xbc: {  	[tilespmem:$0x5130] =	vst v8  }
0xbd: {  	v8 =	vld.idx.msk [tilespmem:v4+s23+$0x0], $0xffff  }
0xbe: {  	v60 =	vld.idx.msk [tilespmem:v4+s22+$0x0], $0xffff;
	_ =	sdelay $0x3  }
0xbf: {  	v8 =	vshll.u32 v8, $0x1  }
0xc0: {  	v9 =	vshll.u32 v60, $0x1;
	v8 =	vor.u32 $0x1, v8  }
0xc1: {  	v8 =	vsel vm0, v9, v8  }
0xc2: {  	[tilespmem:$0x5140] =	vst v8  }
0xc3: {  	v8 =	vld.idx.msk [tilespmem:v5+s23+$0x0], $0xffff  }
0xc4: {  	v61 =	vld.idx.msk [tilespmem:v5+s22+$0x0], $0xffff;
	_ =	sdelay $0x3  }
0xc5: {  	v8 =	vshll.u32 v8, $0x1  }
0xc6: {  	v9 =	vshll.u32 v61, $0x1;
	v8 =	vor.u32 $0x1, v8  }
0xc7: {  	v8 =	vsel vm0, v9, v8  }
0xc8: {  	[tilespmem:$0x5150] =	vst v8  }
0xc9: {  	v8 =	vld.idx.msk [tilespmem:v6+s23+$0x0], $0xffff  }
0xca: {  	v62 =	vld.idx.msk [tilespmem:v6+s22+$0x0], $0xffff;
	_ =	sdelay $0x3  }
0xcb: {  	v8 =	vshll.u32 v8, $0x1  }
0xcc: {  	v9 =	vshll.u32 v62, $0x1;
	v8 =	vor.u32 $0x1, v8  }
0xcd: {  	v8 =	vsel vm0, v9, v8  }
0xce: {  	[tilespmem:$0x5160] =	vst v8  }
0xcf: {  	v8 =	vld.idx.msk [tilespmem:v7+s23+$0x0], $0xffff  }
0xd0: {  	v63 =	vld.idx.msk [tilespmem:v7+s22+$0x0], $0xffff;
	_ =	sdelay $0x1  }
0xd1: {  	p0 =	sne.s32 s11, $0x0  }
.Ltmp4:
0xd2: {  	_ = 	snop;
	(pc) =	sbr.rel @!p0 .LBB2_3-.Ltmp4, $4  }
0xd3: {  	v8 =	vshll.u32 v8, $0x1  }
0xd4: {  	v9 =	vshll.u32 v63, $0x1;
	v8 =	vor.u32 $0x1, v8  }
0xd5: {  	v8 =	vsel vm0, v9, v8  }
0xd6: {  	[tilespmem:$0x5170] =	vst v8  }
0xd7: {  	p1 =	seq.s32 s11, $0x260  }
.Ltmp5:
0xd8: {  	_ = 	snop;
	(pc) =	sbr.rel @p1 .LBB2_6-.Ltmp5, $4  }
.Ltmp6:
0xd9: {  	_ =	swait.ge [sflag:s6], $0x400;
	(pc) =	sbr.rel @!p1 .LBB2_5-.Ltmp6, $4  }
0xda: {  	[sflag:s6] =	ssyncset.done $0x0  }
0xdb: {  	p0 =	por $0x1, $0x1;
	[sflag:s6] =	ssyncadd.s32 $0xFFFFFC00  }
0xdc: {  	[tilespmem:s30], [sflag:$0x3] =	stream.indirect.gather [spmem:s2], $0x8, s29, s28, $0xb8;
	[tilespmem:$0x5A00] =	vst v63  }
0xdd: {  	_ = 	snop  }
.LBB2_8:
0xde: {  	_ =	sfence.sel $0x180000  }
0xdf: {  	[bflag:$0x0] =	sbarrier.arrive $0xFFFF  }
0xe0: {  	_ =	strace $0x9000004D  }
0xe1: {  	s0 =	stileid.u32;
	[bflag:$0x2] =	sbarrier.arrive $0xFFFF  }
0xe2: {  	p0 =	sne.s32 s0, $0x0;
	s0 =	rddreg [dreg:$0x2]  }
0xe3: {  	s0 =	sadd.s32 @!p0 $0x100000, s0  }
0xe4: {  	[sflag:s0] =	ssyncadd.tile.s32 @!p0 $0x1;
	_ =	shalt  }
.Lfunc_end2:
_tile_overlayer_lowered:
.L_overlay_start_2:
0xe5: {  	(tag) =	ssettag $0x2  }
0xe6: {  	s0 =	rddreg [dreg:$0x0];
	s2 =	stileid.u32  }
0xe7: {  	s1 =	rddreg [dreg:$0x1];
	p0 =	sne.s32 s2, $0x0  }
0xe8: {  	s3 =	rddreg [dreg:$0x2];
	[bflag:$0x3] =	sbarrier.arrive $0xFFFF;
	s2 =	simm.s32 @!p0 $0x1C07  }
0xe9: {  	[timem:s3], [sflag:s2] =	dma.local @!p0 [hbm:s0], s1  }
0xea: {  	s0 =	simm.s32 @!p0 $0x7  }
0xeb: {  	_ =	swait.ge @!p0 [sflag:s0], s1  }
0xec: {  	s1 =	ssub.s32 @!p0 $0x0, s1;
	[sflag:s0] =	ssyncset.done @!p0 $0x0  }
0xed: {  	[sflag:s0] =	ssyncadd.s32 @!p0 s1  }
0xee: {  	[bflag:$0x3] =	sbarrier.arrive $0xFFFF  }
0xef: {  	_ =	shalt  }

// kernel: kernel.9.cloned.1.call-start
scs
__scs_entry_jumppad:
0x0: {  	(pc) =	sbr.rel $0x88, $3  }
0x1: {  	(tag) =	ssettag $0x0;
	lr =	simm.s32 $0x1  }
0x2: {  	[smem:$0x3F9E] =	sst lr;
	_ =	strace $0xD0000000  }
0x3: {  	_ = 	snop  }
0x4: {  	_ = 	snop  }
0x5: {  	_ = 	snop  }
0x6: {  	_ = 	snop  }
0x7: {  	_ = 	snop  }
__scs_overlays_trampoline_lowered:
0x8: {  	[smem:$0x3FAD] =	sst s0  }
0x9: {  	[smem:$0x3FAE] =	sst s1  }
0xa: {  	[smem:$0x3FAF] =	sst s2  }
0xb: {  	[smem:$0x3FB0] =	sst s3  }
0xc: {  	[smem:$0x3FB1] =	sst s4  }
0xd: {  	[smem:$0x3FB2] =	sst s5  }
0xe: {  	[smem:$0x3FB3] =	sst s6  }
0xf: {  	[smem:$0x3FB4] =	sst s7  }
0x10: {  	[smem:$0x3FB5] =	sst s8  }
0x11: {  	[smem:$0x3FB6] =	sst s9;
	s0 =	simm.s32 @!p0 $0x0  }
0x12: {  	s1 =	sld [smem:$0x3F9C];
	s0 =	simm.s32 @p0 $0x1  }
0x13: {  	[smem:$0x3FB7] =	sst s0;
	s0 =	simm.s32 @!p1 $0x0  }
0x14: {  	s2 =	sld [smem:$0x3F9B];
	s0 =	simm.s32 @p1 $0x1  }
0x15: {  	[smem:$0x3FB8] =	sst s0;
	s0 =	simm.s32 @!p2 $0x0  }
0x16: {  	s3 =	sld [smem:$0x3FDB];
	s0 =	simm.s32 @p2 $0x1  }
0x17: {  	s4 =	simm.s32 $0x1BF5;
	[smem:$0x3FBA] =	sst s0  }
0x18: {  	s0 =	sld [smem:$0x3F9D];
	_ =	swait.ge [sflag:s4], $0x0  }
0x19: {  	s7 =	sld [smem:$0x3F9E]  }
0x1a: {  	s8 =	sadd.s32 $0xFFFFE003, lr  }
0x1b: {  	s9 =	sadd.s32 $0xFFFFFEF7, lr;
	s5 =	simm.s32 $0xFFFFFFFF;
	p2 =	slt.u32 s8, $0xFFFFF086  }
0x1c: {  	p1 =	slt.u32 s9, $0xF7A;
	s5 =	simm.s32 @!p2 $0x0  }
0x1d: {  	s5 =	simm.s32 @p1 $0x1;
	p0 =	seq.s32 s7, s2  }
0x1e: {  	s7 =	smul.u32 @!p0 $0xF7A, s2;
	p2 =	seq.s32 @!p0 s5, $0x0  }
0x1f: {  	s9 =	smul.u32 $0xF7A, s1;
	s8 =	simm.s32 @!p0 $0x1BF5;
	p2 =	por !p2, p0  }
0x20: {  	[sflag:s8] =	ssyncset.s32 @!p0 $0xFFFFF086;
	s6 =	sadd.s32 @!p0 s3, s7;
	s7 =	simm.s32 @!p0 $0x108  }
0x21: {  	s3 =	sadd.s32 s3, s9;
	s6 =	sadd.s32 @!p0 $0x88, s6;
	s7 =	simm.s32 @p2 $0x1082  }
0x22: {  	[simem:s7], [sflag:s8] =	dma.local @!p0 [hbm:s6], $0xF7A  }
0x23: {  	s9 =	sor.u32 $0xD0000000, s2;
	s6 =	simm.s32 $0x108;
	_ =	swait.ge @!p0 [sflag:s8], $0x0  }
0x24: {  	s3 =	sadd.s32 $0x88, s3;
	s6 =	simm.s32 @!p1 $0x1082;
	[sflag:s4] =	ssyncset.s32 $0xFFFFF086  }
0x25: {  	[simem:s6], [sflag:s4] =	dma.local [hbm:s3], $0xF7A  }
0x26: {  	[smem:$0x3F9E] =	sst s1;
	(tag) =	ssettag s2;
	_ =	strace s9  }
0x27: {  	s1 =	sld [smem:$0x3FAE]  }
0x28: {  	s2 =	sld [smem:$0x3FAF]  }
0x29: {  	s4 =	sld [smem:$0x3FB1]  }
0x2a: {  	p0 =	seq.s32 s5, $0x0;
	s5 =	sld [smem:$0x3FB2]  }
0x2b: {  	s6 =	sld [smem:$0x3FB3]  }
0x2c: {  	s7 =	sld [smem:$0x3FB4]  }
0x2d: {  	s3 =	simm.s32 $0x108;
	s8 =	sld [smem:$0x3FB5]  }
0x2e: {  	s3 =	simm.s32 @!p0 $0x1082;
	s9 =	sld [smem:$0x3FB6]  }
0x2f: {  	lr =	sadd.s32 s0, s3;
	s0 =	sld [smem:$0x3FAD]  }
0x30: {  	s3 =	sld [smem:$0x3FB0]  }
0x31: {  	[smem:$0x3FB9] =	sst s10  }
0x32: {  	s10 =	sld [smem:$0x3FB7];
	_ =	sdelay $0x3  }
0x33: {  	p0 =	seq.s32 s10, $0x1;
	s10 =	sld [smem:$0x3FB9];
	_ =	sdelay $0x3  }
0x34: {  	[smem:$0x3FB9] =	sst s10  }
0x35: {  	s10 =	sld [smem:$0x3FB8];
	_ =	sdelay $0x3  }
0x36: {  	p1 =	seq.s32 s10, $0x1;
	s10 =	sld [smem:$0x3FB9];
	_ =	sdelay $0x3  }
0x37: {  	[smem:$0x3FB9] =	sst s10  }
0x38: {  	s10 =	sld [smem:$0x3FBA]  }
0x39: {  	_ = 	snop;
	(pc) =	sbr.ind lr, $3  }
0x3a: {  	_ = 	snop  }
0x3b: {  	_ = 	snop  }
0x3c: {  	p2 =	seq.s32 s10, $0x1;
	s10 =	sld [smem:$0x3FB9]  }
0x3d: {  	_ =	shalt  }
0x3e: {  	_ =	shalt  }
0x3f: {  	_ =	shalt  }
0x40: {  	_ =	shalt  }
0x41: {  	_ =	shalt  }
0x42: {  	_ =	shalt  }
0x43: {  	_ =	shalt  }
0x44: {  	_ =	shalt  }
0x45: {  	_ =	shalt  }
0x46: {  	_ =	shalt  }
0x47: {  	_ =	shalt  }
0x48: {  	_ =	shalt  }
0x49: {  	_ =	shalt  }
0x4a: {  	_ =	shalt  }
0x4b: {  	_ =	shalt  }
0x4c: {  	_ =	shalt  }
0x4d: {  	_ =	shalt  }
0x4e: {  	_ =	shalt  }
0x4f: {  	_ =	shalt  }
0x50: {  	_ =	shalt  }
0x51: {  	_ =	shalt  }
0x52: {  	_ =	shalt  }
0x53: {  	_ =	shalt  }
0x54: {  	_ =	shalt  }
0x55: {  	_ =	shalt  }
0x56: {  	_ =	shalt  }
0x57: {  	_ =	shalt  }
0x58: {  	_ =	shalt  }
0x59: {  	_ =	shalt  }
0x5a: {  	_ =	shalt  }
0x5b: {  	_ =	shalt  }
0x5c: {  	_ =	shalt  }
0x5d: {  	_ =	shalt  }
0x5e: {  	_ =	shalt  }
0x5f: {  	_ =	shalt  }
0x60: {  	_ =	shalt  }
0x61: {  	_ =	shalt  }
0x62: {  	_ =	shalt  }
0x63: {  	_ =	shalt  }
0x64: {  	_ =	shalt  }
0x65: {  	_ =	shalt  }
0x66: {  	_ =	shalt  }
0x67: {  	_ =	shalt  }
0x68: {  	_ =	shalt  }
0x69: {  	_ =	shalt  }
0x6a: {  	_ =	shalt  }
0x6b: {  	_ =	shalt  }
0x6c: {  	_ =	shalt  }
0x6d: {  	_ =	shalt  }
0x6e: {  	_ =	shalt  }
0x6f: {  	_ =	shalt  }
0x70: {  	_ =	shalt  }
0x71: {  	_ =	shalt  }
0x72: {  	_ =	shalt  }
0x73: {  	_ =	shalt  }
0x74: {  	_ =	shalt  }
0x75: {  	_ =	shalt  }
0x76: {  	_ =	shalt  }
0x77: {  	_ =	shalt  }
0x78: {  	_ =	shalt  }
0x79: {  	_ =	shalt  }
0x7a: {  	_ =	shalt  }
0x7b: {  	_ =	shalt  }
0x7c: {  	_ =	shalt  }
0x7d: {  	_ =	shalt  }
0x7e: {  	_ =	shalt  }
0x7f: {  	_ =	shalt  }
0x80: {  	_ =	shalt  }
0x81: {  	_ =	shalt  }
0x82: {  	_ =	shalt  }
0x83: {  	_ =	shalt  }
0x84: {  	_ =	shalt  }
0x85: {  	_ =	shalt  }
0x86: {  	_ =	shalt  }
0x87: {  	_ =	shalt  }
.Lfunc_end0:
.L_simem_size_0:
called_computation_lowered:
.L_overlay_start_0:
0x88: {  	s2 =	sld [smem:$0x3FD9]  }
0x89: {  	s3 =	sld [smem:$0x3FFE];
	_ =	sdelay $0x1  }
0x8a: {  	s1 =	srdreg.scid  }
0x8b: {  	s0 =	sand.u32 $0x1, s1  }
0x8c: {  	s17 =	sshll.u32 s0, $0xA;
	s2 =	sadd.s32 s3, s2  }
0x8d: {  	s2 =	sadd.s32 s2, s17  }
0x8e: {  	[smem:$0x3FC5] =	sst s2  }
0x8f: {  	_ = 	snop  }
0x90: {  	s2 =	sld [smem:$0x3FD0];
	(tm) =	ssettm $0x1  }
0x91: {  	s18 =	sld [smem:$0x3FFB];
	_ =	sdelay $0x3  }
0x92: {  	_ =	strace s18  }
0x93: {  	s3 =	sld [smem:$0x3FFC];
	_ =	sdelay $0x3  }
0x94: {  	_ =	strace s3  }
0x95: {  	s3 =	sld [smem:$0x3FFD];
	_ =	sdelay $0x3  }
0x96: {  	_ =	strace s3  }
0x97: {  	_ =	strace $0x8FFFFFFF  }
0x98: {  	s19 =	sld [smem:$0x3FDB];
	_ =	sdelay $0x1  }
0x99: {  	s4 =	simm.s32 $_scs_section_size  }
0x9a: {  	s5 =	simm.s32 $_size__tile_overlayer_lowered;
	s6 =	simm.s32 $_tile_overlayer_lowered  }
0x9b: {  	s22 =	simm.s32 $0x1BFF;
	s21 =	sshll.u32 s6, $0x1;
	s3 =	sadd.s32 s4, s19  }
0x9c: {  	s7 =	simm.s32 $0x0;
	s20 =	sshll.u32 s5, $0x1;
	s5 =	sadd.s32 s21, s3  }
0x9d: {  	[timem:s7], [sflag:s22] =	dma.local [hbm:s5], s20  }
0x9e: {  	_ =	swait.ge [sflag:s22], s20  }
0x9f: {  	s4 =	ssub.s32 $0x0, s20;
	[sflag:s22] =	ssyncset.done $0x0  }
0xa0: {  	[sflag:s22] =	ssyncadd.s32 s4;
	_ =	sdelay $0x1  }
0xa1: {  	s23 =	simm.s32 $0x1B8B  }
0xa2: {  	_ =	swait.ge [sflag:s23], $0x1  }
0xa3: {  	[sflag:s23] =	ssyncset.done $0x0  }
0xa4: {  	s25 =	simm.s32 $0x1B8E;
	s24 =	sld [smem:$0x3FFE];
	[sflag:s23] =	ssyncadd.s32 $0xFFFFFFFF  }
0xa5: {  	s26 =	simm.s32 $execute0_lowered;
	[smem:$0x3FD2] =	sst s25  }
0xa6: {  	s5 =	sshll.u32 s26, $0x1;
	_ =	strace $0x80000046;
	[dreg:$0x1] =	wrdreg $0xFFFFFFFF  }
0xa7: {  	s28 =	simm.s32 $_size_execute0_lowered;
	s3 =	sadd.s32 s3, s5;
	[dreg:$0x0] =	wrdreg $0x0  }
0xa8: {  	s5 =	sshll.u32 s28, $0x1;
	[dreg:$0x2] =	wrdreg s3  }
0xa9: {  	[dreg:$0x3] =	wrdreg s5  }
0xaa: {  	[dreg:$0x4] =	wrdreg $0xC0  }
0xab: {  	_ =	task [dreg:s7], $0x5FFFF  }
0xac: {  	[dreg:$0x1] =	wrdreg $0xFFFFFFFF  }
0xad: {  	[dreg:$0x0] =	wrdreg $0x60  }
0xae: {  	[dreg:$0x2] =	wrdreg s2  }
0xaf: {  	[dreg:$0x3] =	wrdreg s24  }
0xb0: {  	[dreg:$0x4] =	wrdreg $0x0  }
0xb1: {  	[dreg:$0x5] =	wrdreg $0x9  }
0xb2: {  	_ =	task.clear_ibuf [dreg:s7], $0x6FFFF;
	_ =	strace $0x90000046  }
0xb3: {  	s29 =	simm.s32 $0x9;
	_ =	strace $0x80000048  }
0xb4: {  	_ =	swait.ge [sflag:s29], $0x1  }
0xb5: {  	[sflag:s29] =	ssyncadd.s32 $0xFFFFFFFF  }
0xb6: {  	_ =	strace $0x90000048  }
0xb7: {  	_ =	sfence  }
0xb8: {  	s30 =	sld [smem:$0x0];
	_ =	sdelay $0x2  }
0xb9: {  	s31 =	sshll.u32 s1, $0xD;
	s1 =	sshrl.u32 s1, $0x2  }
0xba: {  	s3 =	sand.u32 $0x4000, s31;
	s1 =	sadd.s32 s1, s30  }
0xbb: {  	s0 =	sor.u32 s3, s0;
	s1 =	sshll.u32 s1, $0x11  }
0xbc: {  	s0 =	sor.u32 s1, s0  }
0xbd: {  	s0 =	sadd.s32 $0x8F2B, s0  }
0xbe: {  	[sflag:s0] =	ssyncadd.remote.s32 $0x1  }
0xbf: {  	_ =	sfence.sel $0xFFFF  }
0xc0: {  	[dreg:$0x0] =	wrdreg $0xFFFFFFFF;
	(pc) =	sbr.abs _section_cstart, $3  }
0xc1: {  	[dreg:$0x1] =	wrdreg $0xFFFFFFFF  }
0xc2: {  	_ =	task.clear_ibuf [dreg:s7], $0x2FFFF;
	_ =	strace $0x9FFFFFFF  }
0xc3: {  	(tm) =	ssettm $0x7FFFFFFF  }
tec
execute0_lowered:
.L_overlay_start_1:
0x0: {  	(tag) =	ssettag $0x1  }
0x1: {  	s0 =	rddreg [dreg:$0x0]  }
0x2: {  	s1 =	rddreg [dreg:$0x1]  }
0x3: {  	s3 =	srdreg.scid;
	s12 =	stileid.u32  }
0x4: {  	s2 =	rddreg [dreg:$0x2];
	s28 =	simm.s32 $0x2;
	s5 =	smul.u32 $0x2800, s12  }
0x5: {  	s8 =	sand.u32 $0x1, s3;
	s6 =	sshll.u32 s12, $0x1;
	s12 =	smul.u32 $0x4E20, s12  }
0x6: {  	s29 =	simm.s32 $0x4;
	s31 =	simm.s32 $0x0;
	s4 =	smul.u32 $0x28000, s8  }
0x7: {  	s3 =	simm.s32 $0x0;
	s6 =	sor.u32 s8, s6;
	s15 =	smul.u32 $0x2710, s8  }
0x8: {  	[smem:$0x7FF] =	sst s3;
	s9 =	ssub.s32 $0x2, s8;
	s10 =	smul.u32 $0x2710, s6  }
0x9: {  	_ =	strace $0x80000047;
	s19 =	sshrl.u32 s9, $0x1;
	s21 =	smul.u32 $0x4E20, s6  }
0xa: {  	s4 =	sadd.s32 s5, s4;
	s13 =	ssub.s32 s9, s19;
	s5 =	sadd.s32 s5, s2  }
0xb: {  	s25 =	sadd.s32 s15, s12;
	s19 =	simm.s32 $0x5;
	s7 =	sshrl.u32 s4, $0x3  }
0xc: {  	s4 =	sadd.s32 $0x1600, s1;
	s20 =	sshrl.u32 s10, $0x3;
	s11 =	sadd.s32 $0x80, s10  }
0xd: {  	s14 =	sadd.s32 $0x2700, s10;
	s26 =	sadd.s32 $0x180, s25;
	s13 =	smax.u32 s13, $0x1  }
0xe: {  	s1 =	sadd.s32 s7, s1;
	s22 =	sadd.s32 s4, s20;
	s7 =	sadd.s32 s0, s21  }
0xf: {  	s23 =	sshrl.u32 s11, $0x3;
	s11 =	sshll.u32 s11, $0x1;
	s10 =	sshrl.u32 s14, $0x3  }
0x10: {  	s24 =	sshll.u32 s14, $0x1;
	s30 =	sshll.u32 s26, $0x1;
	s14 =	sadd.s32 $0x100, s25  }
0x11: {  	s20 =	simm.s32 $0x5000;
	s21 =	simm.s32 $0x5100;
	s25 =	simm.s32 $0x3  }
0x12: {  	[dreg:$0x4] =	wrdreg s22;
	s8 =	sadd.s32 s4, s23;
	s9 =	sadd.s32 s0, s11  }
0x13: {  	s10 =	sadd.s32 s4, s10;
	s11 =	sadd.s32 s0, s24;
	s12 =	sadd.s32 $0x15000, s1  }
0x14: {  	s15 =	sadd.s32 s30, s0;
	s1 =	sshrl.u32 s26, $0x3;
	s17 =	sshll.u32 s14, $0x1  }
0x15: {  	s22 =	simm.s32 $0x5080;
	s23 =	simm.s32 $0x5900;
	s24 =	simm.s32 $0x1  }
0x16: {  	v0 =	vimm.f32 $0.0e+00;
	s26 =	simm.s32 $0x80;
	s16 =	sadd.s32 s1, s4;
	s17 =	sadd.s32 s17, s0  }
.LBB2_1:
0x17: {  	s0 =	simm.s32 $0x40;
	s1 =	simm.s32 $0x0  }
.LBB2_2:
0x18: {  	p0 =	sne.s32 s0, $0x9FC0;
	[tilespmem:s1+$0x2800] =	vst v0;
	s1 =	smov.u32 s0;
	s0 =	sadd.s32 $0x40, s0  }
.Ltmp0:
0x19: {  	(pc) =	sbr.rel @p0 .LBB2_2-.Ltmp0, $2  }
0x1a: {  	_ =	sdelay $0x2  }
0x1b: {  	s1 =	sshra.s32 s1, $0x2  }
0x1c: {  	[tilespmem:s1+$0x2800] =	vst v0;
	s0 =	simm.s32 $0x2800  }
0x1d: {  	[spmem:s5] =	stream.linear.scatter [tilespmem:s0], [sflag:$0x5], $0x2800, $0x38;
	[tilespmem:$0x6100] =	vst v63  }
0x1e: {  	_ =	swait.ge [sflag:s19], $0x2800  }
0x1f: {  	[sflag:s19] =	ssyncset.done $0x0  }
0x20: {  	[sflag:s19] =	ssyncadd.s32 $0xFFFFD800  }
0x21: {  	[bflag:$0x0] =	sbarrier.arrive $0xFFFF  }
0x22: {  	s6 =	simm.s32 $0x0;
	s18 =	rddreg [dreg:$0x4]  }
0x23: {  	[tilespmem:s20], [sflag:$0x1] =	stream.linear.gather [hbm4b:s18+s6], $0x80, $0x38;
	[tilespmem:$0x6100] =	vst v63  }
0x24: {  	_ = 	snop  }
0x25: {  	[tilespmem:s21], [sflag:$0x3] =	stream.linear.gather [hbm4b:s7+s6], $0x800, $0x38;
	[tilespmem:$0x6100] =	vst v63  }
0x26: {  	_ = 	snop  }
0x27: {  	[tilespmem:s22], [sflag:$0x2] =	stream.linear.gather [hbm4b:s8+s6], $0x80, $0x38;
	[tilespmem:$0x6100] =	vst v63  }
0x28: {  	_ = 	snop  }
0x29: {  	[tilespmem:s23], [sflag:$0x4] =	stream.linear.gather [hbm4b:s9+s6], $0x800, $0x38;
	[tilespmem:$0x6100] =	vst v63  }
0x2a: {  	_ =	swait.ge [sflag:s24], $0x80  }
0x2b: {  	[sflag:s24] =	ssyncset.done $0x0  }
0x2c: {  	[sflag:s24] =	ssyncadd.s32 $0xFFFFFF80  }
0x2d: {  	_ =	swait.ge [sflag:s25], $0x800  }
0x2e: {  	[sflag:s25] =	ssyncset.done $0x0  }
0x2f: {  	[sflag:s25] =	ssyncadd.s32 $0xFFFFF800  }
0x30: {  	[spmem:s2] =	stream.indirect.scatter.add.f32 [tilespmem:s21], [sflag:$0x5], $0x10, s20, s26, $0xb8;
	[tilespmem:$0x6100] =	vst v63  }
0x31: {  	_ =	swait.ge [sflag:s19], $0x800  }
0x32: {  	s6 =	sshrl.u32 s14, $0x3;
	[sflag:s19] =	ssyncset.done $0x0  }
0x33: {  	s0 =	sadd.s32 s4, s6;
	[sflag:s19] =	ssyncadd.s32 $0xFFFFF800  }
0x34: {  	[tilespmem:s20], [sflag:$0x1] =	stream.linear.gather [hbm4b:s0+s3], $0x80, $0x38;
	[tilespmem:$0x6100] =	vst v63  }
0x35: {  	s18 =	sadd.s32 $0x0, s17  }
0x36: {  	[tilespmem:s21], [sflag:$0x3] =	stream.linear.gather [hbm4b:s18+s3], $0x800, $0x38;
	[tilespmem:$0x6100] =	vst v63  }
0x37: {  	_ =	swait.ge [sflag:s28], $0x80  }
0x38: {  	[sflag:s28] =	ssyncset.done $0x0  }
0x39: {  	[sflag:s28] =	ssyncadd.s32 $0xFFFFFF80  }
0x3a: {  	_ =	swait.ge [sflag:s29], $0x800  }
0x3b: {  	[sflag:s29] =	ssyncset.done $0x0  }
0x3c: {  	[sflag:s29] =	ssyncadd.s32 $0xFFFFF800  }
0x3d: {  	[spmem:s2] =	stream.indirect.scatter.add.f32 [tilespmem:s23], [sflag:$0x5], $0x10, s22, s26, $0xb8;
	[tilespmem:$0x6100] =	vst v63  }
0x3e: {  	_ =	swait.ge [sflag:s19], $0x800  }
0x3f: {  	s1 =	simm.s32 $0x200;
	s30 =	sadd.s32 $0x0, s15;
	[sflag:s19] =	ssyncset.done $0x0  }
0x40: {  	s0 =	sadd.s32 $0x20, s16;
	s18 =	sadd.s32 $0x100, s14;
	[sflag:s19] =	ssyncadd.s32 $0xFFFFF800  }
0x41: {  	[tilespmem:s22], [sflag:$0x2] =	stream.linear.gather [hbm4b:s16+s3], $0x80, $0x38;
	[tilespmem:$0x6100] =	vst v63  }
.LBB2_4:
0x42: {  	[tilespmem:s23], [sflag:$0x4] =	stream.linear.gather [hbm4b:s30+s3], $0x800, $0x38;
	[tilespmem:$0x6100] =	vst v63  }
0x43: {  	s30 =	smov.u32 s1  }
0x44: {  	p0 =	sne.s32 s1, $0x4A00;
	s1 =	sadd.s32 $0x200, s1;
	_ =	swait.ge [sflag:s24], $0x80  }
0x45: {  	[sflag:s24] =	ssyncset.done $0x0  }
0x46: {  	[sflag:s24] =	ssyncadd.s32 $0xFFFFFF80  }
0x47: {  	_ =	swait.ge [sflag:s25], $0x800  }
0x48: {  	[sflag:s25] =	ssyncset.done $0x0  }
0x49: {  	[sflag:s25] =	ssyncadd.s32 $0xFFFFF800  }
0x4a: {  	[spmem:s2] =	stream.indirect.scatter.add.f32 [tilespmem:s21], [sflag:$0x5], $0x10, s20, s26, $0xb8;
	[tilespmem:$0x6100] =	vst v63  }
0x4b: {  	_ =	swait.ge [sflag:s19], $0x800  }
0x4c: {  	s6 =	sshrl.u32 s18, $0x3;
	[sflag:s19] =	ssyncset.done $0x0  }
0x4d: {  	s6 =	sadd.s32 s4, s6;
	[sflag:s19] =	ssyncadd.s32 $0xFFFFF800  }
0x4e: {  	[tilespmem:s20], [sflag:$0x1] =	stream.linear.gather [hbm4b:s6+s3], $0x80, $0x38;
	[tilespmem:$0x6100] =	vst v63  }
0x4f: {  	s6 =	sadd.s32 s30, s17  }
0x50: {  	[tilespmem:s21], [sflag:$0x3] =	stream.linear.gather [hbm4b:s6+s3], $0x800, $0x38;
	[tilespmem:$0x6100] =	vst v63  }
0x51: {  	_ =	swait.ge [sflag:s28], $0x80  }
0x52: {  	[sflag:s28] =	ssyncset.done $0x0  }
0x53: {  	[sflag:s28] =	ssyncadd.s32 $0xFFFFFF80  }
0x54: {  	_ =	swait.ge [sflag:s29], $0x800  }
0x55: {  	[sflag:s29] =	ssyncset.done $0x0  }
0x56: {  	[sflag:s29] =	ssyncadd.s32 $0xFFFFF800  }
0x57: {  	[spmem:s2] =	stream.indirect.scatter.add.f32 [tilespmem:s23], [sflag:$0x5], $0x10, s22, s26, $0xb8;
	[tilespmem:$0x6100] =	vst v63  }
.Ltmp1:
0x58: {  	_ =	swait.ge [sflag:s19], $0x800;
	(pc) =	sbr.rel @p0 .LBB2_4-.Ltmp1, $4  }
0x59: {  	[sflag:s19] =	ssyncset.done $0x0  }
0x5a: {  	[sflag:s19] =	ssyncadd.s32 $0xFFFFF800  }
0x5b: {  	[tilespmem:s22], [sflag:$0x2] =	stream.linear.gather [hbm4b:s0+s3], $0x80, $0x38;
	[tilespmem:$0x6100] =	vst v63  }
0x5c: {  	s18 =	sadd.s32 $0x100, s18;
	s30 =	sadd.s32 s30, s15;
	s0 =	sadd.s32 $0x20, s0  }
0x5d: {  	[tilespmem:s23], [sflag:$0x4] =	stream.linear.gather [hbm4b:s30+s3], $0x800, $0x38;
	[tilespmem:$0x6100] =	vst v63  }
0x5e: {  	_ =	swait.ge [sflag:s24], $0x80  }
0x5f: {  	[sflag:s24] =	ssyncset.done $0x0  }
0x60: {  	[sflag:s24] =	ssyncadd.s32 $0xFFFFFF80  }
0x61: {  	_ =	swait.ge [sflag:s25], $0x800  }
0x62: {  	[sflag:s25] =	ssyncset.done $0x0  }
0x63: {  	[sflag:s25] =	ssyncadd.s32 $0xFFFFF800  }
0x64: {  	[spmem:s2] =	stream.indirect.scatter.add.f32 [tilespmem:s21], [sflag:$0x5], $0x10, s20, s26, $0xb8;
	[tilespmem:$0x6100] =	vst v63  }
0x65: {  	_ =	swait.ge [sflag:s19], $0x800  }
0x66: {  	[sflag:s19] =	ssyncset.done $0x0  }
0x67: {  	[sflag:s19] =	ssyncadd.s32 $0xFFFFF800  }
0x68: {  	_ =	swait.ge [sflag:s28], $0x80  }
0x69: {  	[sflag:s28] =	ssyncset.done $0x0  }
0x6a: {  	[sflag:s28] =	ssyncadd.s32 $0xFFFFFF80  }
0x6b: {  	_ =	swait.ge [sflag:s29], $0x800  }
0x6c: {  	[sflag:s29] =	ssyncset.done $0x0  }
0x6d: {  	[sflag:s29] =	ssyncadd.s32 $0xFFFFF800  }
0x6e: {  	[spmem:s2] =	stream.indirect.scatter.add.f32 [tilespmem:s23], [sflag:$0x5], $0x10, s22, s26, $0xb8;
	[tilespmem:$0x6100] =	vst v63  }
0x6f: {  	_ =	swait.ge [sflag:s19], $0x800  }
0x70: {  	[sflag:s19] =	ssyncset.done $0x0  }
0x71: {  	[sflag:s19] =	ssyncadd.s32 $0xFFFFF800  }
0x72: {  	[tilespmem:s20], [sflag:$0x5] =	stream.linear.gather [hbm4b:s10+s3], $0x10, $0x38;
	[tilespmem:$0x6100] =	vst v63  }
0x73: {  	_ =	swait.ge [sflag:s19], $0x10  }
0x74: {  	[sflag:s19] =	ssyncset.done $0x0  }
0x75: {  	[sflag:s19] =	ssyncadd.s32 $0xFFFFFFF0  }
0x76: {  	[tilespmem:s21], [sflag:$0x5] =	stream.linear.gather [hbm4b:s11+s3], $0x100, $0x38;
	[tilespmem:$0x6100] =	vst v63  }
0x77: {  	_ =	swait.ge [sflag:s19], $0x100  }
0x78: {  	[sflag:s19] =	ssyncset.done $0x0  }
0x79: {  	s0 =	simm.s32 $0x10;
	[sflag:s19] =	ssyncadd.s32 $0xFFFFFF00  }
0x7a: {  	[spmem:s2] =	stream.indirect.scatter.add.f32 [tilespmem:s21], [sflag:$0x5], $0x10, s20, s0, $0xb8;
	[tilespmem:$0x6100] =	vst v63  }
0x7b: {  	s30 =	stileid.u32;
	_ =	swait.ge [sflag:s19], $0x100  }
0x7c: {  	s1 =	sshrl.u32 s5, $0x3;
	s31 =	sadd.s32 $0x1, s31;
	[sflag:s19] =	ssyncset.done $0x0  }
0x7d: {  	p0 =	sne.s32 s31, s13;
	s0 =	sshll.u32 s30, $0x6;
	[sflag:s19] =	ssyncadd.s32 $0xFFFFFF00  }
.Ltmp2:
0x7e: {  	s0 =	sor.u32 $0x1C05, s0;
	[bflag:$0x0] =	sbarrier.arrive $0xFFFF;
	(pc) =	sbr.rel @p0 .LBB2_1-.Ltmp2, $4  }
0x7f: {  	[hbm:s12], [sflag:s0] =	dma.local [spmem:s1], $0x500  }
0x80: {  	_ =	swait.ge [sflag:s19], $0x500  }
0x81: {  	[sflag:s19] =	ssyncset.done $0x0  }
0x82: {  	[sflag:s19] =	ssyncadd.s32 $0xFFFFFB00  }
0x83: {  	_ =	sfence.sel $0x180000  }
0x84: {  	[bflag:$0x0] =	sbarrier.arrive $0xFFFF  }
0x85: {  	_ =	strace $0x90000047  }
0x86: {  	s0 =	stileid.u32;
	[bflag:$0x2] =	sbarrier.arrive $0xFFFF  }
0x87: {  	p0 =	sne.s32 s0, $0x0;
	s0 =	rddreg [dreg:$0x3]  }
0x88: {  	s0 =	sadd.s32 @!p0 $0x100000, s0  }
0x89: {  	[sflag:s0] =	ssyncadd.tile.s32 @!p0 $0x1;
	_ =	shalt  }
.Lfunc_end2:
_tile_overlayer_lowered:
.L_overlay_start_2:
0x8a: {  	(tag) =	ssettag $0x2  }
0x8b: {  	s0 =	rddreg [dreg:$0x0];
	s2 =	stileid.u32  }
0x8c: {  	s1 =	rddreg [dreg:$0x1];
	p0 =	sne.s32 s2, $0x0  }
0x8d: {  	s3 =	rddreg [dreg:$0x2];
	[bflag:$0x3] =	sbarrier.arrive $0xFFFF;
	s2 =	simm.s32 @!p0 $0x1C05  }
0x8e: {  	[timem:s3], [sflag:s2] =	dma.local @!p0 [hbm:s0], s1  }
0x8f: {  	s0 =	simm.s32 @!p0 $0x5  }
0x90: {  	_ =	swait.ge @!p0 [sflag:s0], s1  }
0x91: {  	s1 =	ssub.s32 @!p0 $0x0, s1;
	[sflag:s0] =	ssyncset.done @!p0 $0x0  }
0x92: {  	[sflag:s0] =	ssyncadd.s32 @!p0 s1  }
0x93: {  	[bflag:$0x3] =	sbarrier.arrive $0xFFFF  }
0x94: {  	_ =	shalt  }

</sc_bundles>
